<compile_context>
chip_gen: v7x
topology: tpu7x:2x2x1
jax: 0.10.2.dev20260603
libtpu: 0.0.44.dev20260713+nightly
codegen_flags: <defaults>
</compile_context>

<pallas_src>
import functools

import jax
import jax.numpy as jnp
from jax import lax
from jax.experimental import pallas as pl
from jax.experimental.pallas import tpu as pltpu
from jax.experimental.pallas import tpu_sc as plsc

N = 10000
E = 160000
D = 256
G = 64
C = 10

NC = 2
NS = 16
DH = D // NC
EP = E // NS
K = 80
NCHUNK = EP // K
NPAD = 10240
TSLAB = NPAD // NS
KC = 40
EPC = E // (NC * NS)
NCHUNKC = EPC // KC
BLK = 1000
NBLK = N // BLK


def _make_sc_cnt():
    out_type = (jax.ShapeDtypeStruct((NPAD, DH), jnp.float32),
                jax.ShapeDtypeStruct((NPAD, DH), jnp.float32))

    scratch = dict(
        acc_cnt=pltpu.VMEM_SHARED((NPAD, DH), jnp.float32),
        idx_d=pltpu.VMEM((1, KC), jnp.int32),
        ones=pltpu.VMEM((KC, DH), jnp.float32),
    )

    def body(dst, orow, c0_out, c1_out, **scr):
        acc_cnt = scr["acc_cnt"]
        idx_d, ones = scr["idx_d"], scr["ones"]

        cid = lax.axis_index("c")
        tid = lax.axis_index("s")

        r0 = tid * TSLAB

        def zero_cnt(cch, _):
            zb = r0 + cch * KC
            pltpu.sync_copy(orow.at[pl.ds(KC, KC)], ones)
            pltpu.sync_copy(ones, acc_cnt.at[pl.ds(zb, KC)])
            return 0
        lax.fori_loop(0, TSLAB // KC, zero_cnt, 0)
        pltpu.sync_copy(orow.at[pl.ds(0, KC)], ones)

        plsc.subcore_barrier()

        def chunk(j, _):
            base = cid * (E // NC) + tid * EPC + j * KC
            pltpu.sync_copy(dst.at[pl.ds(base, KC)], idx_d.at[0])
            pltpu.sync_copy(ones, acc_cnt.at[idx_d.at[0]], add=True)
            return 0

        lax.fori_loop(0, NCHUNKC, chunk, 0)

        plsc.subcore_barrier()

        @pl.when(cid == 0)
        def _():
            pltpu.sync_copy(acc_cnt.at[pl.ds(r0, TSLAB)],
                            c0_out.at[pl.ds(r0, TSLAB)])

        @pl.when(cid == 1)
        def _():
            pltpu.sync_copy(acc_cnt.at[pl.ds(r0, TSLAB)],
                            c1_out.at[pl.ds(r0, TSLAB)])

    mesh = plsc.VectorSubcoreMesh(core_axis_name="c", subcore_axis_name="s",
                                  num_cores=NC, num_subcores=NS)
    return pl.kernel(body, out_type=out_type, mesh=mesh,
                     scratch_types=scratch)


def _make_sc_agg():
    out_type = (jax.ShapeDtypeStruct((NPAD, DH), jnp.float32),
                jax.ShapeDtypeStruct((NPAD, DH), jnp.float32))

    scratch = dict(
        acc=pltpu.VMEM_SHARED((NPAD, DH), jnp.float32),
        idx_sa=pltpu.VMEM((1, K), jnp.int32),
        idx_da=pltpu.VMEM((1, K), jnp.int32),
        rows_a=pltpu.VMEM((K, DH), jnp.float32),
        idx_sb=pltpu.VMEM((1, K), jnp.int32),
        idx_db=pltpu.VMEM((1, K), jnp.int32),
        rows_b=pltpu.VMEM((K, DH), jnp.float32),
        sem_a=pltpu.SemaphoreType.DMA,
        sem_b=pltpu.SemaphoreType.DMA,
    )

    def body(xl0, xl1, src, dst, zrow, s0_out, s1_out, **scr):
        acc = scr["acc"]
        bufs = ((scr["idx_sa"], scr["idx_da"], scr["rows_a"], scr["sem_a"]),
                (scr["idx_sb"], scr["idx_db"], scr["rows_b"], scr["sem_b"]))

        cid = lax.axis_index("c")
        tid = lax.axis_index("s")

        r0 = tid * TSLAB
        rows0 = bufs[0][2]

        def zero_acc(cch, _):
            zb = r0 + cch * K
            pltpu.sync_copy(zrow.at[pl.ds(zb, K)], rows0)
            pltpu.sync_copy(rows0, acc.at[pl.ds(zb, K)])
            return 0
        lax.fori_loop(0, TSLAB // K, zero_acc, 0)

        plsc.subcore_barrier()

        def load_idx(j, b):
            base = tid * EP + j * K
            pltpu.sync_copy(src.at[pl.ds(base, K)], b[0].at[0])
            pltpu.sync_copy(dst.at[pl.ds(base, K)], b[1].at[0])

        def start_gather(b):
            @pl.when(cid == 0)
            def _():
                pltpu.async_copy(xl0.at[b[0].at[0]], b[2], b[3])

            @pl.when(cid == 1)
            def _():
                pltpu.async_copy(xl1.at[b[0].at[0]], b[2], b[3])

        def wait_gather(b):
            @pl.when(cid == 0)
            def _():
                pltpu.make_async_copy(xl0.at[b[0].at[0]], b[2], b[3]).wait()

            @pl.when(cid == 1)
            def _():
                pltpu.make_async_copy(xl1.at[b[0].at[0]], b[2], b[3]).wait()

        load_idx(0, bufs[0])
        start_gather(bufs[0])

        def chunk(j, _):
            def step(cur, nxt):
                @pl.when(j + 1 < NCHUNK)
                def _():
                    load_idx(j + 1, nxt)
                    start_gather(nxt)
                wait_gather(cur)
                pltpu.sync_copy(cur[2], acc.at[cur[1].at[0]], add=True)

            @pl.when(j % 2 == 0)
            def _():
                step(bufs[0], bufs[1])

            @pl.when(j % 2 == 1)
            def _():
                step(bufs[1], bufs[0])
            return 0

        lax.fori_loop(0, NCHUNK, chunk, 0)

        plsc.subcore_barrier()

        @pl.when(cid == 0)
        def _():
            pltpu.sync_copy(acc.at[pl.ds(r0, TSLAB)],
                            s0_out.at[pl.ds(r0, TSLAB)])

        @pl.when(cid == 1)
        def _():
            pltpu.sync_copy(acc.at[pl.ds(r0, TSLAB)],
                            s1_out.at[pl.ds(r0, TSLAB)])

    mesh = plsc.VectorSubcoreMesh(core_axis_name="c", subcore_axis_name="s",
                                  num_cores=NC, num_subcores=NS)
    return pl.kernel(body, out_type=out_type, mesh=mesh,
                     scratch_types=scratch)


@functools.lru_cache(maxsize=None)
def _sc_cached(kind: str):
    return _make_sc_cnt() if kind == "cnt" else _make_sc_agg()


def _dotT(a, w):
    return lax.dot_general(a, w, (((1,), (1,)), ((), ())),
                           preferred_element_type=jnp.float32)


def _k1_body(x_ref, wl_ref, out0_ref, out1_ref):
    y = _dotT(x_ref[...], wl_ref[...])
    out0_ref[...] = y[:, :DH]
    out1_ref[...] = y[:, DH:]


def _k1(x, wl1):
    return pl.pallas_call(
        _k1_body,
        grid=(NBLK,),
        in_specs=[
            pl.BlockSpec((BLK, D), lambda i: (i, 0)),
            pl.BlockSpec((D, D), lambda i: (0, 0)),
        ],
        out_specs=[
            pl.BlockSpec((BLK, DH), lambda i: (i, 0)),
            pl.BlockSpec((BLK, DH), lambda i: (i, 0)),
        ],
        out_shape=[
            jax.ShapeDtypeStruct((N, DH), jnp.float32),
            jax.ShapeDtypeStruct((N, DH), jnp.float32),
        ],
    )(x, wl1)


def _k2_body(s0_ref, s1_ref, cnt_ref, x_ref, wr_ref, bl_ref, wl2_ref,
             h_ref, xl20_ref, xl21_ref):
    s = jnp.concatenate([s0_ref[...], s1_ref[...]], axis=1)
    recip = 1.0 / jnp.maximum(cnt_ref[:, 0:1], 1.0)
    h = s * recip + _dotT(x_ref[...], wr_ref[...]) + bl_ref[...]
    h = jnp.maximum(h, 0.0)
    h_ref[...] = h
    y2 = _dotT(h, wl2_ref[...])
    xl20_ref[...] = y2[:, :DH]
    xl21_ref[...] = y2[:, DH:]


def _k2(s0, s1, cntw, x, wr1, bl1, wl2):
    return pl.pallas_call(
        _k2_body,
        grid=(NBLK,),
        in_specs=[
            pl.BlockSpec((BLK, DH), lambda i: (i, 0)),
            pl.BlockSpec((BLK, DH), lambda i: (i, 0)),
            pl.BlockSpec((BLK, 16), lambda i: (i, 0)),
            pl.BlockSpec((BLK, D), lambda i: (i, 0)),
            pl.BlockSpec((D, D), lambda i: (0, 0)),
            pl.BlockSpec((1, D), lambda i: (0, 0)),
            pl.BlockSpec((D, D), lambda i: (0, 0)),
        ],
        out_specs=[
            pl.BlockSpec((BLK, D), lambda i: (i, 0)),
            pl.BlockSpec((BLK, DH), lambda i: (i, 0)),
            pl.BlockSpec((BLK, DH), lambda i: (i, 0)),
        ],
        out_shape=[
            jax.ShapeDtypeStruct((N, D), jnp.float32),
            jax.ShapeDtypeStruct((N, DH), jnp.float32),
            jax.ShapeDtypeStruct((N, DH), jnp.float32),
        ],
    )(s0, s1, cntw, x, wr1, bl1, wl2)


def _k3_body(s0_ref, s1_ref, cnt_ref, h1_ref, wr_ref, bl_ref, batch_ref,
             w1_ref, b1_ref, w2_ref, b2_ref, w3_ref, b3_ref,
             out_ref, pool_ref):
    i = pl.program_id(0)

    @pl.when(i == 0)
    def _():
        pool_ref[...] = jnp.zeros((G, D), jnp.float32)

    s = jnp.concatenate([s0_ref[...], s1_ref[...]], axis=1)
    recip = 1.0 / jnp.maximum(cnt_ref[:, 0:1], 1.0)
    h = s * recip + _dotT(h1_ref[...], wr_ref[...]) + bl_ref[...]
    h = jnp.maximum(h, 0.0)

    bcol = batch_ref[...]
    g0 = batch_ref[0, 0]
    g1 = batch_ref[BLK - 1, 0]

    def upd(g, _):
        mask = bcol == g
        contrib = jnp.max(jnp.where(mask, h, 0.0), axis=0, keepdims=True)
        cur = pool_ref[pl.ds(g, 1), :]
        pool_ref[pl.ds(g, 1), :] = jnp.maximum(cur, contrib)
        return 0

    lax.fori_loop(g0, g1 + 1, upd, 0)

    @pl.when(i == NBLK - 1)
    def _():
        p = pool_ref[...]
        a = jnp.maximum(_dotT(p, w1_ref[...]) + b1_ref[...], 0.0)
        a = jnp.maximum(_dotT(a, w2_ref[...]) + b2_ref[...], 0.0)
        lg = _dotT(a, w3_ref[...]) + b3_ref[...]
        m = jnp.max(lg, axis=1, keepdims=True)
        lse = m + jnp.log(jnp.sum(jnp.exp(lg - m), axis=1, keepdims=True))
        out_ref[...] = lg - lse


def _k3(s0, s1, cntw, h1, wr2, bl2, batchc, w1, b1, w2, b2, w3, b3):
    return pl.pallas_call(
        _k3_body,
        grid=(NBLK,),
        in_specs=[
            pl.BlockSpec((BLK, DH), lambda i: (i, 0)),
            pl.BlockSpec((BLK, DH), lambda i: (i, 0)),
            pl.BlockSpec((BLK, 16), lambda i: (i, 0)),
            pl.BlockSpec((BLK, D), lambda i: (i, 0)),
            pl.BlockSpec((D, D), lambda i: (0, 0)),
            pl.BlockSpec((1, D), lambda i: (0, 0)),
            pl.BlockSpec((BLK, 1), lambda i: (i, 0)),
            pl.BlockSpec((128, D), lambda i: (0, 0)),
            pl.BlockSpec((1, 128), lambda i: (0, 0)),
            pl.BlockSpec((32, 128), lambda i: (0, 0)),
            pl.BlockSpec((1, 32), lambda i: (0, 0)),
            pl.BlockSpec((C, 32), lambda i: (0, 0)),
            pl.BlockSpec((1, C), lambda i: (0, 0)),
        ],
        out_specs=pl.BlockSpec((G, C), lambda i: (0, 0)),
        out_shape=jax.ShapeDtypeStruct((G, C), jnp.float32),
        scratch_shapes=[pltpu.VMEM((G, D), jnp.float32)],
    )(s0, s1, cntw, h1, wr2, bl2, batchc, w1, b1, w2, b2, w3, b3)


def kernel(x, edge_index, batch, Wl1, bl1, Wr1, Wl2, bl2, Wr2,
           W1, b1, W2, b2, W3, b3):
    src = edge_index[0]
    dst = edge_index[1]
    batchc = batch.reshape(N, 1)

    zrow = jnp.zeros((NPAD, DH), jnp.float32)
    orow = jnp.concatenate([jnp.ones((KC, DH), jnp.float32),
                            jnp.zeros((KC, DH), jnp.float32)], axis=0)

    xl10, xl11 = _k1(x, Wl1)
    c0, c1 = _sc_cached("cnt")(dst, orow)
    cntw = (c0[:N, :16] + c1[:N, :16])
    s10p, s11p = _sc_cached("agg")(xl10, xl11, src, dst, zrow)
    h1, xl20, xl21 = _k2(s10p[:N], s11p[:N], cntw, x, Wr1,
                         bl1.reshape(1, D), Wl2)
    s20p, s21p = _sc_cached("agg")(xl20, xl21, src, dst, zrow)
    logits = _k3(s20p[:N], s21p[:N], cntw, h1, Wr2, bl2.reshape(1, D),
                 batchc, W1, b1.reshape(1, 128), W2, b2.reshape(1, 32),
                 W3, b3.reshape(1, C))
    return logits

# --- scband reference (transcript-rebuilt; emitter-appended) ---
"""Pipeline reference for scband-pers-graph-neural-network-25391846654433 (READ-ONLY COPY).

The authoritative reference and input builder live on the scoring server;
editing this copy changes nothing except your own understanding.
"""

import jax, jax.numpy as jnp
import numpy as np

N = 10000
E = 160000
D = 256
G = 64
C = 10


def setup_inputs(seed: int = 0) -> dict:
    key = jax.random.key(seed)
    ks = jax.random.split(key, 20)
    x = jax.random.normal(ks[0], (N, D), dtype=jnp.float32)
    edge_index = jax.random.randint(ks[1], (2, E), 0, N, dtype=jnp.int32)
    batch = jnp.sort(jax.random.randint(ks[2], (N,), 0, G, dtype=jnp.int32))
    s = 0.05
    Wl1 = jax.random.normal(ks[3], (D, D), dtype=jnp.float32) * s
    bl1 = jax.random.normal(ks[4], (D,), dtype=jnp.float32) * s
    Wr1 = jax.random.normal(ks[5], (D, D), dtype=jnp.float32) * s
    Wl2 = jax.random.normal(ks[6], (D, D), dtype=jnp.float32) * s
    bl2 = jax.random.normal(ks[7], (D,), dtype=jnp.float32) * s
    Wr2 = jax.random.normal(ks[8], (D, D), dtype=jnp.float32) * s
    W1 = jax.random.normal(ks[9], (128, D), dtype=jnp.float32) * s
    b1 = jax.random.normal(ks[10], (128,), dtype=jnp.float32) * s
    W2 = jax.random.normal(ks[11], (32, 128), dtype=jnp.float32) * s
    b2 = jax.random.normal(ks[12], (32,), dtype=jnp.float32) * s
    W3 = jax.random.normal(ks[13], (C, 32), dtype=jnp.float32) * s
    b3 = jax.random.normal(ks[14], (C,), dtype=jnp.float32) * s
    return {"x": x, "edge_index": edge_index, "batch": batch,
            "Wl1": Wl1, "bl1": bl1, "Wr1": Wr1,
            "Wl2": Wl2, "bl2": bl2, "Wr2": Wr2,
            "W1": W1, "b1": b1, "W2": W2, "b2": b2, "W3": W3, "b3": b3}


def reference(x, edge_index, batch, Wl1, bl1, Wr1, Wl2, bl2, Wr2, W1, b1, W2, b2, W3, b3):
    src = edge_index[0]
    dst = edge_index[1]

    def sage(h, Wl, bl, Wr):
        # PyG SAGEConv (mean aggr): lin_l(mean_{j in N(i)} x_j) + lin_r(x_i); bias in lin_l only
        msg = h[src]
        agg = jax.ops.segment_sum(msg, dst, num_segments=N)
        cnt = jax.ops.segment_sum(jnp.ones((E,), dtype=h.dtype), dst, num_segments=N)
        agg = agg / jnp.maximum(cnt, 1.0)[:, None]
        return agg @ Wl.T + bl + h @ Wr.T

    h = jax.nn.relu(sage(x, Wl1, bl1, Wr1))
    # dropout p=0.2 is identity in eval mode
    h = jax.nn.relu(sage(h, Wl2, bl2, Wr2))
    pooled = jax.ops.segment_max(h, batch, num_segments=G)
    pooled = jnp.where(jnp.isfinite(pooled), pooled, 0.0)
    h = jax.nn.relu(pooled @ W1.T + b1)
    h = jax.nn.relu(h @ W2.T + b2)
    logits = h @ W3.T + b3
    return jax.nn.log_softmax(logits, axis=1)

if __name__ == "__main__":
    import jax
    _d = setup_inputs()
    print(jax.jit(kernel)(*tuple(_d.values())))

</pallas_src>

<mosaic_0001>
#map = affine_map<(d0, d1) -> (0, 0)>
#map1 = affine_map<(d0, d1) -> (0)>
module attributes {stable_mosaic.version = 14 : i64} {
  func.func @body(%arg0: i32, %arg1: i32, %arg2: memref<10000x128xf32, #tpu.memory_space<hbm>>, %arg3: memref<10000x128xf32, #tpu.memory_space<hbm>>, %arg4: memref<160000xi32, #tpu.memory_space<hbm>>, %arg5: memref<160000xi32, #tpu.memory_space<hbm>>, %arg6: memref<10240x128xf32, #tpu.memory_space<hbm>>, %arg7: memref<10240x128xf32, #tpu.memory_space<hbm>>, %arg8: memref<10240x128xf32, #tpu.memory_space<hbm>>, %arg9: memref<10240x128xf32, #tpu.memory_space<vmem_shared>>, %arg10: memref<1x80xi32, #tpu.memory_space<vmem>>, %arg11: memref<1x80xi32, #tpu.memory_space<vmem>>, %arg12: memref<1x80xi32, #tpu.memory_space<vmem>>, %arg13: memref<1x80xi32, #tpu.memory_space<vmem>>, %arg14: memref<80x128xf32, #tpu.memory_space<vmem>>, %arg15: memref<80x128xf32, #tpu.memory_space<vmem>>, %arg16: memref<!tpu.dma_semaphore, #tpu.memory_space<semaphore_mem>>, %arg17: memref<!tpu.dma_semaphore, #tpu.memory_space<semaphore_mem>>) attributes {dimension_semantics = [#tpu.dimension_semantics<core_parallel>, #tpu.dimension_semantics<subcore_parallel>], iteration_bounds = array<i64: 2, 16>, scalar_prefetch = 0 : i64, scratch_operands = 9 : i64, tpu.core_type = #tpu.core_type<sc_vector_subcore>, window_params = [{transform_indices = #map}, {transform_indices = #map}, {transform_indices = #map1}, {transform_indices = #map1}, {transform_indices = #map}, {transform_indices = #map}, {transform_indices = #map}]} {
    %mul3A = arith.constant 640 : i32
    %mul3A_0 = arith.muli %arg1, %mul3A : i32
    %scan3A = arith.constant 0 : i32
    %scan3A_1 = arith.constant 0 : i32
    %scan3A_2 = arith.constant 8 : i32
    %scan3A_3 = arith.addi %scan3A_1, %scan3A_2 : i32
    %scan3A_4 = arith.constant 1 : i32
    %scan3A_5 = scf.for %scan3A_36 = %scan3A_1 to %scan3A_3 step %scan3A_4 iter_args(%scan3A_37 = %scan3A) -> (i32)  : i32 {
      %mul3A_38 = arith.constant 80 : i32
      %mul3A_39 = arith.muli %scan3A_36, %mul3A_38 : i32
      %add3A_40 = arith.addi %mul3A_0, %mul3A_39 : i32
      "tpu.region"() ({
        %run_scoped3A_42 = tpu.sem_alloc : memref<!tpu.dma_semaphore, #tpu.memory_space<semaphore_mem>>
        %dma_start3A = arith.constant 0 : i32
        %dma_start3A_43 = tpu.memref_slice %arg6[%add3A_40, %dma_start3A] : memref<10240x128xf32, #tpu.memory_space<hbm>> -> memref<80x128xf32, #tpu.memory_space<hbm>>
        %dma_start3A_44 = arith.constant 0 : i32
        %dma_start3A_45 = tpu.memref_slice %arg6[%add3A_40, %dma_start3A_44] : memref<10240x128xf32, #tpu.memory_space<hbm>> -> memref<80x128xf32, #tpu.memory_space<hbm>>
        tpu.enqueue_dma source(%dma_start3A_45 : memref<80x128xf32, #tpu.memory_space<hbm>>) target(%arg14 : memref<80x128xf32, #tpu.memory_space<vmem>>) target_semaphore(%run_scoped3A_42 : memref<!tpu.dma_semaphore, #tpu.memory_space<semaphore_mem>>)
        %dma_wait3A = arith.constant 0 : i32
        %dma_wait3A_46 = tpu.memref_slice %arg6[%add3A_40, %dma_wait3A] : memref<10240x128xf32, #tpu.memory_space<hbm>> -> memref<80x128xf32, #tpu.memory_space<hbm>>
        %dma_wait3A_47 = arith.constant 0 : i32
        %dma_wait3A_48 = tpu.memref_slice %arg6[%add3A_40, %dma_wait3A_47] : memref<10240x128xf32, #tpu.memory_space<hbm>> -> memref<80x128xf32, #tpu.memory_space<hbm>>
        tpu.wait_dma2 semaphore(%run_scoped3A_42 : memref<!tpu.dma_semaphore, #tpu.memory_space<semaphore_mem>>) src(%dma_wait3A_48 : memref<80x128xf32, #tpu.memory_space<hbm>>) dst(%arg14 : memref<80x128xf32, #tpu.memory_space<vmem>>)
        tpu.yield
      }) : () -> ()
      "tpu.region"() ({
        %run_scoped3A_42 = tpu.sem_alloc : memref<!tpu.dma_semaphore, #tpu.memory_space<semaphore_mem>>
        %dma_start3A = arith.constant 0 : i32
        %dma_start3A_43 = tpu.memref_slice %arg9[%add3A_40, %dma_start3A] : memref<10240x128xf32, #tpu.memory_space<vmem_shared>> -> memref<80x128xf32, #tpu.memory_space<vmem_shared>>
        %dma_start3A_44 = arith.constant 0 : i32
        %dma_start3A_45 = tpu.memref_slice %arg9[%add3A_40, %dma_start3A_44] : memref<10240x128xf32, #tpu.memory_space<vmem_shared>> -> memref<80x128xf32, #tpu.memory_space<vmem_shared>>
        tpu.enqueue_dma source(%arg14 : memref<80x128xf32, #tpu.memory_space<vmem>>) target(%dma_start3A_45 : memref<80x128xf32, #tpu.memory_space<vmem_shared>>) target_semaphore(%run_scoped3A_42 : memref<!tpu.dma_semaphore, #tpu.memory_space<semaphore_mem>>)
        %dma_wait3A = arith.constant 0 : i32
        %dma_wait3A_46 = tpu.memref_slice %arg9[%add3A_40, %dma_wait3A] : memref<10240x128xf32, #tpu.memory_space<vmem_shared>> -> memref<80x128xf32, #tpu.memory_space<vmem_shared>>
        %dma_wait3A_47 = arith.constant 0 : i32
        %dma_wait3A_48 = tpu.memref_slice %arg9[%add3A_40, %dma_wait3A_47] : memref<10240x128xf32, #tpu.memory_space<vmem_shared>> -> memref<80x128xf32, #tpu.memory_space<vmem_shared>>
        tpu.wait_dma2 semaphore(%run_scoped3A_42 : memref<!tpu.dma_semaphore, #tpu.memory_space<semaphore_mem>>) src(%arg14 : memref<80x128xf32, #tpu.memory_space<vmem>>) dst(%dma_wait3A_48 : memref<80x128xf32, #tpu.memory_space<vmem_shared>>)
        tpu.yield
      }) : () -> ()
      %scan3A_41 = arith.constant 0 : i32
      scf.yield %scan3A_41 : i32
    }
    %scan3A_6 = arith.constant 8 : i32
    %barrier3A = arith.constant 0 : index
    tpu.barrier barrier_id(%barrier3A)
    %mul3A_7 = arith.constant 10000 : i32
    %mul3A_8 = arith.muli %arg1, %mul3A_7 : i32
    %add3A = arith.constant 0 : i32
    %add3A_9 = arith.addi %mul3A_8, %add3A : i32
    %run_scoped3A = arith.constant 0 : i32
    "tpu.region"() ({
      %run_scoped3A_36 = tpu.sem_alloc : memref<!tpu.dma_semaphore, #tpu.memory_space<semaphore_mem>>
      %dma_start3A = arith.constant 0 : i32
      %dma_start3A_37 = tpu.memref_slice %arg12[%run_scoped3A, %dma_start3A] : memref<1x80xi32, #tpu.memory_space<vmem>> -> memref<1x80xi32, #tpu.memory_space<vmem>>
      %dma_start3A_38 = tpu.memref_squeeze %dma_start3A_37 : memref<1x80xi32, #tpu.memory_space<vmem>> -> memref<80xi32, #tpu.memory_space<vmem>>
      %dma_start3A_39 = tpu.memref_slice %arg4[%add3A_9] : memref<160000xi32, #tpu.memory_space<hbm>> -> memref<80xi32, #tpu.memory_space<hbm>>
      %dma_start3A_40 = arith.constant 0 : i32
      %dma_start3A_41 = tpu.memref_slice %arg12[%run_scoped3A, %dma_start3A_40] : memref<1x80xi32, #tpu.memory_space<vmem>> -> memref<1x80xi32, #tpu.memory_space<vmem>>
      %dma_start3A_42 = tpu.memref_squeeze %dma_start3A_41 : memref<1x80xi32, #tpu.memory_space<vmem>> -> memref<80xi32, #tpu.memory_space<vmem>>
      %dma_start3A_43 = tpu.memref_slice %arg4[%add3A_9] : memref<160000xi32, #tpu.memory_space<hbm>> -> memref<80xi32, #tpu.memory_space<hbm>>
      tpu.enqueue_dma source(%dma_start3A_43 : memref<80xi32, #tpu.memory_space<hbm>>) target(%dma_start3A_42 : memref<80xi32, #tpu.memory_space<vmem>>) target_semaphore(%run_scoped3A_36 : memref<!tpu.dma_semaphore, #tpu.memory_space<semaphore_mem>>)
      %dma_wait3A = arith.constant 0 : i32
      %dma_wait3A_44 = tpu.memref_slice %arg12[%run_scoped3A, %dma_wait3A] : memref<1x80xi32, #tpu.memory_space<vmem>> -> memref<1x80xi32, #tpu.memory_space<vmem>>
      %dma_wait3A_45 = tpu.memref_squeeze %dma_wait3A_44 : memref<1x80xi32, #tpu.memory_space<vmem>> -> memref<80xi32, #tpu.memory_space<vmem>>
      %dma_wait3A_46 = tpu.memref_slice %arg4[%add3A_9] : memref<160000xi32, #tpu.memory_space<hbm>> -> memref<80xi32, #tpu.memory_space<hbm>>
      %dma_wait3A_47 = arith.constant 0 : i32
      %dma_wait3A_48 = tpu.memref_slice %arg12[%run_scoped3A, %dma_wait3A_47] : memref<1x80xi32, #tpu.memory_space<vmem>> -> memref<1x80xi32, #tpu.memory_space<vmem>>
      %dma_wait3A_49 = tpu.memref_squeeze %dma_wait3A_48 : memref<1x80xi32, #tpu.memory_space<vmem>> -> memref<80xi32, #tpu.memory_space<vmem>>
      %dma_wait3A_50 = tpu.memref_slice %arg4[%add3A_9] : memref<160000xi32, #tpu.memory_space<hbm>> -> memref<80xi32, #tpu.memory_space<hbm>>
      tpu.wait_dma2 semaphore(%run_scoped3A_36 : memref<!tpu.dma_semaphore, #tpu.memory_space<semaphore_mem>>) src(%dma_wait3A_50 : memref<80xi32, #tpu.memory_space<hbm>>) dst(%dma_wait3A_49 : memref<80xi32, #tpu.memory_space<vmem>>)
      tpu.yield
    }) : () -> ()
    %run_scoped3A_10 = arith.constant 0 : i32
    "tpu.region"() ({
      %run_scoped3A_36 = tpu.sem_alloc : memref<!tpu.dma_semaphore, #tpu.memory_space<semaphore_mem>>
      %dma_start3A = arith.constant 0 : i32
      %dma_start3A_37 = tpu.memref_slice %arg10[%run_scoped3A_10, %dma_start3A] : memref<1x80xi32, #tpu.memory_space<vmem>> -> memref<1x80xi32, #tpu.memory_space<vmem>>
      %dma_start3A_38 = tpu.memref_squeeze %dma_start3A_37 : memref<1x80xi32, #tpu.memory_space<vmem>> -> memref<80xi32, #tpu.memory_space<vmem>>
      %dma_start3A_39 = tpu.memref_slice %arg5[%add3A_9] : memref<160000xi32, #tpu.memory_space<hbm>> -> memref<80xi32, #tpu.memory_space<hbm>>
      %dma_start3A_40 = arith.constant 0 : i32
      %dma_start3A_41 = tpu.memref_slice %arg10[%run_scoped3A_10, %dma_start3A_40] : memref<1x80xi32, #tpu.memory_space<vmem>> -> memref<1x80xi32, #tpu.memory_space<vmem>>
      %dma_start3A_42 = tpu.memref_squeeze %dma_start3A_41 : memref<1x80xi32, #tpu.memory_space<vmem>> -> memref<80xi32, #tpu.memory_space<vmem>>
      %dma_start3A_43 = tpu.memref_slice %arg5[%add3A_9] : memref<160000xi32, #tpu.memory_space<hbm>> -> memref<80xi32, #tpu.memory_space<hbm>>
      tpu.enqueue_dma source(%dma_start3A_43 : memref<80xi32, #tpu.memory_space<hbm>>) target(%dma_start3A_42 : memref<80xi32, #tpu.memory_space<vmem>>) target_semaphore(%run_scoped3A_36 : memref<!tpu.dma_semaphore, #tpu.memory_space<semaphore_mem>>)
      %dma_wait3A = arith.constant 0 : i32
      %dma_wait3A_44 = tpu.memref_slice %arg10[%run_scoped3A_10, %dma_wait3A] : memref<1x80xi32, #tpu.memory_space<vmem>> -> memref<1x80xi32, #tpu.memory_space<vmem>>
      %dma_wait3A_45 = tpu.memref_squeeze %dma_wait3A_44 : memref<1x80xi32, #tpu.memory_space<vmem>> -> memref<80xi32, #tpu.memory_space<vmem>>
      %dma_wait3A_46 = tpu.memref_slice %arg5[%add3A_9] : memref<160000xi32, #tpu.memory_space<hbm>> -> memref<80xi32, #tpu.memory_space<hbm>>
      %dma_wait3A_47 = arith.constant 0 : i32
      %dma_wait3A_48 = tpu.memref_slice %arg10[%run_scoped3A_10, %dma_wait3A_47] : memref<1x80xi32, #tpu.memory_space<vmem>> -> memref<1x80xi32, #tpu.memory_space<vmem>>
      %dma_wait3A_49 = tpu.memref_squeeze %dma_wait3A_48 : memref<1x80xi32, #tpu.memory_space<vmem>> -> memref<80xi32, #tpu.memory_space<vmem>>
      %dma_wait3A_50 = tpu.memref_slice %arg5[%add3A_9] : memref<160000xi32, #tpu.memory_space<hbm>> -> memref<80xi32, #tpu.memory_space<hbm>>
      tpu.wait_dma2 semaphore(%run_scoped3A_36 : memref<!tpu.dma_semaphore, #tpu.memory_space<semaphore_mem>>) src(%dma_wait3A_50 : memref<80xi32, #tpu.memory_space<hbm>>) dst(%dma_wait3A_49 : memref<80xi32, #tpu.memory_space<vmem>>)
      tpu.yield
    }) : () -> ()
    %eq3A = arith.constant 0 : i32
    %eq3A_11 = arith.cmpi eq, %arg0, %eq3A : i32
    %convert_element_type3A = arith.extui %eq3A_11 : i1 to i32
    %cond3A = arith.constant 0 : i32
    %cond3A_12 = arith.cmpi ne, %convert_element_type3A, %cond3A : i32
    scf.if %cond3A_12 {
      %dma_start3A = arith.constant 0 : i32
      %dma_start3A_36 = arith.constant 0 : i32
      %dma_start3A_37 = tpu.memref_slice %arg12[%dma_start3A, %dma_start3A_36] : memref<1x80xi32, #tpu.memory_space<vmem>> -> memref<1x80xi32, #tpu.memory_space<vmem>>
      %dma_start3A_38 = tpu.memref_squeeze %dma_start3A_37 : memref<1x80xi32, #tpu.memory_space<vmem>> -> memref<80xi32, #tpu.memory_space<vmem>>
      %dma_start3A_39 = arith.constant 0 : i32
      %dma_start3A_40 = arith.constant 0 : i32
      %dma_start3A_41 = tpu.memref_slice %arg2[%dma_start3A_39, %dma_start3A_40] : memref<10000x128xf32, #tpu.memory_space<hbm>> -> memref<10000x128xf32, #tpu.memory_space<hbm>>
      tpu.enqueue_indirect_dma source(%dma_start3A_41 : memref<10000x128xf32, #tpu.memory_space<hbm>>) target(%arg14 : memref<80x128xf32, #tpu.memory_space<vmem>>) offsets(%dma_start3A_38 : memref<80xi32, #tpu.memory_space<vmem>>) semaphore(%arg16 : memref<!tpu.dma_semaphore, #tpu.memory_space<semaphore_mem>>)
    } else {
    }
    %eq3A_13 = arith.constant 1 : i32
    %eq3A_14 = arith.cmpi eq, %arg0, %eq3A_13 : i32
    %convert_element_type3A_15 = arith.extui %eq3A_14 : i1 to i32
    %cond3A_16 = arith.constant 0 : i32
    %cond3A_17 = arith.cmpi ne, %convert_element_type3A_15, %cond3A_16 : i32
    scf.if %cond3A_17 {
      %dma_start3A = arith.constant 0 : i32
      %dma_start3A_36 = arith.constant 0 : i32
      %dma_start3A_37 = tpu.memref_slice %arg12[%dma_start3A, %dma_start3A_36] : memref<1x80xi32, #tpu.memory_space<vmem>> -> memref<1x80xi32, #tpu.memory_space<vmem>>
      %dma_start3A_38 = tpu.memref_squeeze %dma_start3A_37 : memref<1x80xi32, #tpu.memory_space<vmem>> -> memref<80xi32, #tpu.memory_space<vmem>>
      %dma_start3A_39 = arith.constant 0 : i32
      %dma_start3A_40 = arith.constant 0 : i32
      %dma_start3A_41 = tpu.memref_slice %arg3[%dma_start3A_39, %dma_start3A_40] : memref<10000x128xf32, #tpu.memory_space<hbm>> -> memref<10000x128xf32, #tpu.memory_space<hbm>>
      tpu.enqueue_indirect_dma source(%dma_start3A_41 : memref<10000x128xf32, #tpu.memory_space<hbm>>) target(%arg14 : memref<80x128xf32, #tpu.memory_space<vmem>>) offsets(%dma_start3A_38 : memref<80xi32, #tpu.memory_space<vmem>>) semaphore(%arg16 : memref<!tpu.dma_semaphore, #tpu.memory_space<semaphore_mem>>)
    } else {
    }
    %scan3A_18 = arith.constant 0 : i32
    %scan3A_19 = arith.constant 0 : i32
    %scan3A_20 = arith.constant 125 : i32
    %scan3A_21 = arith.addi %scan3A_19, %scan3A_20 : i32
    %scan3A_22 = arith.constant 1 : i32
    %scan3A_23 = scf.for %scan3A_36 = %scan3A_19 to %scan3A_21 step %scan3A_22 iter_args(%scan3A_37 = %scan3A_18) -> (i32)  : i32 {
      %jit3A = arith.constant 2 : i32
      %eq3A_38 = arith.constant 0 : i32
      %eq3A_39 = arith.cmpi eq, %jit3A, %eq3A_38 : i32
      %jit3A_40 = arith.constant 1 : i32
      %select_n3A = arith.select %eq3A_39, %jit3A_40, %jit3A : i32
      %rem3A = arith.remsi %scan3A_36, %select_n3A : i32
      %ne3A = arith.constant 0 : i32
      %ne3A_41 = arith.cmpi ne, %rem3A, %ne3A : i32
      %lt3A = arith.constant 0 : i32
      %lt3A_42 = arith.cmpi slt, %rem3A, %lt3A : i32
      %lt3A_43 = arith.constant 0 : i32
      %lt3A_44 = arith.cmpi slt, %select_n3A, %lt3A_43 : i32
      %ne3A_45 = arith.xori %lt3A_42, %lt3A_44 : i1
      %and3A = arith.andi %ne3A_45, %ne3A_41 : i1
      %add3A_46 = arith.addi %rem3A, %select_n3A : i32
      %select_n3A_47 = arith.select %and3A, %add3A_46, %rem3A : i32
      %eq3A_48 = arith.constant 0 : i32
      %eq3A_49 = arith.cmpi eq, %select_n3A_47, %eq3A_48 : i32
      %convert_element_type3A_50 = arith.extui %eq3A_49 : i1 to i32
      %cond3A_51 = arith.constant 0 : i32
      %cond3A_52 = arith.cmpi ne, %convert_element_type3A_50, %cond3A_51 : i32
      scf.if %cond3A_52 {
        %add3A_75 = arith.constant 1 : i32
        %add3A_76 = arith.addi %scan3A_36, %add3A_75 : i32
        %lt3A_77 = arith.constant 125 : i32
        %lt3A_78 = arith.cmpi slt, %add3A_76, %lt3A_77 : i32
        %convert_element_type3A_79 = arith.extui %lt3A_78 : i1 to i32
        %cond3A_80 = arith.constant 0 : i32
        %cond3A_81 = arith.cmpi ne, %convert_element_type3A_79, %cond3A_80 : i32
        scf.if %cond3A_81 {
          %add3A_93 = arith.constant 1 : i32
          %add3A_94 = arith.addi %scan3A_36, %add3A_93 : i32
          %mul3A_95 = arith.constant 10000 : i32
          %mul3A_96 = arith.muli %arg1, %mul3A_95 : i32
          %mul3A_97 = arith.constant 80 : i32
          %mul3A_98 = arith.muli %add3A_94, %mul3A_97 : i32
          %add3A_99 = arith.addi %mul3A_96, %mul3A_98 : i32
          %run_scoped3A_100 = arith.constant 0 : i32
          "tpu.region"() ({
            %run_scoped3A_112 = tpu.sem_alloc : memref<!tpu.dma_semaphore, #tpu.memory_space<semaphore_mem>>
            %dma_start3A = arith.constant 0 : i32
            %dma_start3A_113 = tpu.memref_slice %arg13[%run_scoped3A_100, %dma_start3A] : memref<1x80xi32, #tpu.memory_space<vmem>> -> memref<1x80xi32, #tpu.memory_space<vmem>>
            %dma_start3A_114 = tpu.memref_squeeze %dma_start3A_113 : memref<1x80xi32, #tpu.memory_space<vmem>> -> memref<80xi32, #tpu.memory_space<vmem>>
            %dma_start3A_115 = tpu.memref_slice %arg4[%add3A_99] : memref<160000xi32, #tpu.memory_space<hbm>> -> memref<80xi32, #tpu.memory_space<hbm>>
            %dma_start3A_116 = arith.constant 0 : i32
            %dma_start3A_117 = tpu.memref_slice %arg13[%run_scoped3A_100, %dma_start3A_116] : memref<1x80xi32, #tpu.memory_space<vmem>> -> memref<1x80xi32, #tpu.memory_space<vmem>>
            %dma_start3A_118 = tpu.memref_squeeze %dma_start3A_117 : memref<1x80xi32, #tpu.memory_space<vmem>> -> memref<80xi32, #tpu.memory_space<vmem>>
            %dma_start3A_119 = tpu.memref_slice %arg4[%add3A_99] : memref<160000xi32, #tpu.memory_space<hbm>> -> memref<80xi32, #tpu.memory_space<hbm>>
            tpu.enqueue_dma source(%dma_start3A_119 : memref<80xi32, #tpu.memory_space<hbm>>) target(%dma_start3A_118 : memref<80xi32, #tpu.memory_space<vmem>>) target_semaphore(%run_scoped3A_112 : memref<!tpu.dma_semaphore, #tpu.memory_space<semaphore_mem>>)
            %dma_wait3A = arith.constant 0 : i32
            %dma_wait3A_120 = tpu.memref_slice %arg13[%run_scoped3A_100, %dma_wait3A] : memref<1x80xi32, #tpu.memory_space<vmem>> -> memref<1x80xi32, #tpu.memory_space<vmem>>
            %dma_wait3A_121 = tpu.memref_squeeze %dma_wait3A_120 : memref<1x80xi32, #tpu.memory_space<vmem>> -> memref<80xi32, #tpu.memory_space<vmem>>
            %dma_wait3A_122 = tpu.memref_slice %arg4[%add3A_99] : memref<160000xi32, #tpu.memory_space<hbm>> -> memref<80xi32, #tpu.memory_space<hbm>>
            %dma_wait3A_123 = arith.constant 0 : i32
            %dma_wait3A_124 = tpu.memref_slice %arg13[%run_scoped3A_100, %dma_wait3A_123] : memref<1x80xi32, #tpu.memory_space<vmem>> -> memref<1x80xi32, #tpu.memory_space<vmem>>
            %dma_wait3A_125 = tpu.memref_squeeze %dma_wait3A_124 : memref<1x80xi32, #tpu.memory_space<vmem>> -> memref<80xi32, #tpu.memory_space<vmem>>
            %dma_wait3A_126 = tpu.memref_slice %arg4[%add3A_99] : memref<160000xi32, #tpu.memory_space<hbm>> -> memref<80xi32, #tpu.memory_space<hbm>>
            tpu.wait_dma2 semaphore(%run_scoped3A_112 : memref<!tpu.dma_semaphore, #tpu.memory_space<semaphore_mem>>) src(%dma_wait3A_126 : memref<80xi32, #tpu.memory_space<hbm>>) dst(%dma_wait3A_125 : memref<80xi32, #tpu.memory_space<vmem>>)
            tpu.yield
          }) : () -> ()
          %run_scoped3A_101 = arith.constant 0 : i32
          "tpu.region"() ({
            %run_scoped3A_112 = tpu.sem_alloc : memref<!tpu.dma_semaphore, #tpu.memory_space<semaphore_mem>>
            %dma_start3A = arith.constant 0 : i32
            %dma_start3A_113 = tpu.memref_slice %arg11[%run_scoped3A_101, %dma_start3A] : memref<1x80xi32, #tpu.memory_space<vmem>> -> memref<1x80xi32, #tpu.memory_space<vmem>>
            %dma_start3A_114 = tpu.memref_squeeze %dma_start3A_113 : memref<1x80xi32, #tpu.memory_space<vmem>> -> memref<80xi32, #tpu.memory_space<vmem>>
            %dma_start3A_115 = tpu.memref_slice %arg5[%add3A_99] : memref<160000xi32, #tpu.memory_space<hbm>> -> memref<80xi32, #tpu.memory_space<hbm>>
            %dma_start3A_116 = arith.constant 0 : i32
            %dma_start3A_117 = tpu.memref_slice %arg11[%run_scoped3A_101, %dma_start3A_116] : memref<1x80xi32, #tpu.memory_space<vmem>> -> memref<1x80xi32, #tpu.memory_space<vmem>>
            %dma_start3A_118 = tpu.memref_squeeze %dma_start3A_117 : memref<1x80xi32, #tpu.memory_space<vmem>> -> memref<80xi32, #tpu.memory_space<vmem>>
            %dma_start3A_119 = tpu.memref_slice %arg5[%add3A_99] : memref<160000xi32, #tpu.memory_space<hbm>> -> memref<80xi32, #tpu.memory_space<hbm>>
            tpu.enqueue_dma source(%dma_start3A_119 : memref<80xi32, #tpu.memory_space<hbm>>) target(%dma_start3A_118 : memref<80xi32, #tpu.memory_space<vmem>>) target_semaphore(%run_scoped3A_112 : memref<!tpu.dma_semaphore, #tpu.memory_space<semaphore_mem>>)
            %dma_wait3A = arith.constant 0 : i32
            %dma_wait3A_120 = tpu.memref_slice %arg11[%run_scoped3A_101, %dma_wait3A] : memref<1x80xi32, #tpu.memory_space<vmem>> -> memref<1x80xi32, #tpu.memory_space<vmem>>
            %dma_wait3A_121 = tpu.memref_squeeze %dma_wait3A_120 : memref<1x80xi32, #tpu.memory_space<vmem>> -> memref<80xi32, #tpu.memory_space<vmem>>
            %dma_wait3A_122 = tpu.memref_slice %arg5[%add3A_99] : memref<160000xi32, #tpu.memory_space<hbm>> -> memref<80xi32, #tpu.memory_space<hbm>>
            %dma_wait3A_123 = arith.constant 0 : i32
            %dma_wait3A_124 = tpu.memref_slice %arg11[%run_scoped3A_101, %dma_wait3A_123] : memref<1x80xi32, #tpu.memory_space<vmem>> -> memref<1x80xi32, #tpu.memory_space<vmem>>
            %dma_wait3A_125 = tpu.memref_squeeze %dma_wait3A_124 : memref<1x80xi32, #tpu.memory_space<vmem>> -> memref<80xi32, #tpu.memory_space<vmem>>
            %dma_wait3A_126 = tpu.memref_slice %arg5[%add3A_99] : memref<160000xi32, #tpu.memory_space<hbm>> -> memref<80xi32, #tpu.memory_space<hbm>>
            tpu.wait_dma2 semaphore(%run_scoped3A_112 : memref<!tpu.dma_semaphore, #tpu.memory_space<semaphore_mem>>) src(%dma_wait3A_126 : memref<80xi32, #tpu.memory_space<hbm>>) dst(%dma_wait3A_125 : memref<80xi32, #tpu.memory_space<vmem>>)
            tpu.yield
          }) : () -> ()
          %eq3A_102 = arith.constant 0 : i32
          %eq3A_103 = arith.cmpi eq, %arg0, %eq3A_102 : i32
          %convert_element_type3A_104 = arith.extui %eq3A_103 : i1 to i32
          %cond3A_105 = arith.constant 0 : i32
          %cond3A_106 = arith.cmpi ne, %convert_element_type3A_104, %cond3A_105 : i32
          scf.if %cond3A_106 {
            %dma_start3A = arith.constant 0 : i32
            %dma_start3A_112 = arith.constant 0 : i32
            %dma_start3A_113 = tpu.memref_slice %arg13[%dma_start3A, %dma_start3A_112] : memref<1x80xi32, #tpu.memory_space<vmem>> -> memref<1x80xi32, #tpu.memory_space<vmem>>
            %dma_start3A_114 = tpu.memref_squeeze %dma_start3A_113 : memref<1x80xi32, #tpu.memory_space<vmem>> -> memref<80xi32, #tpu.memory_space<vmem>>
            %dma_start3A_115 = arith.constant 0 : i32
            %dma_start3A_116 = arith.constant 0 : i32
            %dma_start3A_117 = tpu.memref_slice %arg2[%dma_start3A_115, %dma_start3A_116] : memref<10000x128xf32, #tpu.memory_space<hbm>> -> memref<10000x128xf32, #tpu.memory_space<hbm>>
            tpu.enqueue_indirect_dma source(%dma_start3A_117 : memref<10000x128xf32, #tpu.memory_space<hbm>>) target(%arg15 : memref<80x128xf32, #tpu.memory_space<vmem>>) offsets(%dma_start3A_114 : memref<80xi32, #tpu.memory_space<vmem>>) semaphore(%arg17 : memref<!tpu.dma_semaphore, #tpu.memory_space<semaphore_mem>>)
          } else {
          }
          %eq3A_107 = arith.constant 1 : i32
          %eq3A_108 = arith.cmpi eq, %arg0, %eq3A_107 : i32
          %convert_element_type3A_109 = arith.extui %eq3A_108 : i1 to i32
          %cond3A_110 = arith.constant 0 : i32
          %cond3A_111 = arith.cmpi ne, %convert_element_type3A_109, %cond3A_110 : i32
          scf.if %cond3A_111 {
            %dma_start3A = arith.constant 0 : i32
            %dma_start3A_112 = arith.constant 0 : i32
            %dma_start3A_113 = tpu.memref_slice %arg13[%dma_start3A, %dma_start3A_112] : memref<1x80xi32, #tpu.memory_space<vmem>> -> memref<1x80xi32, #tpu.memory_space<vmem>>
            %dma_start3A_114 = tpu.memref_squeeze %dma_start3A_113 : memref<1x80xi32, #tpu.memory_space<vmem>> -> memref<80xi32, #tpu.memory_space<vmem>>
            %dma_start3A_115 = arith.constant 0 : i32
            %dma_start3A_116 = arith.constant 0 : i32
            %dma_start3A_117 = tpu.memref_slice %arg3[%dma_start3A_115, %dma_start3A_116] : memref<10000x128xf32, #tpu.memory_space<hbm>> -> memref<10000x128xf32, #tpu.memory_space<hbm>>
            tpu.enqueue_indirect_dma source(%dma_start3A_117 : memref<10000x128xf32, #tpu.memory_space<hbm>>) target(%arg15 : memref<80x128xf32, #tpu.memory_space<vmem>>) offsets(%dma_start3A_114 : memref<80xi32, #tpu.memory_space<vmem>>) semaphore(%arg17 : memref<!tpu.dma_semaphore, #tpu.memory_space<semaphore_mem>>)
          } else {
          }
        } else {
        }
        %eq3A_82 = arith.constant 0 : i32
        %eq3A_83 = arith.cmpi eq, %arg0, %eq3A_82 : i32
        %convert_element_type3A_84 = arith.extui %eq3A_83 : i1 to i32
        %cond3A_85 = arith.constant 0 : i32
        %cond3A_86 = arith.cmpi ne, %convert_element_type3A_84, %cond3A_85 : i32
        scf.if %cond3A_86 {
          %dma_wait3A = arith.constant 0 : i32
          %dma_wait3A_93 = arith.constant 0 : i32
          %dma_wait3A_94 = tpu.memref_slice %arg12[%dma_wait3A, %dma_wait3A_93] : memref<1x80xi32, #tpu.memory_space<vmem>> -> memref<1x80xi32, #tpu.memory_space<vmem>>
          %dma_wait3A_95 = tpu.memref_squeeze %dma_wait3A_94 : memref<1x80xi32, #tpu.memory_space<vmem>> -> memref<80xi32, #tpu.memory_space<vmem>>
          %dma_wait3A_96 = arith.constant 0 : i32
          %dma_wait3A_97 = arith.constant 0 : i32
          %dma_wait3A_98 = tpu.memref_slice %arg2[%dma_wait3A_96, %dma_wait3A_97] : memref<10000x128xf32, #tpu.memory_space<hbm>> -> memref<10000x128xf32, #tpu.memory_space<hbm>>
          tpu.wait_indirect_dma semaphore(%arg16 : memref<!tpu.dma_semaphore, #tpu.memory_space<semaphore_mem>>) src(%dma_wait3A_98 : memref<10000x128xf32, #tpu.memory_space<hbm>>) dst(%arg14 : memref<80x128xf32, #tpu.memory_space<vmem>>)
        } else {
        }
        %eq3A_87 = arith.constant 1 : i32
        %eq3A_88 = arith.cmpi eq, %arg0, %eq3A_87 : i32
        %convert_element_type3A_89 = arith.extui %eq3A_88 : i1 to i32
        %cond3A_90 = arith.constant 0 : i32
        %cond3A_91 = arith.cmpi ne, %convert_element_type3A_89, %cond3A_90 : i32
        scf.if %cond3A_91 {
          %dma_wait3A = arith.constant 0 : i32
          %dma_wait3A_93 = arith.constant 0 : i32
          %dma_wait3A_94 = tpu.memref_slice %arg12[%dma_wait3A, %dma_wait3A_93] : memref<1x80xi32, #tpu.memory_space<vmem>> -> memref<1x80xi32, #tpu.memory_space<vmem>>
          %dma_wait3A_95 = tpu.memref_squeeze %dma_wait3A_94 : memref<1x80xi32, #tpu.memory_space<vmem>> -> memref<80xi32, #tpu.memory_space<vmem>>
          %dma_wait3A_96 = arith.constant 0 : i32
          %dma_wait3A_97 = arith.constant 0 : i32
          %dma_wait3A_98 = tpu.memref_slice %arg3[%dma_wait3A_96, %dma_wait3A_97] : memref<10000x128xf32, #tpu.memory_space<hbm>> -> memref<10000x128xf32, #tpu.memory_space<hbm>>
          tpu.wait_indirect_dma semaphore(%arg16 : memref<!tpu.dma_semaphore, #tpu.memory_space<semaphore_mem>>) src(%dma_wait3A_98 : memref<10000x128xf32, #tpu.memory_space<hbm>>) dst(%arg14 : memref<80x128xf32, #tpu.memory_space<vmem>>)
        } else {
        }
        %run_scoped3A_92 = arith.constant 0 : i32
        "tpu.region"() ({
          %run_scoped3A_93 = tpu.sem_alloc : memref<!tpu.dma_semaphore, #tpu.memory_space<semaphore_mem>>
          %dma_start3A = arith.constant 0 : i32
          %dma_start3A_94 = tpu.memref_slice %arg10[%run_scoped3A_92, %dma_start3A] : memref<1x80xi32, #tpu.memory_space<vmem>> -> memref<1x80xi32, #tpu.memory_space<vmem>>
          %dma_start3A_95 = tpu.memref_squeeze %dma_start3A_94 : memref<1x80xi32, #tpu.memory_space<vmem>> -> memref<80xi32, #tpu.memory_space<vmem>>
          %dma_start3A_96 = arith.constant 0 : i32
          %dma_start3A_97 = arith.constant 0 : i32
          %dma_start3A_98 = tpu.memref_slice %arg9[%dma_start3A_96, %dma_start3A_97] : memref<10240x128xf32, #tpu.memory_space<vmem_shared>> -> memref<10240x128xf32, #tpu.memory_space<vmem_shared>>
          tpu.enqueue_indirect_dma source(%arg14 : memref<80x128xf32, #tpu.memory_space<vmem>>) target(%dma_start3A_98 : memref<10240x128xf32, #tpu.memory_space<vmem_shared>>) offsets(%dma_start3A_95 : memref<80xi32, #tpu.memory_space<vmem>>) semaphore(%run_scoped3A_93 : memref<!tpu.dma_semaphore, #tpu.memory_space<semaphore_mem>>) {add = true}
          %dma_wait3A = arith.constant 0 : i32
          %dma_wait3A_99 = tpu.memref_slice %arg10[%run_scoped3A_92, %dma_wait3A] : memref<1x80xi32, #tpu.memory_space<vmem>> -> memref<1x80xi32, #tpu.memory_space<vmem>>
          %dma_wait3A_100 = tpu.memref_squeeze %dma_wait3A_99 : memref<1x80xi32, #tpu.memory_space<vmem>> -> memref<80xi32, #tpu.memory_space<vmem>>
          %dma_wait3A_101 = arith.constant 0 : i32
          %dma_wait3A_102 = arith.constant 0 : i32
          %dma_wait3A_103 = tpu.memref_slice %arg9[%dma_wait3A_101, %dma_wait3A_102] : memref<10240x128xf32, #tpu.memory_space<vmem_shared>> -> memref<10240x128xf32, #tpu.memory_space<vmem_shared>>
          tpu.wait_indirect_dma semaphore(%run_scoped3A_93 : memref<!tpu.dma_semaphore, #tpu.memory_space<semaphore_mem>>) src(%arg14 : memref<80x128xf32, #tpu.memory_space<vmem>>) dst(%dma_wait3A_103 : memref<10240x128xf32, #tpu.memory_space<vmem_shared>>)
          tpu.yield
        }) : () -> ()
      } else {
      }
      %jit3A_53 = arith.constant 2 : i32
      %eq3A_54 = arith.constant 0 : i32
      %eq3A_55 = arith.cmpi eq, %jit3A_53, %eq3A_54 : i32
      %jit3A_56 = arith.constant 1 : i32
      %select_n3A_57 = arith.select %eq3A_55, %jit3A_56, %jit3A_53 : i32
      %rem3A_58 = arith.remsi %scan3A_36, %select_n3A_57 : i32
      %ne3A_59 = arith.constant 0 : i32
      %ne3A_60 = arith.cmpi ne, %rem3A_58, %ne3A_59 : i32
      %lt3A_61 = arith.constant 0 : i32
      %lt3A_62 = arith.cmpi slt, %rem3A_58, %lt3A_61 : i32
      %lt3A_63 = arith.constant 0 : i32
      %lt3A_64 = arith.cmpi slt, %select_n3A_57, %lt3A_63 : i32
      %ne3A_65 = arith.xori %lt3A_62, %lt3A_64 : i1
      %and3A_66 = arith.andi %ne3A_65, %ne3A_60 : i1
      %add3A_67 = arith.addi %rem3A_58, %select_n3A_57 : i32
      %select_n3A_68 = arith.select %and3A_66, %add3A_67, %rem3A_58 : i32
      %eq3A_69 = arith.constant 1 : i32
      %eq3A_70 = arith.cmpi eq, %select_n3A_68, %eq3A_69 : i32
      %convert_element_type3A_71 = arith.extui %eq3A_70 : i1 to i32
      %cond3A_72 = arith.constant 0 : i32
      %cond3A_73 = arith.cmpi ne, %convert_element_type3A_71, %cond3A_72 : i32
      scf.if %cond3A_73 {
        %add3A_75 = arith.constant 1 : i32
        %add3A_76 = arith.addi %scan3A_36, %add3A_75 : i32
        %lt3A_77 = arith.constant 125 : i32
        %lt3A_78 = arith.cmpi slt, %add3A_76, %lt3A_77 : i32
        %convert_element_type3A_79 = arith.extui %lt3A_78 : i1 to i32
        %cond3A_80 = arith.constant 0 : i32
        %cond3A_81 = arith.cmpi ne, %convert_element_type3A_79, %cond3A_80 : i32
        scf.if %cond3A_81 {
          %add3A_93 = arith.constant 1 : i32
          %add3A_94 = arith.addi %scan3A_36, %add3A_93 : i32
          %mul3A_95 = arith.constant 10000 : i32
          %mul3A_96 = arith.muli %arg1, %mul3A_95 : i32
          %mul3A_97 = arith.constant 80 : i32
          %mul3A_98 = arith.muli %add3A_94, %mul3A_97 : i32
          %add3A_99 = arith.addi %mul3A_96, %mul3A_98 : i32
          %run_scoped3A_100 = arith.constant 0 : i32
          "tpu.region"() ({
            %run_scoped3A_112 = tpu.sem_alloc : memref<!tpu.dma_semaphore, #tpu.memory_space<semaphore_mem>>
            %dma_start3A = arith.constant 0 : i32
            %dma_start3A_113 = tpu.memref_slice %arg12[%run_scoped3A_100, %dma_start3A] : memref<1x80xi32, #tpu.memory_space<vmem>> -> memref<1x80xi32, #tpu.memory_space<vmem>>
            %dma_start3A_114 = tpu.memref_squeeze %dma_start3A_113 : memref<1x80xi32, #tpu.memory_space<vmem>> -> memref<80xi32, #tpu.memory_space<vmem>>
            %dma_start3A_115 = tpu.memref_slice %arg4[%add3A_99] : memref<160000xi32, #tpu.memory_space<hbm>> -> memref<80xi32, #tpu.memory_space<hbm>>
            %dma_start3A_116 = arith.constant 0 : i32
            %dma_start3A_117 = tpu.memref_slice %arg12[%run_scoped3A_100, %dma_start3A_116] : memref<1x80xi32, #tpu.memory_space<vmem>> -> memref<1x80xi32, #tpu.memory_space<vmem>>
            %dma_start3A_118 = tpu.memref_squeeze %dma_start3A_117 : memref<1x80xi32, #tpu.memory_space<vmem>> -> memref<80xi32, #tpu.memory_space<vmem>>
            %dma_start3A_119 = tpu.memref_slice %arg4[%add3A_99] : memref<160000xi32, #tpu.memory_space<hbm>> -> memref<80xi32, #tpu.memory_space<hbm>>
            tpu.enqueue_dma source(%dma_start3A_119 : memref<80xi32, #tpu.memory_space<hbm>>) target(%dma_start3A_118 : memref<80xi32, #tpu.memory_space<vmem>>) target_semaphore(%run_scoped3A_112 : memref<!tpu.dma_semaphore, #tpu.memory_space<semaphore_mem>>)
            %dma_wait3A = arith.constant 0 : i32
            %dma_wait3A_120 = tpu.memref_slice %arg12[%run_scoped3A_100, %dma_wait3A] : memref<1x80xi32, #tpu.memory_space<vmem>> -> memref<1x80xi32, #tpu.memory_space<vmem>>
            %dma_wait3A_121 = tpu.memref_squeeze %dma_wait3A_120 : memref<1x80xi32, #tpu.memory_space<vmem>> -> memref<80xi32, #tpu.memory_space<vmem>>
            %dma_wait3A_122 = tpu.memref_slice %arg4[%add3A_99] : memref<160000xi32, #tpu.memory_space<hbm>> -> memref<80xi32, #tpu.memory_space<hbm>>
            %dma_wait3A_123 = arith.constant 0 : i32
            %dma_wait3A_124 = tpu.memref_slice %arg12[%run_scoped3A_100, %dma_wait3A_123] : memref<1x80xi32, #tpu.memory_space<vmem>> -> memref<1x80xi32, #tpu.memory_space<vmem>>
            %dma_wait3A_125 = tpu.memref_squeeze %dma_wait3A_124 : memref<1x80xi32, #tpu.memory_space<vmem>> -> memref<80xi32, #tpu.memory_space<vmem>>
            %dma_wait3A_126 = tpu.memref_slice %arg4[%add3A_99] : memref<160000xi32, #tpu.memory_space<hbm>> -> memref<80xi32, #tpu.memory_space<hbm>>
            tpu.wait_dma2 semaphore(%run_scoped3A_112 : memref<!tpu.dma_semaphore, #tpu.memory_space<semaphore_mem>>) src(%dma_wait3A_126 : memref<80xi32, #tpu.memory_space<hbm>>) dst(%dma_wait3A_125 : memref<80xi32, #tpu.memory_space<vmem>>)
            tpu.yield
          }) : () -> ()
          %run_scoped3A_101 = arith.constant 0 : i32
          "tpu.region"() ({
            %run_scoped3A_112 = tpu.sem_alloc : memref<!tpu.dma_semaphore, #tpu.memory_space<semaphore_mem>>
            %dma_start3A = arith.constant 0 : i32
            %dma_start3A_113 = tpu.memref_slice %arg10[%run_scoped3A_101, %dma_start3A] : memref<1x80xi32, #tpu.memory_space<vmem>> -> memref<1x80xi32, #tpu.memory_space<vmem>>
            %dma_start3A_114 = tpu.memref_squeeze %dma_start3A_113 : memref<1x80xi32, #tpu.memory_space<vmem>> -> memref<80xi32, #tpu.memory_space<vmem>>
            %dma_start3A_115 = tpu.memref_slice %arg5[%add3A_99] : memref<160000xi32, #tpu.memory_space<hbm>> -> memref<80xi32, #tpu.memory_space<hbm>>
            %dma_start3A_116 = arith.constant 0 : i32
            %dma_start3A_117 = tpu.memref_slice %arg10[%run_scoped3A_101, %dma_start3A_116] : memref<1x80xi32, #tpu.memory_space<vmem>> -> memref<1x80xi32, #tpu.memory_space<vmem>>
            %dma_start3A_118 = tpu.memref_squeeze %dma_start3A_117 : memref<1x80xi32, #tpu.memory_space<vmem>> -> memref<80xi32, #tpu.memory_space<vmem>>
            %dma_start3A_119 = tpu.memref_slice %arg5[%add3A_99] : memref<160000xi32, #tpu.memory_space<hbm>> -> memref<80xi32, #tpu.memory_space<hbm>>
            tpu.enqueue_dma source(%dma_start3A_119 : memref<80xi32, #tpu.memory_space<hbm>>) target(%dma_start3A_118 : memref<80xi32, #tpu.memory_space<vmem>>) target_semaphore(%run_scoped3A_112 : memref<!tpu.dma_semaphore, #tpu.memory_space<semaphore_mem>>)
            %dma_wait3A = arith.constant 0 : i32
            %dma_wait3A_120 = tpu.memref_slice %arg10[%run_scoped3A_101, %dma_wait3A] : memref<1x80xi32, #tpu.memory_space<vmem>> -> memref<1x80xi32, #tpu.memory_space<vmem>>
            %dma_wait3A_121 = tpu.memref_squeeze %dma_wait3A_120 : memref<1x80xi32, #tpu.memory_space<vmem>> -> memref<80xi32, #tpu.memory_space<vmem>>
            %dma_wait3A_122 = tpu.memref_slice %arg5[%add3A_99] : memref<160000xi32, #tpu.memory_space<hbm>> -> memref<80xi32, #tpu.memory_space<hbm>>
            %dma_wait3A_123 = arith.constant 0 : i32
            %dma_wait3A_124 = tpu.memref_slice %arg10[%run_scoped3A_101, %dma_wait3A_123] : memref<1x80xi32, #tpu.memory_space<vmem>> -> memref<1x80xi32, #tpu.memory_space<vmem>>
            %dma_wait3A_125 = tpu.memref_squeeze %dma_wait3A_124 : memref<1x80xi32, #tpu.memory_space<vmem>> -> memref<80xi32, #tpu.memory_space<vmem>>
            %dma_wait3A_126 = tpu.memref_slice %arg5[%add3A_99] : memref<160000xi32, #tpu.memory_space<hbm>> -> memref<80xi32, #tpu.memory_space<hbm>>
            tpu.wait_dma2 semaphore(%run_scoped3A_112 : memref<!tpu.dma_semaphore, #tpu.memory_space<semaphore_mem>>) src(%dma_wait3A_126 : memref<80xi32, #tpu.memory_space<hbm>>) dst(%dma_wait3A_125 : memref<80xi32, #tpu.memory_space<vmem>>)
            tpu.yield
          }) : () -> ()
          %eq3A_102 = arith.constant 0 : i32
          %eq3A_103 = arith.cmpi eq, %arg0, %eq3A_102 : i32
          %convert_element_type3A_104 = arith.extui %eq3A_103 : i1 to i32
          %cond3A_105 = arith.constant 0 : i32
          %cond3A_106 = arith.cmpi ne, %convert_element_type3A_104, %cond3A_105 : i32
          scf.if %cond3A_106 {
            %dma_start3A = arith.constant 0 : i32
            %dma_start3A_112 = arith.constant 0 : i32
            %dma_start3A_113 = tpu.memref_slice %arg12[%dma_start3A, %dma_start3A_112] : memref<1x80xi32, #tpu.memory_space<vmem>> -> memref<1x80xi32, #tpu.memory_space<vmem>>
            %dma_start3A_114 = tpu.memref_squeeze %dma_start3A_113 : memref<1x80xi32, #tpu.memory_space<vmem>> -> memref<80xi32, #tpu.memory_space<vmem>>
            %dma_start3A_115 = arith.constant 0 : i32
            %dma_start3A_116 = arith.constant 0 : i32
            %dma_start3A_117 = tpu.memref_slice %arg2[%dma_start3A_115, %dma_start3A_116] : memref<10000x128xf32, #tpu.memory_space<hbm>> -> memref<10000x128xf32, #tpu.memory_space<hbm>>
            tpu.enqueue_indirect_dma source(%dma_start3A_117 : memref<10000x128xf32, #tpu.memory_space<hbm>>) target(%arg14 : memref<80x128xf32, #tpu.memory_space<vmem>>) offsets(%dma_start3A_114 : memref<80xi32, #tpu.memory_space<vmem>>) semaphore(%arg16 : memref<!tpu.dma_semaphore, #tpu.memory_space<semaphore_mem>>)
          } else {
          }
          %eq3A_107 = arith.constant 1 : i32
          %eq3A_108 = arith.cmpi eq, %arg0, %eq3A_107 : i32
          %convert_element_type3A_109 = arith.extui %eq3A_108 : i1 to i32
          %cond3A_110 = arith.constant 0 : i32
          %cond3A_111 = arith.cmpi ne, %convert_element_type3A_109, %cond3A_110 : i32
          scf.if %cond3A_111 {
            %dma_start3A = arith.constant 0 : i32
            %dma_start3A_112 = arith.constant 0 : i32
            %dma_start3A_113 = tpu.memref_slice %arg12[%dma_start3A, %dma_start3A_112] : memref<1x80xi32, #tpu.memory_space<vmem>> -> memref<1x80xi32, #tpu.memory_space<vmem>>
            %dma_start3A_114 = tpu.memref_squeeze %dma_start3A_113 : memref<1x80xi32, #tpu.memory_space<vmem>> -> memref<80xi32, #tpu.memory_space<vmem>>
            %dma_start3A_115 = arith.constant 0 : i32
            %dma_start3A_116 = arith.constant 0 : i32
            %dma_start3A_117 = tpu.memref_slice %arg3[%dma_start3A_115, %dma_start3A_116] : memref<10000x128xf32, #tpu.memory_space<hbm>> -> memref<10000x128xf32, #tpu.memory_space<hbm>>
            tpu.enqueue_indirect_dma source(%dma_start3A_117 : memref<10000x128xf32, #tpu.memory_space<hbm>>) target(%arg14 : memref<80x128xf32, #tpu.memory_space<vmem>>) offsets(%dma_start3A_114 : memref<80xi32, #tpu.memory_space<vmem>>) semaphore(%arg16 : memref<!tpu.dma_semaphore, #tpu.memory_space<semaphore_mem>>)
          } else {
          }
        } else {
        }
        %eq3A_82 = arith.constant 0 : i32
        %eq3A_83 = arith.cmpi eq, %arg0, %eq3A_82 : i32
        %convert_element_type3A_84 = arith.extui %eq3A_83 : i1 to i32
        %cond3A_85 = arith.constant 0 : i32
        %cond3A_86 = arith.cmpi ne, %convert_element_type3A_84, %cond3A_85 : i32
        scf.if %cond3A_86 {
          %dma_wait3A = arith.constant 0 : i32
          %dma_wait3A_93 = arith.constant 0 : i32
          %dma_wait3A_94 = tpu.memref_slice %arg13[%dma_wait3A, %dma_wait3A_93] : memref<1x80xi32, #tpu.memory_space<vmem>> -> memref<1x80xi32, #tpu.memory_space<vmem>>
          %dma_wait3A_95 = tpu.memref_squeeze %dma_wait3A_94 : memref<1x80xi32, #tpu.memory_space<vmem>> -> memref<80xi32, #tpu.memory_space<vmem>>
          %dma_wait3A_96 = arith.constant 0 : i32
          %dma_wait3A_97 = arith.constant 0 : i32
          %dma_wait3A_98 = tpu.memref_slice %arg2[%dma_wait3A_96, %dma_wait3A_97] : memref<10000x128xf32, #tpu.memory_space<hbm>> -> memref<10000x128xf32, #tpu.memory_space<hbm>>
          tpu.wait_indirect_dma semaphore(%arg17 : memref<!tpu.dma_semaphore, #tpu.memory_space<semaphore_mem>>) src(%dma_wait3A_98 : memref<10000x128xf32, #tpu.memory_space<hbm>>) dst(%arg15 : memref<80x128xf32, #tpu.memory_space<vmem>>)
        } else {
        }
        %eq3A_87 = arith.constant 1 : i32
        %eq3A_88 = arith.cmpi eq, %arg0, %eq3A_87 : i32
        %convert_element_type3A_89 = arith.extui %eq3A_88 : i1 to i32
        %cond3A_90 = arith.constant 0 : i32
        %cond3A_91 = arith.cmpi ne, %convert_element_type3A_89, %cond3A_90 : i32
        scf.if %cond3A_91 {
          %dma_wait3A = arith.constant 0 : i32
          %dma_wait3A_93 = arith.constant 0 : i32
          %dma_wait3A_94 = tpu.memref_slice %arg13[%dma_wait3A, %dma_wait3A_93] : memref<1x80xi32, #tpu.memory_space<vmem>> -> memref<1x80xi32, #tpu.memory_space<vmem>>
          %dma_wait3A_95 = tpu.memref_squeeze %dma_wait3A_94 : memref<1x80xi32, #tpu.memory_space<vmem>> -> memref<80xi32, #tpu.memory_space<vmem>>
          %dma_wait3A_96 = arith.constant 0 : i32
          %dma_wait3A_97 = arith.constant 0 : i32
          %dma_wait3A_98 = tpu.memref_slice %arg3[%dma_wait3A_96, %dma_wait3A_97] : memref<10000x128xf32, #tpu.memory_space<hbm>> -> memref<10000x128xf32, #tpu.memory_space<hbm>>
          tpu.wait_indirect_dma semaphore(%arg17 : memref<!tpu.dma_semaphore, #tpu.memory_space<semaphore_mem>>) src(%dma_wait3A_98 : memref<10000x128xf32, #tpu.memory_space<hbm>>) dst(%arg15 : memref<80x128xf32, #tpu.memory_space<vmem>>)
        } else {
        }
        %run_scoped3A_92 = arith.constant 0 : i32
        "tpu.region"() ({
          %run_scoped3A_93 = tpu.sem_alloc : memref<!tpu.dma_semaphore, #tpu.memory_space<semaphore_mem>>
          %dma_start3A = arith.constant 0 : i32
          %dma_start3A_94 = tpu.memref_slice %arg11[%run_scoped3A_92, %dma_start3A] : memref<1x80xi32, #tpu.memory_space<vmem>> -> memref<1x80xi32, #tpu.memory_space<vmem>>
          %dma_start3A_95 = tpu.memref_squeeze %dma_start3A_94 : memref<1x80xi32, #tpu.memory_space<vmem>> -> memref<80xi32, #tpu.memory_space<vmem>>
          %dma_start3A_96 = arith.constant 0 : i32
          %dma_start3A_97 = arith.constant 0 : i32
          %dma_start3A_98 = tpu.memref_slice %arg9[%dma_start3A_96, %dma_start3A_97] : memref<10240x128xf32, #tpu.memory_space<vmem_shared>> -> memref<10240x128xf32, #tpu.memory_space<vmem_shared>>
          tpu.enqueue_indirect_dma source(%arg15 : memref<80x128xf32, #tpu.memory_space<vmem>>) target(%dma_start3A_98 : memref<10240x128xf32, #tpu.memory_space<vmem_shared>>) offsets(%dma_start3A_95 : memref<80xi32, #tpu.memory_space<vmem>>) semaphore(%run_scoped3A_93 : memref<!tpu.dma_semaphore, #tpu.memory_space<semaphore_mem>>) {add = true}
          %dma_wait3A = arith.constant 0 : i32
          %dma_wait3A_99 = tpu.memref_slice %arg11[%run_scoped3A_92, %dma_wait3A] : memref<1x80xi32, #tpu.memory_space<vmem>> -> memref<1x80xi32, #tpu.memory_space<vmem>>
          %dma_wait3A_100 = tpu.memref_squeeze %dma_wait3A_99 : memref<1x80xi32, #tpu.memory_space<vmem>> -> memref<80xi32, #tpu.memory_space<vmem>>
          %dma_wait3A_101 = arith.constant 0 : i32
          %dma_wait3A_102 = arith.constant 0 : i32
          %dma_wait3A_103 = tpu.memref_slice %arg9[%dma_wait3A_101, %dma_wait3A_102] : memref<10240x128xf32, #tpu.memory_space<vmem_shared>> -> memref<10240x128xf32, #tpu.memory_space<vmem_shared>>
          tpu.wait_indirect_dma semaphore(%run_scoped3A_93 : memref<!tpu.dma_semaphore, #tpu.memory_space<semaphore_mem>>) src(%arg15 : memref<80x128xf32, #tpu.memory_space<vmem>>) dst(%dma_wait3A_103 : memref<10240x128xf32, #tpu.memory_space<vmem_shared>>)
          tpu.yield
        }) : () -> ()
      } else {
      }
      %scan3A_74 = arith.constant 0 : i32
      scf.yield %scan3A_74 : i32
    }
    %scan3A_24 = arith.constant 125 : i32
    %barrier3A_25 = arith.constant 0 : index
    tpu.barrier barrier_id(%barrier3A_25)
    %eq3A_26 = arith.constant 0 : i32
    %eq3A_27 = arith.cmpi eq, %arg0, %eq3A_26 : i32
    %convert_element_type3A_28 = arith.extui %eq3A_27 : i1 to i32
    %cond3A_29 = arith.constant 0 : i32
    %cond3A_30 = arith.cmpi ne, %convert_element_type3A_28, %cond3A_29 : i32
    scf.if %cond3A_30 {
      "tpu.region"() ({
        %run_scoped3A_36 = tpu.sem_alloc : memref<!tpu.dma_semaphore, #tpu.memory_space<semaphore_mem>>
        %dma_start3A = arith.constant 0 : i32
        %dma_start3A_37 = tpu.memref_slice %arg7[%mul3A_0, %dma_start3A] : memref<10240x128xf32, #tpu.memory_space<hbm>> -> memref<640x128xf32, #tpu.memory_space<hbm>>
        %dma_start3A_38 = arith.constant 0 : i32
        %dma_start3A_39 = tpu.memref_slice %arg9[%mul3A_0, %dma_start3A_38] : memref<10240x128xf32, #tpu.memory_space<vmem_shared>> -> memref<640x128xf32, #tpu.memory_space<vmem_shared>>
        tpu.enqueue_dma source(%dma_start3A_39 : memref<640x128xf32, #tpu.memory_space<vmem_shared>>) target(%dma_start3A_37 : memref<640x128xf32, #tpu.memory_space<hbm>>) target_semaphore(%run_scoped3A_36 : memref<!tpu.dma_semaphore, #tpu.memory_space<semaphore_mem>>)
        %dma_wait3A = arith.constant 0 : i32
        %dma_wait3A_40 = tpu.memref_slice %arg7[%mul3A_0, %dma_wait3A] : memref<10240x128xf32, #tpu.memory_space<hbm>> -> memref<640x128xf32, #tpu.memory_space<hbm>>
        %dma_wait3A_41 = arith.constant 0 : i32
        %dma_wait3A_42 = tpu.memref_slice %arg9[%mul3A_0, %dma_wait3A_41] : memref<10240x128xf32, #tpu.memory_space<vmem_shared>> -> memref<640x128xf32, #tpu.memory_space<vmem_shared>>
        tpu.wait_dma2 semaphore(%run_scoped3A_36 : memref<!tpu.dma_semaphore, #tpu.memory_space<semaphore_mem>>) src(%dma_wait3A_42 : memref<640x128xf32, #tpu.memory_space<vmem_shared>>) dst(%dma_wait3A_40 : memref<640x128xf32, #tpu.memory_space<hbm>>)
        tpu.yield
      }) : () -> ()
    } else {
    }
    %eq3A_31 = arith.constant 1 : i32
    %eq3A_32 = arith.cmpi eq, %arg0, %eq3A_31 : i32
    %convert_element_type3A_33 = arith.extui %eq3A_32 : i1 to i32
    %cond3A_34 = arith.constant 0 : i32
    %cond3A_35 = arith.cmpi ne, %convert_element_type3A_33, %cond3A_34 : i32
    scf.if %cond3A_35 {
      "tpu.region"() ({
        %run_scoped3A_36 = tpu.sem_alloc : memref<!tpu.dma_semaphore, #tpu.memory_space<semaphore_mem>>
        %dma_start3A = arith.constant 0 : i32
        %dma_start3A_37 = tpu.memref_slice %arg8[%mul3A_0, %dma_start3A] : memref<10240x128xf32, #tpu.memory_space<hbm>> -> memref<640x128xf32, #tpu.memory_space<hbm>>
        %dma_start3A_38 = arith.constant 0 : i32
        %dma_start3A_39 = tpu.memref_slice %arg9[%mul3A_0, %dma_start3A_38] : memref<10240x128xf32, #tpu.memory_space<vmem_shared>> -> memref<640x128xf32, #tpu.memory_space<vmem_shared>>
        tpu.enqueue_dma source(%dma_start3A_39 : memref<640x128xf32, #tpu.memory_space<vmem_shared>>) target(%dma_start3A_37 : memref<640x128xf32, #tpu.memory_space<hbm>>) target_semaphore(%run_scoped3A_36 : memref<!tpu.dma_semaphore, #tpu.memory_space<semaphore_mem>>)
        %dma_wait3A = arith.constant 0 : i32
        %dma_wait3A_40 = tpu.memref_slice %arg8[%mul3A_0, %dma_wait3A] : memref<10240x128xf32, #tpu.memory_space<hbm>> -> memref<640x128xf32, #tpu.memory_space<hbm>>
        %dma_wait3A_41 = arith.constant 0 : i32
        %dma_wait3A_42 = tpu.memref_slice %arg9[%mul3A_0, %dma_wait3A_41] : memref<10240x128xf32, #tpu.memory_space<vmem_shared>> -> memref<640x128xf32, #tpu.memory_space<vmem_shared>>
        tpu.wait_dma2 semaphore(%run_scoped3A_36 : memref<!tpu.dma_semaphore, #tpu.memory_space<semaphore_mem>>) src(%dma_wait3A_42 : memref<640x128xf32, #tpu.memory_space<vmem_shared>>) dst(%dma_wait3A_40 : memref<640x128xf32, #tpu.memory_space<hbm>>)
        tpu.yield
      }) : () -> ()
    } else {
    }
    return
  }
}

#map = affine_map<(d0, d1) -> (0)>
#map1 = affine_map<(d0, d1) -> (0, 0)>
module attributes {stable_mosaic.version = 14 : i64} {
  func.func @body(%arg0: i32, %arg1: i32, %arg2: memref<160000xi32, #tpu.memory_space<hbm>>, %arg3: memref<80x128xf32, #tpu.memory_space<hbm>>, %arg4: memref<10240x128xf32, #tpu.memory_space<hbm>>, %arg5: memref<10240x128xf32, #tpu.memory_space<hbm>>, %arg6: memref<10240x128xf32, #tpu.memory_space<vmem_shared>>, %arg7: memref<1x40xi32, #tpu.memory_space<vmem>>, %arg8: memref<40x128xf32, #tpu.memory_space<vmem>>) attributes {dimension_semantics = [#tpu.dimension_semantics<core_parallel>, #tpu.dimension_semantics<subcore_parallel>], iteration_bounds = array<i64: 2, 16>, scalar_prefetch = 0 : i64, scratch_operands = 3 : i64, tpu.core_type = #tpu.core_type<sc_vector_subcore>, window_params = [{transform_indices = #map}, {transform_indices = #map1}, {transform_indices = #map1}, {transform_indices = #map1}]} {
    %mul3A = arith.constant 640 : i32
    %mul3A_0 = arith.muli %arg1, %mul3A : i32
    %scan3A = arith.constant 0 : i32
    %scan3A_1 = arith.constant 0 : i32
    %scan3A_2 = arith.constant 16 : i32
    %scan3A_3 = arith.addi %scan3A_1, %scan3A_2 : i32
    %scan3A_4 = arith.constant 1 : i32
    %scan3A_5 = scf.for %scan3A_22 = %scan3A_1 to %scan3A_3 step %scan3A_4 iter_args(%scan3A_23 = %scan3A) -> (i32)  : i32 {
      %mul3A_24 = arith.constant 40 : i32
      %mul3A_25 = arith.muli %scan3A_22, %mul3A_24 : i32
      %add3A = arith.addi %mul3A_0, %mul3A_25 : i32
      "tpu.region"() ({
        %run_scoped3A = tpu.sem_alloc : memref<!tpu.dma_semaphore, #tpu.memory_space<semaphore_mem>>
        %dma_start3A = arith.constant 40 : i32
        %dma_start3A_27 = arith.constant 0 : i32
        %dma_start3A_28 = tpu.memref_slice %arg3[%dma_start3A, %dma_start3A_27] : memref<80x128xf32, #tpu.memory_space<hbm>> -> memref<40x128xf32, #tpu.memory_space<hbm>>
        %dma_start3A_29 = arith.constant 40 : i32
        %dma_start3A_30 = arith.constant 0 : i32
        %dma_start3A_31 = tpu.memref_slice %arg3[%dma_start3A_29, %dma_start3A_30] : memref<80x128xf32, #tpu.memory_space<hbm>> -> memref<40x128xf32, #tpu.memory_space<hbm>>
        tpu.enqueue_dma source(%dma_start3A_31 : memref<40x128xf32, #tpu.memory_space<hbm>>) target(%arg8 : memref<40x128xf32, #tpu.memory_space<vmem>>) target_semaphore(%run_scoped3A : memref<!tpu.dma_semaphore, #tpu.memory_space<semaphore_mem>>)
        %dma_wait3A = arith.constant 40 : i32
        %dma_wait3A_32 = arith.constant 0 : i32
        %dma_wait3A_33 = tpu.memref_slice %arg3[%dma_wait3A, %dma_wait3A_32] : memref<80x128xf32, #tpu.memory_space<hbm>> -> memref<40x128xf32, #tpu.memory_space<hbm>>
        %dma_wait3A_34 = arith.constant 40 : i32
        %dma_wait3A_35 = arith.constant 0 : i32
        %dma_wait3A_36 = tpu.memref_slice %arg3[%dma_wait3A_34, %dma_wait3A_35] : memref<80x128xf32, #tpu.memory_space<hbm>> -> memref<40x128xf32, #tpu.memory_space<hbm>>
        tpu.wait_dma2 semaphore(%run_scoped3A : memref<!tpu.dma_semaphore, #tpu.memory_space<semaphore_mem>>) src(%dma_wait3A_36 : memref<40x128xf32, #tpu.memory_space<hbm>>) dst(%arg8 : memref<40x128xf32, #tpu.memory_space<vmem>>)
        tpu.yield
      }) : () -> ()
      "tpu.region"() ({
        %run_scoped3A = tpu.sem_alloc : memref<!tpu.dma_semaphore, #tpu.memory_space<semaphore_mem>>
        %dma_start3A = arith.constant 0 : i32
        %dma_start3A_27 = tpu.memref_slice %arg6[%add3A, %dma_start3A] : memref<10240x128xf32, #tpu.memory_space<vmem_shared>> -> memref<40x128xf32, #tpu.memory_space<vmem_shared>>
        %dma_start3A_28 = arith.constant 0 : i32
        %dma_start3A_29 = tpu.memref_slice %arg6[%add3A, %dma_start3A_28] : memref<10240x128xf32, #tpu.memory_space<vmem_shared>> -> memref<40x128xf32, #tpu.memory_space<vmem_shared>>
        tpu.enqueue_dma source(%arg8 : memref<40x128xf32, #tpu.memory_space<vmem>>) target(%dma_start3A_29 : memref<40x128xf32, #tpu.memory_space<vmem_shared>>) target_semaphore(%run_scoped3A : memref<!tpu.dma_semaphore, #tpu.memory_space<semaphore_mem>>)
        %dma_wait3A = arith.constant 0 : i32
        %dma_wait3A_30 = tpu.memref_slice %arg6[%add3A, %dma_wait3A] : memref<10240x128xf32, #tpu.memory_space<vmem_shared>> -> memref<40x128xf32, #tpu.memory_space<vmem_shared>>
        %dma_wait3A_31 = arith.constant 0 : i32
        %dma_wait3A_32 = tpu.memref_slice %arg6[%add3A, %dma_wait3A_31] : memref<10240x128xf32, #tpu.memory_space<vmem_shared>> -> memref<40x128xf32, #tpu.memory_space<vmem_shared>>
        tpu.wait_dma2 semaphore(%run_scoped3A : memref<!tpu.dma_semaphore, #tpu.memory_space<semaphore_mem>>) src(%arg8 : memref<40x128xf32, #tpu.memory_space<vmem>>) dst(%dma_wait3A_32 : memref<40x128xf32, #tpu.memory_space<vmem_shared>>)
        tpu.yield
      }) : () -> ()
      %scan3A_26 = arith.constant 0 : i32
      scf.yield %scan3A_26 : i32
    }
    %scan3A_6 = arith.constant 16 : i32
    "tpu.region"() ({
      %run_scoped3A = tpu.sem_alloc : memref<!tpu.dma_semaphore, #tpu.memory_space<semaphore_mem>>
      %dma_start3A = arith.constant 0 : i32
      %dma_start3A_22 = arith.constant 0 : i32
      %dma_start3A_23 = tpu.memref_slice %arg3[%dma_start3A, %dma_start3A_22] : memref<80x128xf32, #tpu.memory_space<hbm>> -> memref<40x128xf32, #tpu.memory_space<hbm>>
      %dma_start3A_24 = arith.constant 0 : i32
      %dma_start3A_25 = arith.constant 0 : i32
      %dma_start3A_26 = tpu.memref_slice %arg3[%dma_start3A_24, %dma_start3A_25] : memref<80x128xf32, #tpu.memory_space<hbm>> -> memref<40x128xf32, #tpu.memory_space<hbm>>
      tpu.enqueue_dma source(%dma_start3A_26 : memref<40x128xf32, #tpu.memory_space<hbm>>) target(%arg8 : memref<40x128xf32, #tpu.memory_space<vmem>>) target_semaphore(%run_scoped3A : memref<!tpu.dma_semaphore, #tpu.memory_space<semaphore_mem>>)
      %dma_wait3A = arith.constant 0 : i32
      %dma_wait3A_27 = arith.constant 0 : i32
      %dma_wait3A_28 = tpu.memref_slice %arg3[%dma_wait3A, %dma_wait3A_27] : memref<80x128xf32, #tpu.memory_space<hbm>> -> memref<40x128xf32, #tpu.memory_space<hbm>>
      %dma_wait3A_29 = arith.constant 0 : i32
      %dma_wait3A_30 = arith.constant 0 : i32
      %dma_wait3A_31 = tpu.memref_slice %arg3[%dma_wait3A_29, %dma_wait3A_30] : memref<80x128xf32, #tpu.memory_space<hbm>> -> memref<40x128xf32, #tpu.memory_space<hbm>>
      tpu.wait_dma2 semaphore(%run_scoped3A : memref<!tpu.dma_semaphore, #tpu.memory_space<semaphore_mem>>) src(%dma_wait3A_31 : memref<40x128xf32, #tpu.memory_space<hbm>>) dst(%arg8 : memref<40x128xf32, #tpu.memory_space<vmem>>)
      tpu.yield
    }) : () -> ()
    %barrier3A = arith.constant 0 : index
    tpu.barrier barrier_id(%barrier3A)
    %scan3A_7 = arith.constant 0 : i32
    %scan3A_8 = arith.constant 0 : i32
    %scan3A_9 = arith.constant 125 : i32
    %scan3A_10 = arith.addi %scan3A_8, %scan3A_9 : i32
    %scan3A_11 = arith.constant 1 : i32
    %scan3A_12 = scf.for %scan3A_22 = %scan3A_8 to %scan3A_10 step %scan3A_11 iter_args(%scan3A_23 = %scan3A_7) -> (i32)  : i32 {
      %mul3A_24 = arith.constant 80000 : i32
      %mul3A_25 = arith.muli %arg0, %mul3A_24 : i32
      %mul3A_26 = arith.constant 5000 : i32
      %mul3A_27 = arith.muli %arg1, %mul3A_26 : i32
      %add3A = arith.addi %mul3A_25, %mul3A_27 : i32
      %mul3A_28 = arith.constant 40 : i32
      %mul3A_29 = arith.muli %scan3A_22, %mul3A_28 : i32
      %add3A_30 = arith.addi %add3A, %mul3A_29 : i32
      %run_scoped3A = arith.constant 0 : i32
      "tpu.region"() ({
        %run_scoped3A_33 = tpu.sem_alloc : memref<!tpu.dma_semaphore, #tpu.memory_space<semaphore_mem>>
        %dma_start3A = arith.constant 0 : i32
        %dma_start3A_34 = tpu.memref_slice %arg7[%run_scoped3A, %dma_start3A] : memref<1x40xi32, #tpu.memory_space<vmem>> -> memref<1x40xi32, #tpu.memory_space<vmem>>
        %dma_start3A_35 = tpu.memref_squeeze %dma_start3A_34 : memref<1x40xi32, #tpu.memory_space<vmem>> -> memref<40xi32, #tpu.memory_space<vmem>>
        %dma_start3A_36 = tpu.memref_slice %arg2[%add3A_30] : memref<160000xi32, #tpu.memory_space<hbm>> -> memref<40xi32, #tpu.memory_space<hbm>>
        %dma_start3A_37 = arith.constant 0 : i32
        %dma_start3A_38 = tpu.memref_slice %arg7[%run_scoped3A, %dma_start3A_37] : memref<1x40xi32, #tpu.memory_space<vmem>> -> memref<1x40xi32, #tpu.memory_space<vmem>>
        %dma_start3A_39 = tpu.memref_squeeze %dma_start3A_38 : memref<1x40xi32, #tpu.memory_space<vmem>> -> memref<40xi32, #tpu.memory_space<vmem>>
        %dma_start3A_40 = tpu.memref_slice %arg2[%add3A_30] : memref<160000xi32, #tpu.memory_space<hbm>> -> memref<40xi32, #tpu.memory_space<hbm>>
        tpu.enqueue_dma source(%dma_start3A_40 : memref<40xi32, #tpu.memory_space<hbm>>) target(%dma_start3A_39 : memref<40xi32, #tpu.memory_space<vmem>>) target_semaphore(%run_scoped3A_33 : memref<!tpu.dma_semaphore, #tpu.memory_space<semaphore_mem>>)
        %dma_wait3A = arith.constant 0 : i32
        %dma_wait3A_41 = tpu.memref_slice %arg7[%run_scoped3A, %dma_wait3A] : memref<1x40xi32, #tpu.memory_space<vmem>> -> memref<1x40xi32, #tpu.memory_space<vmem>>
        %dma_wait3A_42 = tpu.memref_squeeze %dma_wait3A_41 : memref<1x40xi32, #tpu.memory_space<vmem>> -> memref<40xi32, #tpu.memory_space<vmem>>
        %dma_wait3A_43 = tpu.memref_slice %arg2[%add3A_30] : memref<160000xi32, #tpu.memory_space<hbm>> -> memref<40xi32, #tpu.memory_space<hbm>>
        %dma_wait3A_44 = arith.constant 0 : i32
        %dma_wait3A_45 = tpu.memref_slice %arg7[%run_scoped3A, %dma_wait3A_44] : memref<1x40xi32, #tpu.memory_space<vmem>> -> memref<1x40xi32, #tpu.memory_space<vmem>>
        %dma_wait3A_46 = tpu.memref_squeeze %dma_wait3A_45 : memref<1x40xi32, #tpu.memory_space<vmem>> -> memref<40xi32, #tpu.memory_space<vmem>>
        %dma_wait3A_47 = tpu.memref_slice %arg2[%add3A_30] : memref<160000xi32, #tpu.memory_space<hbm>> -> memref<40xi32, #tpu.memory_space<hbm>>
        tpu.wait_dma2 semaphore(%run_scoped3A_33 : memref<!tpu.dma_semaphore, #tpu.memory_space<semaphore_mem>>) src(%dma_wait3A_47 : memref<40xi32, #tpu.memory_space<hbm>>) dst(%dma_wait3A_46 : memref<40xi32, #tpu.memory_space<vmem>>)
        tpu.yield
      }) : () -> ()
      %run_scoped3A_31 = arith.constant 0 : i32
      "tpu.region"() ({
        %run_scoped3A_33 = tpu.sem_alloc : memref<!tpu.dma_semaphore, #tpu.memory_space<semaphore_mem>>
        %dma_start3A = arith.constant 0 : i32
        %dma_start3A_34 = tpu.memref_slice %arg7[%run_scoped3A_31, %dma_start3A] : memref<1x40xi32, #tpu.memory_space<vmem>> -> memref<1x40xi32, #tpu.memory_space<vmem>>
        %dma_start3A_35 = tpu.memref_squeeze %dma_start3A_34 : memref<1x40xi32, #tpu.memory_space<vmem>> -> memref<40xi32, #tpu.memory_space<vmem>>
        %dma_start3A_36 = arith.constant 0 : i32
        %dma_start3A_37 = arith.constant 0 : i32
        %dma_start3A_38 = tpu.memref_slice %arg6[%dma_start3A_36, %dma_start3A_37] : memref<10240x128xf32, #tpu.memory_space<vmem_shared>> -> memref<10240x128xf32, #tpu.memory_space<vmem_shared>>
        tpu.enqueue_indirect_dma source(%arg8 : memref<40x128xf32, #tpu.memory_space<vmem>>) target(%dma_start3A_38 : memref<10240x128xf32, #tpu.memory_space<vmem_shared>>) offsets(%dma_start3A_35 : memref<40xi32, #tpu.memory_space<vmem>>) semaphore(%run_scoped3A_33 : memref<!tpu.dma_semaphore, #tpu.memory_space<semaphore_mem>>) {add = true}
        %dma_wait3A = arith.constant 0 : i32
        %dma_wait3A_39 = tpu.memref_slice %arg7[%run_scoped3A_31, %dma_wait3A] : memref<1x40xi32, #tpu.memory_space<vmem>> -> memref<1x40xi32, #tpu.memory_space<vmem>>
        %dma_wait3A_40 = tpu.memref_squeeze %dma_wait3A_39 : memref<1x40xi32, #tpu.memory_space<vmem>> -> memref<40xi32, #tpu.memory_space<vmem>>
        %dma_wait3A_41 = arith.constant 0 : i32
        %dma_wait3A_42 = arith.constant 0 : i32
        %dma_wait3A_43 = tpu.memref_slice %arg6[%dma_wait3A_41, %dma_wait3A_42] : memref<10240x128xf32, #tpu.memory_space<vmem_shared>> -> memref<10240x128xf32, #tpu.memory_space<vmem_shared>>
        tpu.wait_indirect_dma semaphore(%run_scoped3A_33 : memref<!tpu.dma_semaphore, #tpu.memory_space<semaphore_mem>>) src(%arg8 : memref<40x128xf32, #tpu.memory_space<vmem>>) dst(%dma_wait3A_43 : memref<10240x128xf32, #tpu.memory_space<vmem_shared>>)
        tpu.yield
      }) : () -> ()
      %scan3A_32 = arith.constant 0 : i32
      scf.yield %scan3A_32 : i32
    }
    %scan3A_13 = arith.constant 125 : i32
    %barrier3A_14 = arith.constant 0 : index
    tpu.barrier barrier_id(%barrier3A_14)
    %eq3A = arith.constant 0 : i32
    %eq3A_15 = arith.cmpi eq, %arg0, %eq3A : i32
    %convert_element_type3A = arith.extui %eq3A_15 : i1 to i32
    %cond3A = arith.constant 0 : i32
    %cond3A_16 = arith.cmpi ne, %convert_element_type3A, %cond3A : i32
    scf.if %cond3A_16 {
      "tpu.region"() ({
        %run_scoped3A = tpu.sem_alloc : memref<!tpu.dma_semaphore, #tpu.memory_space<semaphore_mem>>
        %dma_start3A = arith.constant 0 : i32
        %dma_start3A_22 = tpu.memref_slice %arg4[%mul3A_0, %dma_start3A] : memref<10240x128xf32, #tpu.memory_space<hbm>> -> memref<640x128xf32, #tpu.memory_space<hbm>>
        %dma_start3A_23 = arith.constant 0 : i32
        %dma_start3A_24 = tpu.memref_slice %arg6[%mul3A_0, %dma_start3A_23] : memref<10240x128xf32, #tpu.memory_space<vmem_shared>> -> memref<640x128xf32, #tpu.memory_space<vmem_shared>>
        tpu.enqueue_dma source(%dma_start3A_24 : memref<640x128xf32, #tpu.memory_space<vmem_shared>>) target(%dma_start3A_22 : memref<640x128xf32, #tpu.memory_space<hbm>>) target_semaphore(%run_scoped3A : memref<!tpu.dma_semaphore, #tpu.memory_space<semaphore_mem>>)
        %dma_wait3A = arith.constant 0 : i32
        %dma_wait3A_25 = tpu.memref_slice %arg4[%mul3A_0, %dma_wait3A] : memref<10240x128xf32, #tpu.memory_space<hbm>> -> memref<640x128xf32, #tpu.memory_space<hbm>>
        %dma_wait3A_26 = arith.constant 0 : i32
        %dma_wait3A_27 = tpu.memref_slice %arg6[%mul3A_0, %dma_wait3A_26] : memref<10240x128xf32, #tpu.memory_space<vmem_shared>> -> memref<640x128xf32, #tpu.memory_space<vmem_shared>>
        tpu.wait_dma2 semaphore(%run_scoped3A : memref<!tpu.dma_semaphore, #tpu.memory_space<semaphore_mem>>) src(%dma_wait3A_27 : memref<640x128xf32, #tpu.memory_space<vmem_shared>>) dst(%dma_wait3A_25 : memref<640x128xf32, #tpu.memory_space<hbm>>)
        tpu.yield
      }) : () -> ()
    } else {
    }
    %eq3A_17 = arith.constant 1 : i32
    %eq3A_18 = arith.cmpi eq, %arg0, %eq3A_17 : i32
    %convert_element_type3A_19 = arith.extui %eq3A_18 : i1 to i32
    %cond3A_20 = arith.constant 0 : i32
    %cond3A_21 = arith.cmpi ne, %convert_element_type3A_19, %cond3A_20 : i32
    scf.if %cond3A_21 {
      "tpu.region"() ({
        %run_scoped3A = tpu.sem_alloc : memref<!tpu.dma_semaphore, #tpu.memory_space<semaphore_mem>>
        %dma_start3A = arith.constant 0 : i32
        %dma_start3A_22 = tpu.memref_slice %arg5[%mul3A_0, %dma_start3A] : memref<10240x128xf32, #tpu.memory_space<hbm>> -> memref<640x128xf32, #tpu.memory_space<hbm>>
        %dma_start3A_23 = arith.constant 0 : i32
        %dma_start3A_24 = tpu.memref_slice %arg6[%mul3A_0, %dma_start3A_23] : memref<10240x128xf32, #tpu.memory_space<vmem_shared>> -> memref<640x128xf32, #tpu.memory_space<vmem_shared>>
        tpu.enqueue_dma source(%dma_start3A_24 : memref<640x128xf32, #tpu.memory_space<vmem_shared>>) target(%dma_start3A_22 : memref<640x128xf32, #tpu.memory_space<hbm>>) target_semaphore(%run_scoped3A : memref<!tpu.dma_semaphore, #tpu.memory_space<semaphore_mem>>)
        %dma_wait3A = arith.constant 0 : i32
        %dma_wait3A_25 = tpu.memref_slice %arg5[%mul3A_0, %dma_wait3A] : memref<10240x128xf32, #tpu.memory_space<hbm>> -> memref<640x128xf32, #tpu.memory_space<hbm>>
        %dma_wait3A_26 = arith.constant 0 : i32
        %dma_wait3A_27 = tpu.memref_slice %arg6[%mul3A_0, %dma_wait3A_26] : memref<10240x128xf32, #tpu.memory_space<vmem_shared>> -> memref<640x128xf32, #tpu.memory_space<vmem_shared>>
        tpu.wait_dma2 semaphore(%run_scoped3A : memref<!tpu.dma_semaphore, #tpu.memory_space<semaphore_mem>>) src(%dma_wait3A_27 : memref<640x128xf32, #tpu.memory_space<vmem_shared>>) dst(%dma_wait3A_25 : memref<640x128xf32, #tpu.memory_space<hbm>>)
        tpu.yield
      }) : () -> ()
    } else {
    }
    return
  }
}

#map = affine_map<(d0, d1) -> (0, 0)>
#map1 = affine_map<(d0, d1) -> (0)>
module attributes {stable_mosaic.version = 14 : i64} {
  func.func @body(%arg0: i32, %arg1: i32, %arg2: memref<10000x128xf32, #tpu.memory_space<hbm>>, %arg3: memref<10000x128xf32, #tpu.memory_space<hbm>>, %arg4: memref<160000xi32, #tpu.memory_space<hbm>>, %arg5: memref<160000xi32, #tpu.memory_space<hbm>>, %arg6: memref<10240x128xf32, #tpu.memory_space<hbm>>, %arg7: memref<10240x128xf32, #tpu.memory_space<hbm>>, %arg8: memref<10240x128xf32, #tpu.memory_space<hbm>>, %arg9: memref<10240x128xf32, #tpu.memory_space<vmem_shared>>, %arg10: memref<1x80xi32, #tpu.memory_space<vmem>>, %arg11: memref<1x80xi32, #tpu.memory_space<vmem>>, %arg12: memref<1x80xi32, #tpu.memory_space<vmem>>, %arg13: memref<1x80xi32, #tpu.memory_space<vmem>>, %arg14: memref<80x128xf32, #tpu.memory_space<vmem>>, %arg15: memref<80x128xf32, #tpu.memory_space<vmem>>, %arg16: memref<!tpu.dma_semaphore, #tpu.memory_space<semaphore_mem>>, %arg17: memref<!tpu.dma_semaphore, #tpu.memory_space<semaphore_mem>>) attributes {dimension_semantics = [#tpu.dimension_semantics<core_parallel>, #tpu.dimension_semantics<subcore_parallel>], iteration_bounds = array<i64: 2, 16>, scalar_prefetch = 0 : i64, scratch_operands = 9 : i64, tpu.core_type = #tpu.core_type<sc_vector_subcore>, window_params = [{transform_indices = #map}, {transform_indices = #map}, {transform_indices = #map1}, {transform_indices = #map1}, {transform_indices = #map}, {transform_indices = #map}, {transform_indices = #map}]} {
    %mul3A = arith.constant 640 : i32
    %mul3A_0 = arith.muli %arg1, %mul3A : i32
    %scan3A = arith.constant 0 : i32
    %scan3A_1 = arith.constant 0 : i32
    %scan3A_2 = arith.constant 8 : i32
    %scan3A_3 = arith.addi %scan3A_1, %scan3A_2 : i32
    %scan3A_4 = arith.constant 1 : i32
    %scan3A_5 = scf.for %scan3A_36 = %scan3A_1 to %scan3A_3 step %scan3A_4 iter_args(%scan3A_37 = %scan3A) -> (i32)  : i32 {
      %mul3A_38 = arith.constant 80 : i32
      %mul3A_39 = arith.muli %scan3A_36, %mul3A_38 : i32
      %add3A_40 = arith.addi %mul3A_0, %mul3A_39 : i32
      "tpu.region"() ({
        %run_scoped3A_42 = tpu.sem_alloc : memref<!tpu.dma_semaphore, #tpu.memory_space<semaphore_mem>>
        %dma_start3A = arith.constant 0 : i32
        %dma_start3A_43 = tpu.memref_slice %arg6[%add3A_40, %dma_start3A] : memref<10240x128xf32, #tpu.memory_space<hbm>> -> memref<80x128xf32, #tpu.memory_space<hbm>>
        %dma_start3A_44 = arith.constant 0 : i32
        %dma_start3A_45 = tpu.memref_slice %arg6[%add3A_40, %dma_start3A_44] : memref<10240x128xf32, #tpu.memory_space<hbm>> -> memref<80x128xf32, #tpu.memory_space<hbm>>
        tpu.enqueue_dma source(%dma_start3A_45 : memref<80x128xf32, #tpu.memory_space<hbm>>) target(%arg14 : memref<80x128xf32, #tpu.memory_space<vmem>>) target_semaphore(%run_scoped3A_42 : memref<!tpu.dma_semaphore, #tpu.memory_space<semaphore_mem>>)
        %dma_wait3A = arith.constant 0 : i32
        %dma_wait3A_46 = tpu.memref_slice %arg6[%add3A_40, %dma_wait3A] : memref<10240x128xf32, #tpu.memory_space<hbm>> -> memref<80x128xf32, #tpu.memory_space<hbm>>
        %dma_wait3A_47 = arith.constant 0 : i32
        %dma_wait3A_48 = tpu.memref_slice %arg6[%add3A_40, %dma_wait3A_47] : memref<10240x128xf32, #tpu.memory_space<hbm>> -> memref<80x128xf32, #tpu.memory_space<hbm>>
        tpu.wait_dma2 semaphore(%run_scoped3A_42 : memref<!tpu.dma_semaphore, #tpu.memory_space<semaphore_mem>>) src(%dma_wait3A_48 : memref<80x128xf32, #tpu.memory_space<hbm>>) dst(%arg14 : memref<80x128xf32, #tpu.memory_space<vmem>>)
        tpu.yield
      }) : () -> ()
      "tpu.region"() ({
        %run_scoped3A_42 = tpu.sem_alloc : memref<!tpu.dma_semaphore, #tpu.memory_space<semaphore_mem>>
        %dma_start3A = arith.constant 0 : i32
        %dma_start3A_43 = tpu.memref_slice %arg9[%add3A_40, %dma_start3A] : memref<10240x128xf32, #tpu.memory_space<vmem_shared>> -> memref<80x128xf32, #tpu.memory_space<vmem_shared>>
        %dma_start3A_44 = arith.constant 0 : i32
        %dma_start3A_45 = tpu.memref_slice %arg9[%add3A_40, %dma_start3A_44] : memref<10240x128xf32, #tpu.memory_space<vmem_shared>> -> memref<80x128xf32, #tpu.memory_space<vmem_shared>>
        tpu.enqueue_dma source(%arg14 : memref<80x128xf32, #tpu.memory_space<vmem>>) target(%dma_start3A_45 : memref<80x128xf32, #tpu.memory_space<vmem_shared>>) target_semaphore(%run_scoped3A_42 : memref<!tpu.dma_semaphore, #tpu.memory_space<semaphore_mem>>)
        %dma_wait3A = arith.constant 0 : i32
        %dma_wait3A_46 = tpu.memref_slice %arg9[%add3A_40, %dma_wait3A] : memref<10240x128xf32, #tpu.memory_space<vmem_shared>> -> memref<80x128xf32, #tpu.memory_space<vmem_shared>>
        %dma_wait3A_47 = arith.constant 0 : i32
        %dma_wait3A_48 = tpu.memref_slice %arg9[%add3A_40, %dma_wait3A_47] : memref<10240x128xf32, #tpu.memory_space<vmem_shared>> -> memref<80x128xf32, #tpu.memory_space<vmem_shared>>
        tpu.wait_dma2 semaphore(%run_scoped3A_42 : memref<!tpu.dma_semaphore, #tpu.memory_space<semaphore_mem>>) src(%arg14 : memref<80x128xf32, #tpu.memory_space<vmem>>) dst(%dma_wait3A_48 : memref<80x128xf32, #tpu.memory_space<vmem_shared>>)
        tpu.yield
      }) : () -> ()
      %scan3A_41 = arith.constant 0 : i32
      scf.yield %scan3A_41 : i32
    }
    %scan3A_6 = arith.constant 8 : i32
    %barrier3A = arith.constant 0 : index
    tpu.barrier barrier_id(%barrier3A)
    %mul3A_7 = arith.constant 10000 : i32
    %mul3A_8 = arith.muli %arg1, %mul3A_7 : i32
    %add3A = arith.constant 0 : i32
    %add3A_9 = arith.addi %mul3A_8, %add3A : i32
    %run_scoped3A = arith.constant 0 : i32
    "tpu.region"() ({
      %run_scoped3A_36 = tpu.sem_alloc : memref<!tpu.dma_semaphore, #tpu.memory_space<semaphore_mem>>
      %dma_start3A = arith.constant 0 : i32
      %dma_start3A_37 = tpu.memref_slice %arg12[%run_scoped3A, %dma_start3A] : memref<1x80xi32, #tpu.memory_space<vmem>> -> memref<1x80xi32, #tpu.memory_space<vmem>>
      %dma_start3A_38 = tpu.memref_squeeze %dma_start3A_37 : memref<1x80xi32, #tpu.memory_space<vmem>> -> memref<80xi32, #tpu.memory_space<vmem>>
      %dma_start3A_39 = tpu.memref_slice %arg4[%add3A_9] : memref<160000xi32, #tpu.memory_space<hbm>> -> memref<80xi32, #tpu.memory_space<hbm>>
      %dma_start3A_40 = arith.constant 0 : i32
      %dma_start3A_41 = tpu.memref_slice %arg12[%run_scoped3A, %dma_start3A_40] : memref<1x80xi32, #tpu.memory_space<vmem>> -> memref<1x80xi32, #tpu.memory_space<vmem>>
      %dma_start3A_42 = tpu.memref_squeeze %dma_start3A_41 : memref<1x80xi32, #tpu.memory_space<vmem>> -> memref<80xi32, #tpu.memory_space<vmem>>
      %dma_start3A_43 = tpu.memref_slice %arg4[%add3A_9] : memref<160000xi32, #tpu.memory_space<hbm>> -> memref<80xi32, #tpu.memory_space<hbm>>
      tpu.enqueue_dma source(%dma_start3A_43 : memref<80xi32, #tpu.memory_space<hbm>>) target(%dma_start3A_42 : memref<80xi32, #tpu.memory_space<vmem>>) target_semaphore(%run_scoped3A_36 : memref<!tpu.dma_semaphore, #tpu.memory_space<semaphore_mem>>)
      %dma_wait3A = arith.constant 0 : i32
      %dma_wait3A_44 = tpu.memref_slice %arg12[%run_scoped3A, %dma_wait3A] : memref<1x80xi32, #tpu.memory_space<vmem>> -> memref<1x80xi32, #tpu.memory_space<vmem>>
      %dma_wait3A_45 = tpu.memref_squeeze %dma_wait3A_44 : memref<1x80xi32, #tpu.memory_space<vmem>> -> memref<80xi32, #tpu.memory_space<vmem>>
      %dma_wait3A_46 = tpu.memref_slice %arg4[%add3A_9] : memref<160000xi32, #tpu.memory_space<hbm>> -> memref<80xi32, #tpu.memory_space<hbm>>
      %dma_wait3A_47 = arith.constant 0 : i32
      %dma_wait3A_48 = tpu.memref_slice %arg12[%run_scoped3A, %dma_wait3A_47] : memref<1x80xi32, #tpu.memory_space<vmem>> -> memref<1x80xi32, #tpu.memory_space<vmem>>
      %dma_wait3A_49 = tpu.memref_squeeze %dma_wait3A_48 : memref<1x80xi32, #tpu.memory_space<vmem>> -> memref<80xi32, #tpu.memory_space<vmem>>
      %dma_wait3A_50 = tpu.memref_slice %arg4[%add3A_9] : memref<160000xi32, #tpu.memory_space<hbm>> -> memref<80xi32, #tpu.memory_space<hbm>>
      tpu.wait_dma2 semaphore(%run_scoped3A_36 : memref<!tpu.dma_semaphore, #tpu.memory_space<semaphore_mem>>) src(%dma_wait3A_50 : memref<80xi32, #tpu.memory_space<hbm>>) dst(%dma_wait3A_49 : memref<80xi32, #tpu.memory_space<vmem>>)
      tpu.yield
    }) : () -> ()
    %run_scoped3A_10 = arith.constant 0 : i32
    "tpu.region"() ({
      %run_scoped3A_36 = tpu.sem_alloc : memref<!tpu.dma_semaphore, #tpu.memory_space<semaphore_mem>>
      %dma_start3A = arith.constant 0 : i32
      %dma_start3A_37 = tpu.memref_slice %arg10[%run_scoped3A_10, %dma_start3A] : memref<1x80xi32, #tpu.memory_space<vmem>> -> memref<1x80xi32, #tpu.memory_space<vmem>>
      %dma_start3A_38 = tpu.memref_squeeze %dma_start3A_37 : memref<1x80xi32, #tpu.memory_space<vmem>> -> memref<80xi32, #tpu.memory_space<vmem>>
      %dma_start3A_39 = tpu.memref_slice %arg5[%add3A_9] : memref<160000xi32, #tpu.memory_space<hbm>> -> memref<80xi32, #tpu.memory_space<hbm>>
      %dma_start3A_40 = arith.constant 0 : i32
      %dma_start3A_41 = tpu.memref_slice %arg10[%run_scoped3A_10, %dma_start3A_40] : memref<1x80xi32, #tpu.memory_space<vmem>> -> memref<1x80xi32, #tpu.memory_space<vmem>>
      %dma_start3A_42 = tpu.memref_squeeze %dma_start3A_41 : memref<1x80xi32, #tpu.memory_space<vmem>> -> memref<80xi32, #tpu.memory_space<vmem>>
      %dma_start3A_43 = tpu.memref_slice %arg5[%add3A_9] : memref<160000xi32, #tpu.memory_space<hbm>> -> memref<80xi32, #tpu.memory_space<hbm>>
      tpu.enqueue_dma source(%dma_start3A_43 : memref<80xi32, #tpu.memory_space<hbm>>) target(%dma_start3A_42 : memref<80xi32, #tpu.memory_space<vmem>>) target_semaphore(%run_scoped3A_36 : memref<!tpu.dma_semaphore, #tpu.memory_space<semaphore_mem>>)
      %dma_wait3A = arith.constant 0 : i32
      %dma_wait3A_44 = tpu.memref_slice %arg10[%run_scoped3A_10, %dma_wait3A] : memref<1x80xi32, #tpu.memory_space<vmem>> -> memref<1x80xi32, #tpu.memory_space<vmem>>
      %dma_wait3A_45 = tpu.memref_squeeze %dma_wait3A_44 : memref<1x80xi32, #tpu.memory_space<vmem>> -> memref<80xi32, #tpu.memory_space<vmem>>
      %dma_wait3A_46 = tpu.memref_slice %arg5[%add3A_9] : memref<160000xi32, #tpu.memory_space<hbm>> -> memref<80xi32, #tpu.memory_space<hbm>>
      %dma_wait3A_47 = arith.constant 0 : i32
      %dma_wait3A_48 = tpu.memref_slice %arg10[%run_scoped3A_10, %dma_wait3A_47] : memref<1x80xi32, #tpu.memory_space<vmem>> -> memref<1x80xi32, #tpu.memory_space<vmem>>
      %dma_wait3A_49 = tpu.memref_squeeze %dma_wait3A_48 : memref<1x80xi32, #tpu.memory_space<vmem>> -> memref<80xi32, #tpu.memory_space<vmem>>
      %dma_wait3A_50 = tpu.memref_slice %arg5[%add3A_9] : memref<160000xi32, #tpu.memory_space<hbm>> -> memref<80xi32, #tpu.memory_space<hbm>>
      tpu.wait_dma2 semaphore(%run_scoped3A_36 : memref<!tpu.dma_semaphore, #tpu.memory_space<semaphore_mem>>) src(%dma_wait3A_50 : memref<80xi32, #tpu.memory_space<hbm>>) dst(%dma_wait3A_49 : memref<80xi32, #tpu.memory_space<vmem>>)
      tpu.yield
    }) : () -> ()
    %eq3A = arith.constant 0 : i32
    %eq3A_11 = arith.cmpi eq, %arg0, %eq3A : i32
    %convert_element_type3A = arith.extui %eq3A_11 : i1 to i32
    %cond3A = arith.constant 0 : i32
    %cond3A_12 = arith.cmpi ne, %convert_element_type3A, %cond3A : i32
    scf.if %cond3A_12 {
      %dma_start3A = arith.constant 0 : i32
      %dma_start3A_36 = arith.constant 0 : i32
      %dma_start3A_37 = tpu.memref_slice %arg12[%dma_start3A, %dma_start3A_36] : memref<1x80xi32, #tpu.memory_space<vmem>> -> memref<1x80xi32, #tpu.memory_space<vmem>>
      %dma_start3A_38 = tpu.memref_squeeze %dma_start3A_37 : memref<1x80xi32, #tpu.memory_space<vmem>> -> memref<80xi32, #tpu.memory_space<vmem>>
      %dma_start3A_39 = arith.constant 0 : i32
      %dma_start3A_40 = arith.constant 0 : i32
      %dma_start3A_41 = tpu.memref_slice %arg2[%dma_start3A_39, %dma_start3A_40] : memref<10000x128xf32, #tpu.memory_space<hbm>> -> memref<10000x128xf32, #tpu.memory_space<hbm>>
      tpu.enqueue_indirect_dma source(%dma_start3A_41 : memref<10000x128xf32, #tpu.memory_space<hbm>>) target(%arg14 : memref<80x128xf32, #tpu.memory_space<vmem>>) offsets(%dma_start3A_38 : memref<80xi32, #tpu.memory_space<vmem>>) semaphore(%arg16 : memref<!tpu.dma_semaphore, #tpu.memory_space<semaphore_mem>>)
    } else {
    }
    %eq3A_13 = arith.constant 1 : i32
    %eq3A_14 = arith.cmpi eq, %arg0, %eq3A_13 : i32
    %convert_element_type3A_15 = arith.extui %eq3A_14 : i1 to i32
    %cond3A_16 = arith.constant 0 : i32
    %cond3A_17 = arith.cmpi ne, %convert_element_type3A_15, %cond3A_16 : i32
    scf.if %cond3A_17 {
      %dma_start3A = arith.constant 0 : i32
      %dma_start3A_36 = arith.constant 0 : i32
      %dma_start3A_37 = tpu.memref_slice %arg12[%dma_start3A, %dma_start3A_36] : memref<1x80xi32, #tpu.memory_space<vmem>> -> memref<1x80xi32, #tpu.memory_space<vmem>>
      %dma_start3A_38 = tpu.memref_squeeze %dma_start3A_37 : memref<1x80xi32, #tpu.memory_space<vmem>> -> memref<80xi32, #tpu.memory_space<vmem>>
      %dma_start3A_39 = arith.constant 0 : i32
      %dma_start3A_40 = arith.constant 0 : i32
      %dma_start3A_41 = tpu.memref_slice %arg3[%dma_start3A_39, %dma_start3A_40] : memref<10000x128xf32, #tpu.memory_space<hbm>> -> memref<10000x128xf32, #tpu.memory_space<hbm>>
      tpu.enqueue_indirect_dma source(%dma_start3A_41 : memref<10000x128xf32, #tpu.memory_space<hbm>>) target(%arg14 : memref<80x128xf32, #tpu.memory_space<vmem>>) offsets(%dma_start3A_38 : memref<80xi32, #tpu.memory_space<vmem>>) semaphore(%arg16 : memref<!tpu.dma_semaphore, #tpu.memory_space<semaphore_mem>>)
    } else {
    }
    %scan3A_18 = arith.constant 0 : i32
    %scan3A_19 = arith.constant 0 : i32
    %scan3A_20 = arith.constant 125 : i32
    %scan3A_21 = arith.addi %scan3A_19, %scan3A_20 : i32
    %scan3A_22 = arith.constant 1 : i32
    %scan3A_23 = scf.for %scan3A_36 = %scan3A_19 to %scan3A_21 step %scan3A_22 iter_args(%scan3A_37 = %scan3A_18) -> (i32)  : i32 {
      %jit3A = arith.constant 2 : i32
      %eq3A_38 = arith.constant 0 : i32
      %eq3A_39 = arith.cmpi eq, %jit3A, %eq3A_38 : i32
      %jit3A_40 = arith.constant 1 : i32
      %select_n3A = arith.select %eq3A_39, %jit3A_40, %jit3A : i32
      %rem3A = arith.remsi %scan3A_36, %select_n3A : i32
      %ne3A = arith.constant 0 : i32
      %ne3A_41 = arith.cmpi ne, %rem3A, %ne3A : i32
      %lt3A = arith.constant 0 : i32
      %lt3A_42 = arith.cmpi slt, %rem3A, %lt3A : i32
      %lt3A_43 = arith.constant 0 : i32
      %lt3A_44 = arith.cmpi slt, %select_n3A, %lt3A_43 : i32
      %ne3A_45 = arith.xori %lt3A_42, %lt3A_44 : i1
      %and3A = arith.andi %ne3A_45, %ne3A_41 : i1
      %add3A_46 = arith.addi %rem3A, %select_n3A : i32
      %select_n3A_47 = arith.select %and3A, %add3A_46, %rem3A : i32
      %eq3A_48 = arith.constant 0 : i32
      %eq3A_49 = arith.cmpi eq, %select_n3A_47, %eq3A_48 : i32
      %convert_element_type3A_50 = arith.extui %eq3A_49 : i1 to i32
      %cond3A_51 = arith.constant 0 : i32
      %cond3A_52 = arith.cmpi ne, %convert_element_type3A_50, %cond3A_51 : i32
      scf.if %cond3A_52 {
        %add3A_75 = arith.constant 1 : i32
        %add3A_76 = arith.addi %scan3A_36, %add3A_75 : i32
        %lt3A_77 = arith.constant 125 : i32
        %lt3A_78 = arith.cmpi slt, %add3A_76, %lt3A_77 : i32
        %convert_element_type3A_79 = arith.extui %lt3A_78 : i1 to i32
        %cond3A_80 = arith.constant 0 : i32
        %cond3A_81 = arith.cmpi ne, %convert_element_type3A_79, %cond3A_80 : i32
        scf.if %cond3A_81 {
          %add3A_93 = arith.constant 1 : i32
          %add3A_94 = arith.addi %scan3A_36, %add3A_93 : i32
          %mul3A_95 = arith.constant 10000 : i32
          %mul3A_96 = arith.muli %arg1, %mul3A_95 : i32
          %mul3A_97 = arith.constant 80 : i32
          %mul3A_98 = arith.muli %add3A_94, %mul3A_97 : i32
          %add3A_99 = arith.addi %mul3A_96, %mul3A_98 : i32
          %run_scoped3A_100 = arith.constant 0 : i32
          "tpu.region"() ({
            %run_scoped3A_112 = tpu.sem_alloc : memref<!tpu.dma_semaphore, #tpu.memory_space<semaphore_mem>>
            %dma_start3A = arith.constant 0 : i32
            %dma_start3A_113 = tpu.memref_slice %arg13[%run_scoped3A_100, %dma_start3A] : memref<1x80xi32, #tpu.memory_space<vmem>> -> memref<1x80xi32, #tpu.memory_space<vmem>>
            %dma_start3A_114 = tpu.memref_squeeze %dma_start3A_113 : memref<1x80xi32, #tpu.memory_space<vmem>> -> memref<80xi32, #tpu.memory_space<vmem>>
            %dma_start3A_115 = tpu.memref_slice %arg4[%add3A_99] : memref<160000xi32, #tpu.memory_space<hbm>> -> memref<80xi32, #tpu.memory_space<hbm>>
            %dma_start3A_116 = arith.constant 0 : i32
            %dma_start3A_117 = tpu.memref_slice %arg13[%run_scoped3A_100, %dma_start3A_116] : memref<1x80xi32, #tpu.memory_space<vmem>> -> memref<1x80xi32, #tpu.memory_space<vmem>>
            %dma_start3A_118 = tpu.memref_squeeze %dma_start3A_117 : memref<1x80xi32, #tpu.memory_space<vmem>> -> memref<80xi32, #tpu.memory_space<vmem>>
            %dma_start3A_119 = tpu.memref_slice %arg4[%add3A_99] : memref<160000xi32, #tpu.memory_space<hbm>> -> memref<80xi32, #tpu.memory_space<hbm>>
            tpu.enqueue_dma source(%dma_start3A_119 : memref<80xi32, #tpu.memory_space<hbm>>) target(%dma_start3A_118 : memref<80xi32, #tpu.memory_space<vmem>>) target_semaphore(%run_scoped3A_112 : memref<!tpu.dma_semaphore, #tpu.memory_space<semaphore_mem>>)
            %dma_wait3A = arith.constant 0 : i32
            %dma_wait3A_120 = tpu.memref_slice %arg13[%run_scoped3A_100, %dma_wait3A] : memref<1x80xi32, #tpu.memory_space<vmem>> -> memref<1x80xi32, #tpu.memory_space<vmem>>
            %dma_wait3A_121 = tpu.memref_squeeze %dma_wait3A_120 : memref<1x80xi32, #tpu.memory_space<vmem>> -> memref<80xi32, #tpu.memory_space<vmem>>
            %dma_wait3A_122 = tpu.memref_slice %arg4[%add3A_99] : memref<160000xi32, #tpu.memory_space<hbm>> -> memref<80xi32, #tpu.memory_space<hbm>>
            %dma_wait3A_123 = arith.constant 0 : i32
            %dma_wait3A_124 = tpu.memref_slice %arg13[%run_scoped3A_100, %dma_wait3A_123] : memref<1x80xi32, #tpu.memory_space<vmem>> -> memref<1x80xi32, #tpu.memory_space<vmem>>
            %dma_wait3A_125 = tpu.memref_squeeze %dma_wait3A_124 : memref<1x80xi32, #tpu.memory_space<vmem>> -> memref<80xi32, #tpu.memory_space<vmem>>
            %dma_wait3A_126 = tpu.memref_slice %arg4[%add3A_99] : memref<160000xi32, #tpu.memory_space<hbm>> -> memref<80xi32, #tpu.memory_space<hbm>>
            tpu.wait_dma2 semaphore(%run_scoped3A_112 : memref<!tpu.dma_semaphore, #tpu.memory_space<semaphore_mem>>) src(%dma_wait3A_126 : memref<80xi32, #tpu.memory_space<hbm>>) dst(%dma_wait3A_125 : memref<80xi32, #tpu.memory_space<vmem>>)
            tpu.yield
          }) : () -> ()
          %run_scoped3A_101 = arith.constant 0 : i32
          "tpu.region"() ({
            %run_scoped3A_112 = tpu.sem_alloc : memref<!tpu.dma_semaphore, #tpu.memory_space<semaphore_mem>>
            %dma_start3A = arith.constant 0 : i32
            %dma_start3A_113 = tpu.memref_slice %arg11[%run_scoped3A_101, %dma_start3A] : memref<1x80xi32, #tpu.memory_space<vmem>> -> memref<1x80xi32, #tpu.memory_space<vmem>>
            %dma_start3A_114 = tpu.memref_squeeze %dma_start3A_113 : memref<1x80xi32, #tpu.memory_space<vmem>> -> memref<80xi32, #tpu.memory_space<vmem>>
            %dma_start3A_115 = tpu.memref_slice %arg5[%add3A_99] : memref<160000xi32, #tpu.memory_space<hbm>> -> memref<80xi32, #tpu.memory_space<hbm>>
            %dma_start3A_116 = arith.constant 0 : i32
            %dma_start3A_117 = tpu.memref_slice %arg11[%run_scoped3A_101, %dma_start3A_116] : memref<1x80xi32, #tpu.memory_space<vmem>> -> memref<1x80xi32, #tpu.memory_space<vmem>>
            %dma_start3A_118 = tpu.memref_squeeze %dma_start3A_117 : memref<1x80xi32, #tpu.memory_space<vmem>> -> memref<80xi32, #tpu.memory_space<vmem>>
            %dma_start3A_119 = tpu.memref_slice %arg5[%add3A_99] : memref<160000xi32, #tpu.memory_space<hbm>> -> memref<80xi32, #tpu.memory_space<hbm>>
            tpu.enqueue_dma source(%dma_start3A_119 : memref<80xi32, #tpu.memory_space<hbm>>) target(%dma_start3A_118 : memref<80xi32, #tpu.memory_space<vmem>>) target_semaphore(%run_scoped3A_112 : memref<!tpu.dma_semaphore, #tpu.memory_space<semaphore_mem>>)
            %dma_wait3A = arith.constant 0 : i32
            %dma_wait3A_120 = tpu.memref_slice %arg11[%run_scoped3A_101, %dma_wait3A] : memref<1x80xi32, #tpu.memory_space<vmem>> -> memref<1x80xi32, #tpu.memory_space<vmem>>
            %dma_wait3A_121 = tpu.memref_squeeze %dma_wait3A_120 : memref<1x80xi32, #tpu.memory_space<vmem>> -> memref<80xi32, #tpu.memory_space<vmem>>
            %dma_wait3A_122 = tpu.memref_slice %arg5[%add3A_99] : memref<160000xi32, #tpu.memory_space<hbm>> -> memref<80xi32, #tpu.memory_space<hbm>>
            %dma_wait3A_123 = arith.constant 0 : i32
            %dma_wait3A_124 = tpu.memref_slice %arg11[%run_scoped3A_101, %dma_wait3A_123] : memref<1x80xi32, #tpu.memory_space<vmem>> -> memref<1x80xi32, #tpu.memory_space<vmem>>
            %dma_wait3A_125 = tpu.memref_squeeze %dma_wait3A_124 : memref<1x80xi32, #tpu.memory_space<vmem>> -> memref<80xi32, #tpu.memory_space<vmem>>
            %dma_wait3A_126 = tpu.memref_slice %arg5[%add3A_99] : memref<160000xi32, #tpu.memory_space<hbm>> -> memref<80xi32, #tpu.memory_space<hbm>>
            tpu.wait_dma2 semaphore(%run_scoped3A_112 : memref<!tpu.dma_semaphore, #tpu.memory_space<semaphore_mem>>) src(%dma_wait3A_126 : memref<80xi32, #tpu.memory_space<hbm>>) dst(%dma_wait3A_125 : memref<80xi32, #tpu.memory_space<vmem>>)
            tpu.yield
          }) : () -> ()
          %eq3A_102 = arith.constant 0 : i32
          %eq3A_103 = arith.cmpi eq, %arg0, %eq3A_102 : i32
          %convert_element_type3A_104 = arith.extui %eq3A_103 : i1 to i32
          %cond3A_105 = arith.constant 0 : i32
          %cond3A_106 = arith.cmpi ne, %convert_element_type3A_104, %cond3A_105 : i32
          scf.if %cond3A_106 {
            %dma_start3A = arith.constant 0 : i32
            %dma_start3A_112 = arith.constant 0 : i32
            %dma_start3A_113 = tpu.memref_slice %arg13[%dma_start3A, %dma_start3A_112] : memref<1x80xi32, #tpu.memory_space<vmem>> -> memref<1x80xi32, #tpu.memory_space<vmem>>
            %dma_start3A_114 = tpu.memref_squeeze %dma_start3A_113 : memref<1x80xi32, #tpu.memory_space<vmem>> -> memref<80xi32, #tpu.memory_space<vmem>>
            %dma_start3A_115 = arith.constant 0 : i32
            %dma_start3A_116 = arith.constant 0 : i32
            %dma_start3A_117 = tpu.memref_slice %arg2[%dma_start3A_115, %dma_start3A_116] : memref<10000x128xf32, #tpu.memory_space<hbm>> -> memref<10000x128xf32, #tpu.memory_space<hbm>>
            tpu.enqueue_indirect_dma source(%dma_start3A_117 : memref<10000x128xf32, #tpu.memory_space<hbm>>) target(%arg15 : memref<80x128xf32, #tpu.memory_space<vmem>>) offsets(%dma_start3A_114 : memref<80xi32, #tpu.memory_space<vmem>>) semaphore(%arg17 : memref<!tpu.dma_semaphore, #tpu.memory_space<semaphore_mem>>)
          } else {
          }
          %eq3A_107 = arith.constant 1 : i32
          %eq3A_108 = arith.cmpi eq, %arg0, %eq3A_107 : i32
          %convert_element_type3A_109 = arith.extui %eq3A_108 : i1 to i32
          %cond3A_110 = arith.constant 0 : i32
          %cond3A_111 = arith.cmpi ne, %convert_element_type3A_109, %cond3A_110 : i32
          scf.if %cond3A_111 {
            %dma_start3A = arith.constant 0 : i32
            %dma_start3A_112 = arith.constant 0 : i32
            %dma_start3A_113 = tpu.memref_slice %arg13[%dma_start3A, %dma_start3A_112] : memref<1x80xi32, #tpu.memory_space<vmem>> -> memref<1x80xi32, #tpu.memory_space<vmem>>
            %dma_start3A_114 = tpu.memref_squeeze %dma_start3A_113 : memref<1x80xi32, #tpu.memory_space<vmem>> -> memref<80xi32, #tpu.memory_space<vmem>>
            %dma_start3A_115 = arith.constant 0 : i32
            %dma_start3A_116 = arith.constant 0 : i32
            %dma_start3A_117 = tpu.memref_slice %arg3[%dma_start3A_115, %dma_start3A_116] : memref<10000x128xf32, #tpu.memory_space<hbm>> -> memref<10000x128xf32, #tpu.memory_space<hbm>>
            tpu.enqueue_indirect_dma source(%dma_start3A_117 : memref<10000x128xf32, #tpu.memory_space<hbm>>) target(%arg15 : memref<80x128xf32, #tpu.memory_space<vmem>>) offsets(%dma_start3A_114 : memref<80xi32, #tpu.memory_space<vmem>>) semaphore(%arg17 : memref<!tpu.dma_semaphore, #tpu.memory_space<semaphore_mem>>)
          } else {
          }
        } else {
        }
        %eq3A_82 = arith.constant 0 : i32
        %eq3A_83 = arith.cmpi eq, %arg0, %eq3A_82 : i32
        %convert_element_type3A_84 = arith.extui %eq3A_83 : i1 to i32
        %cond3A_85 = arith.constant 0 : i32
        %cond3A_86 = arith.cmpi ne, %convert_element_type3A_84, %cond3A_85 : i32
        scf.if %cond3A_86 {
          %dma_wait3A = arith.constant 0 : i32
          %dma_wait3A_93 = arith.constant 0 : i32
          %dma_wait3A_94 = tpu.memref_slice %arg12[%dma_wait3A, %dma_wait3A_93] : memref<1x80xi32, #tpu.memory_space<vmem>> -> memref<1x80xi32, #tpu.memory_space<vmem>>
          %dma_wait3A_95 = tpu.memref_squeeze %dma_wait3A_94 : memref<1x80xi32, #tpu.memory_space<vmem>> -> memref<80xi32, #tpu.memory_space<vmem>>
          %dma_wait3A_96 = arith.constant 0 : i32
          %dma_wait3A_97 = arith.constant 0 : i32
          %dma_wait3A_98 = tpu.memref_slice %arg2[%dma_wait3A_96, %dma_wait3A_97] : memref<10000x128xf32, #tpu.memory_space<hbm>> -> memref<10000x128xf32, #tpu.memory_space<hbm>>
          tpu.wait_indirect_dma semaphore(%arg16 : memref<!tpu.dma_semaphore, #tpu.memory_space<semaphore_mem>>) src(%dma_wait3A_98 : memref<10000x128xf32, #tpu.memory_space<hbm>>) dst(%arg14 : memref<80x128xf32, #tpu.memory_space<vmem>>)
        } else {
        }
        %eq3A_87 = arith.constant 1 : i32
        %eq3A_88 = arith.cmpi eq, %arg0, %eq3A_87 : i32
        %convert_element_type3A_89 = arith.extui %eq3A_88 : i1 to i32
        %cond3A_90 = arith.constant 0 : i32
        %cond3A_91 = arith.cmpi ne, %convert_element_type3A_89, %cond3A_90 : i32
        scf.if %cond3A_91 {
          %dma_wait3A = arith.constant 0 : i32
          %dma_wait3A_93 = arith.constant 0 : i32
          %dma_wait3A_94 = tpu.memref_slice %arg12[%dma_wait3A, %dma_wait3A_93] : memref<1x80xi32, #tpu.memory_space<vmem>> -> memref<1x80xi32, #tpu.memory_space<vmem>>
          %dma_wait3A_95 = tpu.memref_squeeze %dma_wait3A_94 : memref<1x80xi32, #tpu.memory_space<vmem>> -> memref<80xi32, #tpu.memory_space<vmem>>
          %dma_wait3A_96 = arith.constant 0 : i32
          %dma_wait3A_97 = arith.constant 0 : i32
          %dma_wait3A_98 = tpu.memref_slice %arg3[%dma_wait3A_96, %dma_wait3A_97] : memref<10000x128xf32, #tpu.memory_space<hbm>> -> memref<10000x128xf32, #tpu.memory_space<hbm>>
          tpu.wait_indirect_dma semaphore(%arg16 : memref<!tpu.dma_semaphore, #tpu.memory_space<semaphore_mem>>) src(%dma_wait3A_98 : memref<10000x128xf32, #tpu.memory_space<hbm>>) dst(%arg14 : memref<80x128xf32, #tpu.memory_space<vmem>>)
        } else {
        }
        %run_scoped3A_92 = arith.constant 0 : i32
        "tpu.region"() ({
          %run_scoped3A_93 = tpu.sem_alloc : memref<!tpu.dma_semaphore, #tpu.memory_space<semaphore_mem>>
          %dma_start3A = arith.constant 0 : i32
          %dma_start3A_94 = tpu.memref_slice %arg10[%run_scoped3A_92, %dma_start3A] : memref<1x80xi32, #tpu.memory_space<vmem>> -> memref<1x80xi32, #tpu.memory_space<vmem>>
          %dma_start3A_95 = tpu.memref_squeeze %dma_start3A_94 : memref<1x80xi32, #tpu.memory_space<vmem>> -> memref<80xi32, #tpu.memory_space<vmem>>
          %dma_start3A_96 = arith.constant 0 : i32
          %dma_start3A_97 = arith.constant 0 : i32
          %dma_start3A_98 = tpu.memref_slice %arg9[%dma_start3A_96, %dma_start3A_97] : memref<10240x128xf32, #tpu.memory_space<vmem_shared>> -> memref<10240x128xf32, #tpu.memory_space<vmem_shared>>
          tpu.enqueue_indirect_dma source(%arg14 : memref<80x128xf32, #tpu.memory_space<vmem>>) target(%dma_start3A_98 : memref<10240x128xf32, #tpu.memory_space<vmem_shared>>) offsets(%dma_start3A_95 : memref<80xi32, #tpu.memory_space<vmem>>) semaphore(%run_scoped3A_93 : memref<!tpu.dma_semaphore, #tpu.memory_space<semaphore_mem>>) {add = true}
          %dma_wait3A = arith.constant 0 : i32
          %dma_wait3A_99 = tpu.memref_slice %arg10[%run_scoped3A_92, %dma_wait3A] : memref<1x80xi32, #tpu.memory_space<vmem>> -> memref<1x80xi32, #tpu.memory_space<vmem>>
          %dma_wait3A_100 = tpu.memref_squeeze %dma_wait3A_99 : memref<1x80xi32, #tpu.memory_space<vmem>> -> memref<80xi32, #tpu.memory_space<vmem>>
          %dma_wait3A_101 = arith.constant 0 : i32
          %dma_wait3A_102 = arith.constant 0 : i32
          %dma_wait3A_103 = tpu.memref_slice %arg9[%dma_wait3A_101, %dma_wait3A_102] : memref<10240x128xf32, #tpu.memory_space<vmem_shared>> -> memref<10240x128xf32, #tpu.memory_space<vmem_shared>>
          tpu.wait_indirect_dma semaphore(%run_scoped3A_93 : memref<!tpu.dma_semaphore, #tpu.memory_space<semaphore_mem>>) src(%arg14 : memref<80x128xf32, #tpu.memory_space<vmem>>) dst(%dma_wait3A_103 : memref<10240x128xf32, #tpu.memory_space<vmem_shared>>)
          tpu.yield
        }) : () -> ()
      } else {
      }
      %jit3A_53 = arith.constant 2 : i32
      %eq3A_54 = arith.constant 0 : i32
      %eq3A_55 = arith.cmpi eq, %jit3A_53, %eq3A_54 : i32
      %jit3A_56 = arith.constant 1 : i32
      %select_n3A_57 = arith.select %eq3A_55, %jit3A_56, %jit3A_53 : i32
      %rem3A_58 = arith.remsi %scan3A_36, %select_n3A_57 : i32
      %ne3A_59 = arith.constant 0 : i32
      %ne3A_60 = arith.cmpi ne, %rem3A_58, %ne3A_59 : i32
      %lt3A_61 = arith.constant 0 : i32
      %lt3A_62 = arith.cmpi slt, %rem3A_58, %lt3A_61 : i32
      %lt3A_63 = arith.constant 0 : i32
      %lt3A_64 = arith.cmpi slt, %select_n3A_57, %lt3A_63 : i32
      %ne3A_65 = arith.xori %lt3A_62, %lt3A_64 : i1
      %and3A_66 = arith.andi %ne3A_65, %ne3A_60 : i1
      %add3A_67 = arith.addi %rem3A_58, %select_n3A_57 : i32
      %select_n3A_68 = arith.select %and3A_66, %add3A_67, %rem3A_58 : i32
      %eq3A_69 = arith.constant 1 : i32
      %eq3A_70 = arith.cmpi eq, %select_n3A_68, %eq3A_69 : i32
      %convert_element_type3A_71 = arith.extui %eq3A_70 : i1 to i32
      %cond3A_72 = arith.constant 0 : i32
      %cond3A_73 = arith.cmpi ne, %convert_element_type3A_71, %cond3A_72 : i32
      scf.if %cond3A_73 {
        %add3A_75 = arith.constant 1 : i32
        %add3A_76 = arith.addi %scan3A_36, %add3A_75 : i32
        %lt3A_77 = arith.constant 125 : i32
        %lt3A_78 = arith.cmpi slt, %add3A_76, %lt3A_77 : i32
        %convert_element_type3A_79 = arith.extui %lt3A_78 : i1 to i32
        %cond3A_80 = arith.constant 0 : i32
        %cond3A_81 = arith.cmpi ne, %convert_element_type3A_79, %cond3A_80 : i32
        scf.if %cond3A_81 {
          %add3A_93 = arith.constant 1 : i32
          %add3A_94 = arith.addi %scan3A_36, %add3A_93 : i32
          %mul3A_95 = arith.constant 10000 : i32
          %mul3A_96 = arith.muli %arg1, %mul3A_95 : i32
          %mul3A_97 = arith.constant 80 : i32
          %mul3A_98 = arith.muli %add3A_94, %mul3A_97 : i32
          %add3A_99 = arith.addi %mul3A_96, %mul3A_98 : i32
          %run_scoped3A_100 = arith.constant 0 : i32
          "tpu.region"() ({
            %run_scoped3A_112 = tpu.sem_alloc : memref<!tpu.dma_semaphore, #tpu.memory_space<semaphore_mem>>
            %dma_start3A = arith.constant 0 : i32
            %dma_start3A_113 = tpu.memref_slice %arg12[%run_scoped3A_100, %dma_start3A] : memref<1x80xi32, #tpu.memory_space<vmem>> -> memref<1x80xi32, #tpu.memory_space<vmem>>
            %dma_start3A_114 = tpu.memref_squeeze %dma_start3A_113 : memref<1x80xi32, #tpu.memory_space<vmem>> -> memref<80xi32, #tpu.memory_space<vmem>>
            %dma_start3A_115 = tpu.memref_slice %arg4[%add3A_99] : memref<160000xi32, #tpu.memory_space<hbm>> -> memref<80xi32, #tpu.memory_space<hbm>>
            %dma_start3A_116 = arith.constant 0 : i32
            %dma_start3A_117 = tpu.memref_slice %arg12[%run_scoped3A_100, %dma_start3A_116] : memref<1x80xi32, #tpu.memory_space<vmem>> -> memref<1x80xi32, #tpu.memory_space<vmem>>
            %dma_start3A_118 = tpu.memref_squeeze %dma_start3A_117 : memref<1x80xi32, #tpu.memory_space<vmem>> -> memref<80xi32, #tpu.memory_space<vmem>>
            %dma_start3A_119 = tpu.memref_slice %arg4[%add3A_99] : memref<160000xi32, #tpu.memory_space<hbm>> -> memref<80xi32, #tpu.memory_space<hbm>>
            tpu.enqueue_dma source(%dma_start3A_119 : memref<80xi32, #tpu.memory_space<hbm>>) target(%dma_start3A_118 : memref<80xi32, #tpu.memory_space<vmem>>) target_semaphore(%run_scoped3A_112 : memref<!tpu.dma_semaphore, #tpu.memory_space<semaphore_mem>>)
            %dma_wait3A = arith.constant 0 : i32
            %dma_wait3A_120 = tpu.memref_slice %arg12[%run_scoped3A_100, %dma_wait3A] : memref<1x80xi32, #tpu.memory_space<vmem>> -> memref<1x80xi32, #tpu.memory_space<vmem>>
            %dma_wait3A_121 = tpu.memref_squeeze %dma_wait3A_120 : memref<1x80xi32, #tpu.memory_space<vmem>> -> memref<80xi32, #tpu.memory_space<vmem>>
            %dma_wait3A_122 = tpu.memref_slice %arg4[%add3A_99] : memref<160000xi32, #tpu.memory_space<hbm>> -> memref<80xi32, #tpu.memory_space<hbm>>
            %dma_wait3A_123 = arith.constant 0 : i32
            %dma_wait3A_124 = tpu.memref_slice %arg12[%run_scoped3A_100, %dma_wait3A_123] : memref<1x80xi32, #tpu.memory_space<vmem>> -> memref<1x80xi32, #tpu.memory_space<vmem>>
            %dma_wait3A_125 = tpu.memref_squeeze %dma_wait3A_124 : memref<1x80xi32, #tpu.memory_space<vmem>> -> memref<80xi32, #tpu.memory_space<vmem>>
            %dma_wait3A_126 = tpu.memref_slice %arg4[%add3A_99] : memref<160000xi32, #tpu.memory_space<hbm>> -> memref<80xi32, #tpu.memory_space<hbm>>
            tpu.wait_dma2 semaphore(%run_scoped3A_112 : memref<!tpu.dma_semaphore, #tpu.memory_space<semaphore_mem>>) src(%dma_wait3A_126 : memref<80xi32, #tpu.memory_space<hbm>>) dst(%dma_wait3A_125 : memref<80xi32, #tpu.memory_space<vmem>>)
            tpu.yield
          }) : () -> ()
          %run_scoped3A_101 = arith.constant 0 : i32
          "tpu.region"() ({
            %run_scoped3A_112 = tpu.sem_alloc : memref<!tpu.dma_semaphore, #tpu.memory_space<semaphore_mem>>
            %dma_start3A = arith.constant 0 : i32
            %dma_start3A_113 = tpu.memref_slice %arg10[%run_scoped3A_101, %dma_start3A] : memref<1x80xi32, #tpu.memory_space<vmem>> -> memref<1x80xi32, #tpu.memory_space<vmem>>
            %dma_start3A_114 = tpu.memref_squeeze %dma_start3A_113 : memref<1x80xi32, #tpu.memory_space<vmem>> -> memref<80xi32, #tpu.memory_space<vmem>>
            %dma_start3A_115 = tpu.memref_slice %arg5[%add3A_99] : memref<160000xi32, #tpu.memory_space<hbm>> -> memref<80xi32, #tpu.memory_space<hbm>>
            %dma_start3A_116 = arith.constant 0 : i32
            %dma_start3A_117 = tpu.memref_slice %arg10[%run_scoped3A_101, %dma_start3A_116] : memref<1x80xi32, #tpu.memory_space<vmem>> -> memref<1x80xi32, #tpu.memory_space<vmem>>
            %dma_start3A_118 = tpu.memref_squeeze %dma_start3A_117 : memref<1x80xi32, #tpu.memory_space<vmem>> -> memref<80xi32, #tpu.memory_space<vmem>>
            %dma_start3A_119 = tpu.memref_slice %arg5[%add3A_99] : memref<160000xi32, #tpu.memory_space<hbm>> -> memref<80xi32, #tpu.memory_space<hbm>>
            tpu.enqueue_dma source(%dma_start3A_119 : memref<80xi32, #tpu.memory_space<hbm>>) target(%dma_start3A_118 : memref<80xi32, #tpu.memory_space<vmem>>) target_semaphore(%run_scoped3A_112 : memref<!tpu.dma_semaphore, #tpu.memory_space<semaphore_mem>>)
            %dma_wait3A = arith.constant 0 : i32
            %dma_wait3A_120 = tpu.memref_slice %arg10[%run_scoped3A_101, %dma_wait3A] : memref<1x80xi32, #tpu.memory_space<vmem>> -> memref<1x80xi32, #tpu.memory_space<vmem>>
            %dma_wait3A_121 = tpu.memref_squeeze %dma_wait3A_120 : memref<1x80xi32, #tpu.memory_space<vmem>> -> memref<80xi32, #tpu.memory_space<vmem>>
            %dma_wait3A_122 = tpu.memref_slice %arg5[%add3A_99] : memref<160000xi32, #tpu.memory_space<hbm>> -> memref<80xi32, #tpu.memory_space<hbm>>
            %dma_wait3A_123 = arith.constant 0 : i32
            %dma_wait3A_124 = tpu.memref_slice %arg10[%run_scoped3A_101, %dma_wait3A_123] : memref<1x80xi32, #tpu.memory_space<vmem>> -> memref<1x80xi32, #tpu.memory_space<vmem>>
            %dma_wait3A_125 = tpu.memref_squeeze %dma_wait3A_124 : memref<1x80xi32, #tpu.memory_space<vmem>> -> memref<80xi32, #tpu.memory_space<vmem>>
            %dma_wait3A_126 = tpu.memref_slice %arg5[%add3A_99] : memref<160000xi32, #tpu.memory_space<hbm>> -> memref<80xi32, #tpu.memory_space<hbm>>
            tpu.wait_dma2 semaphore(%run_scoped3A_112 : memref<!tpu.dma_semaphore, #tpu.memory_space<semaphore_mem>>) src(%dma_wait3A_126 : memref<80xi32, #tpu.memory_space<hbm>>) dst(%dma_wait3A_125 : memref<80xi32, #tpu.memory_space<vmem>>)
            tpu.yield
          }) : () -> ()
          %eq3A_102 = arith.constant 0 : i32
          %eq3A_103 = arith.cmpi eq, %arg0, %eq3A_102 : i32
          %convert_element_type3A_104 = arith.extui %eq3A_103 : i1 to i32
          %cond3A_105 = arith.constant 0 : i32
          %cond3A_106 = arith.cmpi ne, %convert_element_type3A_104, %cond3A_105 : i32
          scf.if %cond3A_106 {
            %dma_start3A = arith.constant 0 : i32
            %dma_start3A_112 = arith.constant 0 : i32
            %dma_start3A_113 = tpu.memref_slice %arg12[%dma_start3A, %dma_start3A_112] : memref<1x80xi32, #tpu.memory_space<vmem>> -> memref<1x80xi32, #tpu.memory_space<vmem>>
            %dma_start3A_114 = tpu.memref_squeeze %dma_start3A_113 : memref<1x80xi32, #tpu.memory_space<vmem>> -> memref<80xi32, #tpu.memory_space<vmem>>
            %dma_start3A_115 = arith.constant 0 : i32
            %dma_start3A_116 = arith.constant 0 : i32
            %dma_start3A_117 = tpu.memref_slice %arg2[%dma_start3A_115, %dma_start3A_116] : memref<10000x128xf32, #tpu.memory_space<hbm>> -> memref<10000x128xf32, #tpu.memory_space<hbm>>
            tpu.enqueue_indirect_dma source(%dma_start3A_117 : memref<10000x128xf32, #tpu.memory_space<hbm>>) target(%arg14 : memref<80x128xf32, #tpu.memory_space<vmem>>) offsets(%dma_start3A_114 : memref<80xi32, #tpu.memory_space<vmem>>) semaphore(%arg16 : memref<!tpu.dma_semaphore, #tpu.memory_space<semaphore_mem>>)
          } else {
          }
          %eq3A_107 = arith.constant 1 : i32
          %eq3A_108 = arith.cmpi eq, %arg0, %eq3A_107 : i32
          %convert_element_type3A_109 = arith.extui %eq3A_108 : i1 to i32
          %cond3A_110 = arith.constant 0 : i32
          %cond3A_111 = arith.cmpi ne, %convert_element_type3A_109, %cond3A_110 : i32
          scf.if %cond3A_111 {
            %dma_start3A = arith.constant 0 : i32
            %dma_start3A_112 = arith.constant 0 : i32
            %dma_start3A_113 = tpu.memref_slice %arg12[%dma_start3A, %dma_start3A_112] : memref<1x80xi32, #tpu.memory_space<vmem>> -> memref<1x80xi32, #tpu.memory_space<vmem>>
            %dma_start3A_114 = tpu.memref_squeeze %dma_start3A_113 : memref<1x80xi32, #tpu.memory_space<vmem>> -> memref<80xi32, #tpu.memory_space<vmem>>
            %dma_start3A_115 = arith.constant 0 : i32
            %dma_start3A_116 = arith.constant 0 : i32
            %dma_start3A_117 = tpu.memref_slice %arg3[%dma_start3A_115, %dma_start3A_116] : memref<10000x128xf32, #tpu.memory_space<hbm>> -> memref<10000x128xf32, #tpu.memory_space<hbm>>
            tpu.enqueue_indirect_dma source(%dma_start3A_117 : memref<10000x128xf32, #tpu.memory_space<hbm>>) target(%arg14 : memref<80x128xf32, #tpu.memory_space<vmem>>) offsets(%dma_start3A_114 : memref<80xi32, #tpu.memory_space<vmem>>) semaphore(%arg16 : memref<!tpu.dma_semaphore, #tpu.memory_space<semaphore_mem>>)
          } else {
          }
        } else {
        }
        %eq3A_82 = arith.constant 0 : i32
        %eq3A_83 = arith.cmpi eq, %arg0, %eq3A_82 : i32
        %convert_element_type3A_84 = arith.extui %eq3A_83 : i1 to i32
        %cond3A_85 = arith.constant 0 : i32
        %cond3A_86 = arith.cmpi ne, %convert_element_type3A_84, %cond3A_85 : i32
        scf.if %cond3A_86 {
          %dma_wait3A = arith.constant 0 : i32
          %dma_wait3A_93 = arith.constant 0 : i32
          %dma_wait3A_94 = tpu.memref_slice %arg13[%dma_wait3A, %dma_wait3A_93] : memref<1x80xi32, #tpu.memory_space<vmem>> -> memref<1x80xi32, #tpu.memory_space<vmem>>
          %dma_wait3A_95 = tpu.memref_squeeze %dma_wait3A_94 : memref<1x80xi32, #tpu.memory_space<vmem>> -> memref<80xi32, #tpu.memory_space<vmem>>
          %dma_wait3A_96 = arith.constant 0 : i32
          %dma_wait3A_97 = arith.constant 0 : i32
          %dma_wait3A_98 = tpu.memref_slice %arg2[%dma_wait3A_96, %dma_wait3A_97] : memref<10000x128xf32, #tpu.memory_space<hbm>> -> memref<10000x128xf32, #tpu.memory_space<hbm>>
          tpu.wait_indirect_dma semaphore(%arg17 : memref<!tpu.dma_semaphore, #tpu.memory_space<semaphore_mem>>) src(%dma_wait3A_98 : memref<10000x128xf32, #tpu.memory_space<hbm>>) dst(%arg15 : memref<80x128xf32, #tpu.memory_space<vmem>>)
        } else {
        }
        %eq3A_87 = arith.constant 1 : i32
        %eq3A_88 = arith.cmpi eq, %arg0, %eq3A_87 : i32
        %convert_element_type3A_89 = arith.extui %eq3A_88 : i1 to i32
        %cond3A_90 = arith.constant 0 : i32
        %cond3A_91 = arith.cmpi ne, %convert_element_type3A_89, %cond3A_90 : i32
        scf.if %cond3A_91 {
          %dma_wait3A = arith.constant 0 : i32
          %dma_wait3A_93 = arith.constant 0 : i32
          %dma_wait3A_94 = tpu.memref_slice %arg13[%dma_wait3A, %dma_wait3A_93] : memref<1x80xi32, #tpu.memory_space<vmem>> -> memref<1x80xi32, #tpu.memory_space<vmem>>
          %dma_wait3A_95 = tpu.memref_squeeze %dma_wait3A_94 : memref<1x80xi32, #tpu.memory_space<vmem>> -> memref<80xi32, #tpu.memory_space<vmem>>
          %dma_wait3A_96 = arith.constant 0 : i32
          %dma_wait3A_97 = arith.constant 0 : i32
          %dma_wait3A_98 = tpu.memref_slice %arg3[%dma_wait3A_96, %dma_wait3A_97] : memref<10000x128xf32, #tpu.memory_space<hbm>> -> memref<10000x128xf32, #tpu.memory_space<hbm>>
          tpu.wait_indirect_dma semaphore(%arg17 : memref<!tpu.dma_semaphore, #tpu.memory_space<semaphore_mem>>) src(%dma_wait3A_98 : memref<10000x128xf32, #tpu.memory_space<hbm>>) dst(%arg15 : memref<80x128xf32, #tpu.memory_space<vmem>>)
        } else {
        }
        %run_scoped3A_92 = arith.constant 0 : i32
        "tpu.region"() ({
          %run_scoped3A_93 = tpu.sem_alloc : memref<!tpu.dma_semaphore, #tpu.memory_space<semaphore_mem>>
          %dma_start3A = arith.constant 0 : i32
          %dma_start3A_94 = tpu.memref_slice %arg11[%run_scoped3A_92, %dma_start3A] : memref<1x80xi32, #tpu.memory_space<vmem>> -> memref<1x80xi32, #tpu.memory_space<vmem>>
          %dma_start3A_95 = tpu.memref_squeeze %dma_start3A_94 : memref<1x80xi32, #tpu.memory_space<vmem>> -> memref<80xi32, #tpu.memory_space<vmem>>
          %dma_start3A_96 = arith.constant 0 : i32
          %dma_start3A_97 = arith.constant 0 : i32
          %dma_start3A_98 = tpu.memref_slice %arg9[%dma_start3A_96, %dma_start3A_97] : memref<10240x128xf32, #tpu.memory_space<vmem_shared>> -> memref<10240x128xf32, #tpu.memory_space<vmem_shared>>
          tpu.enqueue_indirect_dma source(%arg15 : memref<80x128xf32, #tpu.memory_space<vmem>>) target(%dma_start3A_98 : memref<10240x128xf32, #tpu.memory_space<vmem_shared>>) offsets(%dma_start3A_95 : memref<80xi32, #tpu.memory_space<vmem>>) semaphore(%run_scoped3A_93 : memref<!tpu.dma_semaphore, #tpu.memory_space<semaphore_mem>>) {add = true}
          %dma_wait3A = arith.constant 0 : i32
          %dma_wait3A_99 = tpu.memref_slice %arg11[%run_scoped3A_92, %dma_wait3A] : memref<1x80xi32, #tpu.memory_space<vmem>> -> memref<1x80xi32, #tpu.memory_space<vmem>>
          %dma_wait3A_100 = tpu.memref_squeeze %dma_wait3A_99 : memref<1x80xi32, #tpu.memory_space<vmem>> -> memref<80xi32, #tpu.memory_space<vmem>>
          %dma_wait3A_101 = arith.constant 0 : i32
          %dma_wait3A_102 = arith.constant 0 : i32
          %dma_wait3A_103 = tpu.memref_slice %arg9[%dma_wait3A_101, %dma_wait3A_102] : memref<10240x128xf32, #tpu.memory_space<vmem_shared>> -> memref<10240x128xf32, #tpu.memory_space<vmem_shared>>
          tpu.wait_indirect_dma semaphore(%run_scoped3A_93 : memref<!tpu.dma_semaphore, #tpu.memory_space<semaphore_mem>>) src(%arg15 : memref<80x128xf32, #tpu.memory_space<vmem>>) dst(%dma_wait3A_103 : memref<10240x128xf32, #tpu.memory_space<vmem_shared>>)
          tpu.yield
        }) : () -> ()
      } else {
      }
      %scan3A_74 = arith.constant 0 : i32
      scf.yield %scan3A_74 : i32
    }
    %scan3A_24 = arith.constant 125 : i32
    %barrier3A_25 = arith.constant 0 : index
    tpu.barrier barrier_id(%barrier3A_25)
    %eq3A_26 = arith.constant 0 : i32
    %eq3A_27 = arith.cmpi eq, %arg0, %eq3A_26 : i32
    %convert_element_type3A_28 = arith.extui %eq3A_27 : i1 to i32
    %cond3A_29 = arith.constant 0 : i32
    %cond3A_30 = arith.cmpi ne, %convert_element_type3A_28, %cond3A_29 : i32
    scf.if %cond3A_30 {
      "tpu.region"() ({
        %run_scoped3A_36 = tpu.sem_alloc : memref<!tpu.dma_semaphore, #tpu.memory_space<semaphore_mem>>
        %dma_start3A = arith.constant 0 : i32
        %dma_start3A_37 = tpu.memref_slice %arg7[%mul3A_0, %dma_start3A] : memref<10240x128xf32, #tpu.memory_space<hbm>> -> memref<640x128xf32, #tpu.memory_space<hbm>>
        %dma_start3A_38 = arith.constant 0 : i32
        %dma_start3A_39 = tpu.memref_slice %arg9[%mul3A_0, %dma_start3A_38] : memref<10240x128xf32, #tpu.memory_space<vmem_shared>> -> memref<640x128xf32, #tpu.memory_space<vmem_shared>>
        tpu.enqueue_dma source(%dma_start3A_39 : memref<640x128xf32, #tpu.memory_space<vmem_shared>>) target(%dma_start3A_37 : memref<640x128xf32, #tpu.memory_space<hbm>>) target_semaphore(%run_scoped3A_36 : memref<!tpu.dma_semaphore, #tpu.memory_space<semaphore_mem>>)
        %dma_wait3A = arith.constant 0 : i32
        %dma_wait3A_40 = tpu.memref_slice %arg7[%mul3A_0, %dma_wait3A] : memref<10240x128xf32, #tpu.memory_space<hbm>> -> memref<640x128xf32, #tpu.memory_space<hbm>>
        %dma_wait3A_41 = arith.constant 0 : i32
        %dma_wait3A_42 = tpu.memref_slice %arg9[%mul3A_0, %dma_wait3A_41] : memref<10240x128xf32, #tpu.memory_space<vmem_shared>> -> memref<640x128xf32, #tpu.memory_space<vmem_shared>>
        tpu.wait_dma2 semaphore(%run_scoped3A_36 : memref<!tpu.dma_semaphore, #tpu.memory_space<semaphore_mem>>) src(%dma_wait3A_42 : memref<640x128xf32, #tpu.memory_space<vmem_shared>>) dst(%dma_wait3A_40 : memref<640x128xf32, #tpu.memory_space<hbm>>)
        tpu.yield
      }) : () -> ()
    } else {
    }
    %eq3A_31 = arith.constant 1 : i32
    %eq3A_32 = arith.cmpi eq, %arg0, %eq3A_31 : i32
    %convert_element_type3A_33 = arith.extui %eq3A_32 : i1 to i32
    %cond3A_34 = arith.constant 0 : i32
    %cond3A_35 = arith.cmpi ne, %convert_element_type3A_33, %cond3A_34 : i32
    scf.if %cond3A_35 {
      "tpu.region"() ({
        %run_scoped3A_36 = tpu.sem_alloc : memref<!tpu.dma_semaphore, #tpu.memory_space<semaphore_mem>>
        %dma_start3A = arith.constant 0 : i32
        %dma_start3A_37 = tpu.memref_slice %arg8[%mul3A_0, %dma_start3A] : memref<10240x128xf32, #tpu.memory_space<hbm>> -> memref<640x128xf32, #tpu.memory_space<hbm>>
        %dma_start3A_38 = arith.constant 0 : i32
        %dma_start3A_39 = tpu.memref_slice %arg9[%mul3A_0, %dma_start3A_38] : memref<10240x128xf32, #tpu.memory_space<vmem_shared>> -> memref<640x128xf32, #tpu.memory_space<vmem_shared>>
        tpu.enqueue_dma source(%dma_start3A_39 : memref<640x128xf32, #tpu.memory_space<vmem_shared>>) target(%dma_start3A_37 : memref<640x128xf32, #tpu.memory_space<hbm>>) target_semaphore(%run_scoped3A_36 : memref<!tpu.dma_semaphore, #tpu.memory_space<semaphore_mem>>)
        %dma_wait3A = arith.constant 0 : i32
        %dma_wait3A_40 = tpu.memref_slice %arg8[%mul3A_0, %dma_wait3A] : memref<10240x128xf32, #tpu.memory_space<hbm>> -> memref<640x128xf32, #tpu.memory_space<hbm>>
        %dma_wait3A_41 = arith.constant 0 : i32
        %dma_wait3A_42 = tpu.memref_slice %arg9[%mul3A_0, %dma_wait3A_41] : memref<10240x128xf32, #tpu.memory_space<vmem_shared>> -> memref<640x128xf32, #tpu.memory_space<vmem_shared>>
        tpu.wait_dma2 semaphore(%run_scoped3A_36 : memref<!tpu.dma_semaphore, #tpu.memory_space<semaphore_mem>>) src(%dma_wait3A_42 : memref<640x128xf32, #tpu.memory_space<vmem_shared>>) dst(%dma_wait3A_40 : memref<640x128xf32, #tpu.memory_space<hbm>>)
        tpu.yield
      }) : () -> ()
    } else {
    }
    return
  }
}

module attributes {stable_mosaic.version = 14 : i64} {
  func.func @_k1_body(%arg0: i32, %arg1: memref<1000x256xf32, #tpu.memory_space<vmem>>, %arg2: memref<256x256xf32, #tpu.memory_space<vmem>>, %arg3: memref<1000x128xf32, #tpu.memory_space<vmem>>, %arg4: memref<1000x128xf32, #tpu.memory_space<vmem>>) attributes {dimension_semantics = [#tpu.dimension_semantics<arbitrary>], iteration_bounds = array<i64: 10>, scalar_prefetch = 0 : i64, scratch_operands = 0 : i64, tpu.core_type = #tpu.core_type<tc>, window_params = [{transform_indices = @transform_0, window_bounds = array<i64: 1000, 256>}, {pipeline_mode = #tpu.pipeline_mode<synchronous>, transform_indices = @transform_1, window_bounds = array<i64: 256, 256>}, {transform_indices = @transform_2, window_bounds = array<i64: 1000, 128>}, {transform_indices = @transform_3, window_bounds = array<i64: 1000, 128>}]} {
    %get3A = arith.constant 0 : index
    %get3A_0 = arith.constant 0 : index
    %get3A_1 = vector.load %arg1[%get3A, %get3A_0] : memref<1000x256xf32, #tpu.memory_space<vmem>>, vector<1000x256xf32>
    %get3A_2 = arith.constant 0 : index
    %get3A_3 = arith.constant 0 : index
    %get3A_4 = vector.load %arg2[%get3A_2, %get3A_3] : memref<256x256xf32, #tpu.memory_space<vmem>>, vector<256x256xf32>
    %dot_general3A = arith.constant dense<0.000000e+00> : vector<1000x256xf32>
    %dot_general3A_5 = tpu.matmul %get3A_1, %get3A_4, %dot_general3A {dimension_numbers = #tpu.dot_dimension_numbers<[1], [1], [0], [0], [0, 0, 1, 0], [], []>, transpose_lhs_hint = false} : vector<1000x256xf32>, vector<256x256xf32>, vector<1000x256xf32> -> vector<1000x256xf32>
    %slice3A = vector.extract_strided_slice %dot_general3A_5 {offsets = [0, 0], sizes = [1000, 128], strides = [1, 1]} : vector<1000x256xf32> to vector<1000x128xf32>
    %swap3A = arith.constant 0 : index
    %swap3A_6 = arith.constant 0 : index
    %swap3A_7 = vector.load %arg3[%swap3A, %swap3A_6] : memref<1000x128xf32, #tpu.memory_space<vmem>>, vector<1000x128xf32>
    tpu.vector_store %arg3[%swap3A, %swap3A_6], %slice3A {strides = array<i32>} : memref<1000x128xf32, #tpu.memory_space<vmem>>, vector<1000x128xf32>,
    %slice3A_8 = vector.extract_strided_slice %dot_general3A_5 {offsets = [0, 128], sizes = [1000, 128], strides = [1, 1]} : vector<1000x256xf32> to vector<1000x128xf32>
    %swap3A_9 = arith.constant 0 : index
    %swap3A_10 = arith.constant 0 : index
    %swap3A_11 = vector.load %arg4[%swap3A_9, %swap3A_10] : memref<1000x128xf32, #tpu.memory_space<vmem>>, vector<1000x128xf32>
    tpu.vector_store %arg4[%swap3A_9, %swap3A_10], %slice3A_8 {strides = array<i32>} : memref<1000x128xf32, #tpu.memory_space<vmem>>, vector<1000x128xf32>,
    return
  }
  func.func @transform_0(%arg0: i32) -> (i32, i32) {
    %c0_i32 = arith.constant 0 : i32
    %c0_i32_0 = arith.constant 0 : i32
    return %arg0, %c0_i32 : i32, i32
  }
  func.func @transform_1(%arg0: i32) -> (i32, i32) {
    %c0_i32 = arith.constant 0 : i32
    %c0_i32_0 = arith.constant 0 : i32
    %c0_i32_1 = arith.constant 0 : i32
    return %c0_i32, %c0_i32_0 : i32, i32
  }
  func.func @transform_2(%arg0: i32) -> (i32, i32) {
    %c0_i32 = arith.constant 0 : i32
    %c0_i32_0 = arith.constant 0 : i32
    return %arg0, %c0_i32 : i32, i32
  }
  func.func @transform_3(%arg0: i32) -> (i32, i32) {
    %c0_i32 = arith.constant 0 : i32
    %c0_i32_0 = arith.constant 0 : i32
    return %arg0, %c0_i32 : i32, i32
  }
}

module attributes {stable_mosaic.version = 14 : i64} {
  func.func @_k2_body(%arg0: i32, %arg1: memref<1000x128xf32, #tpu.memory_space<vmem>>, %arg2: memref<1000x128xf32, #tpu.memory_space<vmem>>, %arg3: memref<1000x16xf32, #tpu.memory_space<vmem>>, %arg4: memref<1000x256xf32, #tpu.memory_space<vmem>>, %arg5: memref<256x256xf32, #tpu.memory_space<vmem>>, %arg6: memref<1x256xf32, #tpu.memory_space<vmem>>, %arg7: memref<256x256xf32, #tpu.memory_space<vmem>>, %arg8: memref<1000x256xf32, #tpu.memory_space<vmem>>, %arg9: memref<1000x128xf32, #tpu.memory_space<vmem>>, %arg10: memref<1000x128xf32, #tpu.memory_space<vmem>>) attributes {dimension_semantics = [#tpu.dimension_semantics<arbitrary>], iteration_bounds = array<i64: 10>, scalar_prefetch = 0 : i64, scratch_operands = 0 : i64, tpu.core_type = #tpu.core_type<tc>, window_params = [{transform_indices = @transform_0, window_bounds = array<i64: 1000, 128>}, {transform_indices = @transform_1, window_bounds = array<i64: 1000, 128>}, {transform_indices = @transform_2, window_bounds = array<i64: 1000, 16>}, {transform_indices = @transform_3, window_bounds = array<i64: 1000, 256>}, {pipeline_mode = #tpu.pipeline_mode<synchronous>, transform_indices = @transform_4, window_bounds = array<i64: 256, 256>}, {pipeline_mode = #tpu.pipeline_mode<synchronous>, transform_indices = @transform_5, window_bounds = array<i64: 1, 256>}, {pipeline_mode = #tpu.pipeline_mode<synchronous>, transform_indices = @transform_6, window_bounds = array<i64: 256, 256>}, {transform_indices = @transform_7, window_bounds = array<i64: 1000, 256>}, {transform_indices = @transform_8, window_bounds = array<i64: 1000, 128>}, {transform_indices = @transform_9, window_bounds = array<i64: 1000, 128>}]} {
    %get3A = arith.constant 0 : index
    %get3A_0 = arith.constant 0 : index
    %get3A_1 = vector.load %arg1[%get3A, %get3A_0] : memref<1000x128xf32, #tpu.memory_space<vmem>>, vector<1000x128xf32>
    %get3A_2 = arith.constant 0 : index
    %get3A_3 = arith.constant 0 : index
    %get3A_4 = vector.load %arg2[%get3A_2, %get3A_3] : memref<1000x128xf32, #tpu.memory_space<vmem>>, vector<1000x128xf32>
    %concatenate3A = tpu.concatenate %get3A_1, %get3A_4 in 1 : vector<1000x128xf32>, vector<1000x128xf32> -> vector<1000x256xf32>
    %get3A_5 = arith.constant 0 : index
    %get3A_6 = arith.constant 0 : index
    %get3A_7 = vector.load %arg3[%get3A_5, %get3A_6] : memref<1000x16xf32, #tpu.memory_space<vmem>>, vector<1000x1xf32>
    %max3A = arith.constant 1.000000e+00 : f32
    %max3A_8 = vector.broadcast %max3A : f32 to vector<1000x1xf32>
    %max3A_9 = arith.maximumf %get3A_7, %max3A_8 : vector<1000x1xf32>
    %div3A = arith.constant 1.000000e+00 : f32
    %div3A_10 = vector.broadcast %div3A : f32 to vector<1000x1xf32>
    %div3A_11 = arith.divf %div3A_10, %max3A_9 : vector<1000x1xf32>
    %mul3A = vector.broadcast %div3A_11 : vector<1000x1xf32> to vector<1000x256xf32>
    %mul3A_12 = arith.mulf %concatenate3A, %mul3A : vector<1000x256xf32>
    %get3A_13 = arith.constant 0 : index
    %get3A_14 = arith.constant 0 : index
    %get3A_15 = vector.load %arg4[%get3A_13, %get3A_14] : memref<1000x256xf32, #tpu.memory_space<vmem>>, vector<1000x256xf32>
    %get3A_16 = arith.constant 0 : index
    %get3A_17 = arith.constant 0 : index
    %get3A_18 = vector.load %arg5[%get3A_16, %get3A_17] : memref<256x256xf32, #tpu.memory_space<vmem>>, vector<256x256xf32>
    %dot_general3A = arith.constant dense<0.000000e+00> : vector<1000x256xf32>
    %dot_general3A_19 = tpu.matmul %get3A_15, %get3A_18, %dot_general3A {dimension_numbers = #tpu.dot_dimension_numbers<[1], [1], [0], [0], [0, 0, 1, 0], [], []>, transpose_lhs_hint = false} : vector<1000x256xf32>, vector<256x256xf32>, vector<1000x256xf32> -> vector<1000x256xf32>
    %add3A = arith.addf %mul3A_12, %dot_general3A_19 : vector<1000x256xf32>
    %get3A_20 = arith.constant 0 : index
    %get3A_21 = arith.constant 0 : index
    %get3A_22 = vector.load %arg6[%get3A_20, %get3A_21] : memref<1x256xf32, #tpu.memory_space<vmem>>, vector<1x256xf32>
    %add3A_23 = vector.broadcast %get3A_22 : vector<1x256xf32> to vector<1000x256xf32>
    %add3A_24 = arith.addf %add3A, %add3A_23 : vector<1000x256xf32>
    %max3A_25 = arith.constant 0.000000e+00 : f32
    %max3A_26 = vector.broadcast %max3A_25 : f32 to vector<1000x256xf32>
    %max3A_27 = arith.maximumf %add3A_24, %max3A_26 : vector<1000x256xf32>
    %swap3A = arith.constant 0 : index
    %swap3A_28 = arith.constant 0 : index
    %swap3A_29 = vector.load %arg8[%swap3A, %swap3A_28] : memref<1000x256xf32, #tpu.memory_space<vmem>>, vector<1000x256xf32>
    tpu.vector_store %arg8[%swap3A, %swap3A_28], %max3A_27 {strides = array<i32>} : memref<1000x256xf32, #tpu.memory_space<vmem>>, vector<1000x256xf32>,
    %get3A_30 = arith.constant 0 : index
    %get3A_31 = arith.constant 0 : index
    %get3A_32 = vector.load %arg7[%get3A_30, %get3A_31] : memref<256x256xf32, #tpu.memory_space<vmem>>, vector<256x256xf32>
    %dot_general3A_33 = arith.constant dense<0.000000e+00> : vector<1000x256xf32>
    %dot_general3A_34 = tpu.matmul %max3A_27, %get3A_32, %dot_general3A_33 {dimension_numbers = #tpu.dot_dimension_numbers<[1], [1], [0], [0], [0, 0, 1, 0], [], []>, transpose_lhs_hint = false} : vector<1000x256xf32>, vector<256x256xf32>, vector<1000x256xf32> -> vector<1000x256xf32>
    %slice3A = vector.extract_strided_slice %dot_general3A_34 {offsets = [0, 0], sizes = [1000, 128], strides = [1, 1]} : vector<1000x256xf32> to vector<1000x128xf32>
    %swap3A_35 = arith.constant 0 : index
    %swap3A_36 = arith.constant 0 : index
    %swap3A_37 = vector.load %arg9[%swap3A_35, %swap3A_36] : memref<1000x128xf32, #tpu.memory_space<vmem>>, vector<1000x128xf32>
    tpu.vector_store %arg9[%swap3A_35, %swap3A_36], %slice3A {strides = array<i32>} : memref<1000x128xf32, #tpu.memory_space<vmem>>, vector<1000x128xf32>,
    %slice3A_38 = vector.extract_strided_slice %dot_general3A_34 {offsets = [0, 128], sizes = [1000, 128], strides = [1, 1]} : vector<1000x256xf32> to vector<1000x128xf32>
    %swap3A_39 = arith.constant 0 : index
    %swap3A_40 = arith.constant 0 : index
    %swap3A_41 = vector.load %arg10[%swap3A_39, %swap3A_40] : memref<1000x128xf32, #tpu.memory_space<vmem>>, vector<1000x128xf32>
    tpu.vector_store %arg10[%swap3A_39, %swap3A_40], %slice3A_38 {strides = array<i32>} : memref<1000x128xf32, #tpu.memory_space<vmem>>, vector<1000x128xf32>,
    return
  }
  func.func @transform_0(%arg0: i32) -> (i32, i32) {
    %c0_i32 = arith.constant 0 : i32
    %c0_i32_0 = arith.constant 0 : i32
    return %arg0, %c0_i32 : i32, i32
  }
  func.func @transform_1(%arg0: i32) -> (i32, i32) {
    %c0_i32 = arith.constant 0 : i32
    %c0_i32_0 = arith.constant 0 : i32
    return %arg0, %c0_i32 : i32, i32
  }
  func.func @transform_2(%arg0: i32) -> (i32, i32) {
    %c0_i32 = arith.constant 0 : i32
    %c0_i32_0 = arith.constant 0 : i32
    return %arg0, %c0_i32 : i32, i32
  }
  func.func @transform_3(%arg0: i32) -> (i32, i32) {
    %c0_i32 = arith.constant 0 : i32
    %c0_i32_0 = arith.constant 0 : i32
    return %arg0, %c0_i32 : i32, i32
  }
  func.func @transform_4(%arg0: i32) -> (i32, i32) {
    %c0_i32 = arith.constant 0 : i32
    %c0_i32_0 = arith.constant 0 : i32
    %c0_i32_1 = arith.constant 0 : i32
    return %c0_i32, %c0_i32_0 : i32, i32
  }
  func.func @transform_5(%arg0: i32) -> (i32, i32) {
    %c0_i32 = arith.constant 0 : i32
    %c0_i32_0 = arith.constant 0 : i32
    %c0_i32_1 = arith.constant 0 : i32
    return %c0_i32, %c0_i32_0 : i32, i32
  }
  func.func @transform_6(%arg0: i32) -> (i32, i32) {
    %c0_i32 = arith.constant 0 : i32
    %c0_i32_0 = arith.constant 0 : i32
    %c0_i32_1 = arith.constant 0 : i32
    return %c0_i32, %c0_i32_0 : i32, i32
  }
  func.func @transform_7(%arg0: i32) -> (i32, i32) {
    %c0_i32 = arith.constant 0 : i32
    %c0_i32_0 = arith.constant 0 : i32
    return %arg0, %c0_i32 : i32, i32
  }
  func.func @transform_8(%arg0: i32) -> (i32, i32) {
    %c0_i32 = arith.constant 0 : i32
    %c0_i32_0 = arith.constant 0 : i32
    return %arg0, %c0_i32 : i32, i32
  }
  func.func @transform_9(%arg0: i32) -> (i32, i32) {
    %c0_i32 = arith.constant 0 : i32
    %c0_i32_0 = arith.constant 0 : i32
    return %arg0, %c0_i32 : i32, i32
  }
}

module attributes {stable_mosaic.version = 14 : i64} {
  func.func @_k3_body(%arg0: i32, %arg1: memref<1000x128xf32, #tpu.memory_space<vmem>>, %arg2: memref<1000x128xf32, #tpu.memory_space<vmem>>, %arg3: memref<1000x16xf32, #tpu.memory_space<vmem>>, %arg4: memref<1000x256xf32, #tpu.memory_space<vmem>>, %arg5: memref<256x256xf32, #tpu.memory_space<vmem>>, %arg6: memref<1x256xf32, #tpu.memory_space<vmem>>, %arg7: memref<1000x1xi32, #tpu.memory_space<vmem>>, %arg8: memref<128x256xf32, #tpu.memory_space<vmem>>, %arg9: memref<1x128xf32, #tpu.memory_space<vmem>>, %arg10: memref<32x128xf32, #tpu.memory_space<vmem>>, %arg11: memref<1x32xf32, #tpu.memory_space<vmem>>, %arg12: memref<10x32xf32, #tpu.memory_space<vmem>>, %arg13: memref<1x10xf32, #tpu.memory_space<vmem>>, %arg14: memref<64x10xf32, #tpu.memory_space<vmem>>, %arg15: memref<64x256xf32, #tpu.memory_space<vmem>>) attributes {dimension_semantics = [#tpu.dimension_semantics<arbitrary>], iteration_bounds = array<i64: 10>, scalar_prefetch = 0 : i64, scratch_operands = 1 : i64, tpu.core_type = #tpu.core_type<tc>, window_params = [{transform_indices = @transform_0, window_bounds = array<i64: 1000, 128>}, {transform_indices = @transform_1, window_bounds = array<i64: 1000, 128>}, {transform_indices = @transform_2, window_bounds = array<i64: 1000, 16>}, {transform_indices = @transform_3, window_bounds = array<i64: 1000, 256>}, {pipeline_mode = #tpu.pipeline_mode<synchronous>, transform_indices = @transform_4, window_bounds = array<i64: 256, 256>}, {pipeline_mode = #tpu.pipeline_mode<synchronous>, transform_indices = @transform_5, window_bounds = array<i64: 1, 256>}, {transform_indices = @transform_6, window_bounds = array<i64: 1000, 1>}, {pipeline_mode = #tpu.pipeline_mode<synchronous>, transform_indices = @transform_7, window_bounds = array<i64: 128, 256>}, {pipeline_mode = #tpu.pipeline_mode<synchronous>, transform_indices = @transform_8, window_bounds = array<i64: 1, 128>}, {pipeline_mode = #tpu.pipeline_mode<synchronous>, transform_indices = @transform_9, window_bounds = array<i64: 32, 128>}, {pipeline_mode = #tpu.pipeline_mode<synchronous>, transform_indices = @transform_10, window_bounds = array<i64: 1, 32>}, {pipeline_mode = #tpu.pipeline_mode<synchronous>, transform_indices = @transform_11, window_bounds = array<i64: 10, 32>}, {pipeline_mode = #tpu.pipeline_mode<synchronous>, transform_indices = @transform_12, window_bounds = array<i64: 1, 10>}, {pipeline_mode = #tpu.pipeline_mode<synchronous>, transform_indices = @transform_13, window_bounds = array<i64: 64, 10>}]} {
    %eq3A = arith.constant 0 : i32
    %eq3A_0 = arith.cmpi eq, %arg0, %eq3A : i32
    %convert_element_type3A = arith.extui %eq3A_0 : i1 to i32
    %cond3A = arith.constant 0 : i32
    %cond3A_1 = arith.cmpi ne, %convert_element_type3A, %cond3A : i32
    scf.if %cond3A_1 {
      %broadcast_in_dim3A = arith.constant 0.000000e+00 : f32
      %broadcast_in_dim3A_58 = vector.broadcast %broadcast_in_dim3A : f32 to vector<64x256xf32>
      %swap3A = arith.constant 0 : index
      %swap3A_59 = arith.constant 0 : index
      %swap3A_60 = vector.load %arg15[%swap3A, %swap3A_59] : memref<64x256xf32, #tpu.memory_space<vmem>>, vector<64x256xf32>
      tpu.vector_store %arg15[%swap3A, %swap3A_59], %broadcast_in_dim3A_58 {strides = array<i32>} : memref<64x256xf32, #tpu.memory_space<vmem>>, vector<64x256xf32>,
    } else {
    }
    %get3A = arith.constant 0 : index
    %get3A_2 = arith.constant 0 : index
    %get3A_3 = vector.load %arg1[%get3A, %get3A_2] : memref<1000x128xf32, #tpu.memory_space<vmem>>, vector<1000x128xf32>
    %get3A_4 = arith.constant 0 : index
    %get3A_5 = arith.constant 0 : index
    %get3A_6 = vector.load %arg2[%get3A_4, %get3A_5] : memref<1000x128xf32, #tpu.memory_space<vmem>>, vector<1000x128xf32>
    %concatenate3A = tpu.concatenate %get3A_3, %get3A_6 in 1 : vector<1000x128xf32>, vector<1000x128xf32> -> vector<1000x256xf32>
    %get3A_7 = arith.constant 0 : index
    %get3A_8 = arith.constant 0 : index
    %get3A_9 = vector.load %arg3[%get3A_7, %get3A_8] : memref<1000x16xf32, #tpu.memory_space<vmem>>, vector<1000x1xf32>
    %max3A = arith.constant 1.000000e+00 : f32
    %max3A_10 = vector.broadcast %max3A : f32 to vector<1000x1xf32>
    %max3A_11 = arith.maximumf %get3A_9, %max3A_10 : vector<1000x1xf32>
    %div3A = arith.constant 1.000000e+00 : f32
    %div3A_12 = vector.broadcast %div3A : f32 to vector<1000x1xf32>
    %div3A_13 = arith.divf %div3A_12, %max3A_11 : vector<1000x1xf32>
    %mul3A = vector.broadcast %div3A_13 : vector<1000x1xf32> to vector<1000x256xf32>
    %mul3A_14 = arith.mulf %concatenate3A, %mul3A : vector<1000x256xf32>
    %get3A_15 = arith.constant 0 : index
    %get3A_16 = arith.constant 0 : index
    %get3A_17 = vector.load %arg4[%get3A_15, %get3A_16] : memref<1000x256xf32, #tpu.memory_space<vmem>>, vector<1000x256xf32>
    %get3A_18 = arith.constant 0 : index
    %get3A_19 = arith.constant 0 : index
    %get3A_20 = vector.load %arg5[%get3A_18, %get3A_19] : memref<256x256xf32, #tpu.memory_space<vmem>>, vector<256x256xf32>
    %dot_general3A = arith.constant dense<0.000000e+00> : vector<1000x256xf32>
    %dot_general3A_21 = tpu.matmul %get3A_17, %get3A_20, %dot_general3A {dimension_numbers = #tpu.dot_dimension_numbers<[1], [1], [0], [0], [0, 0, 1, 0], [], []>, transpose_lhs_hint = false} : vector<1000x256xf32>, vector<256x256xf32>, vector<1000x256xf32> -> vector<1000x256xf32>
    %add3A = arith.addf %mul3A_14, %dot_general3A_21 : vector<1000x256xf32>
    %get3A_22 = arith.constant 0 : index
    %get3A_23 = arith.constant 0 : index
    %get3A_24 = vector.load %arg6[%get3A_22, %get3A_23] : memref<1x256xf32, #tpu.memory_space<vmem>>, vector<1x256xf32>
    %add3A_25 = vector.broadcast %get3A_24 : vector<1x256xf32> to vector<1000x256xf32>
    %add3A_26 = arith.addf %add3A, %add3A_25 : vector<1000x256xf32>
    %max3A_27 = arith.constant 0.000000e+00 : f32
    %max3A_28 = vector.broadcast %max3A_27 : f32 to vector<1000x256xf32>
    %max3A_29 = arith.maximumf %add3A_26, %max3A_28 : vector<1000x256xf32>
    %get3A_30 = arith.constant 0 : index
    %get3A_31 = arith.constant 0 : index
    %get3A_32 = vector.load %arg7[%get3A_30, %get3A_31] : memref<1000x1xi32, #tpu.memory_space<vmem>>, vector<1000x1xi32>
    %get3A_33 = arith.constant 0 : index
    %get3A_34 = arith.constant 0 : index
    %get3A_35 = vector.load %arg7[%get3A_33, %get3A_34] : memref<1000x1xi32, #tpu.memory_space<vmem>>, vector<1x1xi32>
    %get3A_36 = vector.extract %get3A_35[0, 0] : i32 from vector<1x1xi32>
    %get3A_37 = arith.constant 999 : index
    %get3A_38 = arith.constant 0 : index
    %get3A_39 = vector.load %arg7[%get3A_37, %get3A_38] : memref<1000x1xi32, #tpu.memory_space<vmem>>, vector<1x1xi32>
    %get3A_40 = vector.extract %get3A_39[0, 0] : i32 from vector<1x1xi32>
    %add3A_41 = arith.constant 1 : i32
    %add3A_42 = arith.addi %get3A_40, %add3A_41 : i32
    %while3A = arith.constant 0 : i32
    %while3A_43 = arith.subi %add3A_42, %get3A_36 : i32
    %while3A_44 = arith.addi %get3A_36, %while3A_43 : i32
    %while3A_45 = arith.constant 1 : i32
    %while3A_46 = arith.divsi %while3A_43, %while3A_45 : i32
    %while3A_47 = arith.muli %while3A_46, %while3A_45 : i32
    %while3A_48 = arith.addi %get3A_36, %while3A_47 : i32
    %while3A_49 = arith.constant 1 : i32
    %while3A_50 = scf.for %while3A_58 = %get3A_36 to %while3A_48 step %while3A_49 iter_args(%while3A_59 = %while3A) -> (i32)  : i32 {
      %eq3A_60 = vector.broadcast %while3A_58 : i32 to vector<1000x1xi32>
      %eq3A_61 = arith.cmpi eq, %get3A_32, %eq3A_60 : vector<1000x1xi32>
      %jit3A = arith.constant 0.000000e+00 : f32
      %broadcast_in_dim3A = vector.shape_cast %eq3A_61 : vector<1000x1xi1> to vector<1000x1xi1>
      %broadcast_in_dim3A_62 = vector.broadcast %broadcast_in_dim3A : vector<1000x1xi1> to vector<1000x256xi1>
      %broadcast_in_dim3A_63 = vector.broadcast %jit3A : f32 to vector<1000x256xf32>
      %select_n3A = arith.select %broadcast_in_dim3A_62, %max3A_29, %broadcast_in_dim3A_63 : vector<1000x256xi1>, vector<1000x256xf32>
      %reduce_max3A = arith.constant dense<0xFF800000> : vector<256xf32>
      %reduce_max3A_64 = vector.multi_reduction <maximumf>, %select_n3A, %reduce_max3A [0] : vector<1000x256xf32> to vector<256xf32>
      %broadcast_in_dim3A_65 = vector.shape_cast %reduce_max3A_64 : vector<256xf32> to vector<1x256xf32>
      %get3A_66 = arith.index_cast %while3A_58 : i32 to index
      %get3A_67 = arith.constant 0 : index
      %get3A_68 = vector.load %arg15[%get3A_66, %get3A_67] : memref<64x256xf32, #tpu.memory_space<vmem>>, vector<1x256xf32>
      %max3A_69 = arith.maximumf %get3A_68, %broadcast_in_dim3A_65 : vector<1x256xf32>
      %swap3A = arith.index_cast %while3A_58 : i32 to index
      %swap3A_70 = arith.constant 0 : index
      %swap3A_71 = vector.load %arg15[%swap3A, %swap3A_70] : memref<64x256xf32, #tpu.memory_space<vmem>>, vector<1x256xf32>
      tpu.vector_store %arg15[%swap3A, %swap3A_70], %max3A_69 {strides = array<i32>} : memref<64x256xf32, #tpu.memory_space<vmem>>, vector<1x256xf32>,
      %while3A_72 = arith.constant 0 : i32
      scf.yield %while3A_72 : i32
    }
    %while3A_51 = arith.constant 1 : i32
    %while3A_52 = scf.for %while3A_58 = %while3A_48 to %while3A_44 step %while3A_51 iter_args(%while3A_59 = %while3A_50) -> (i32)  : i32 {
      %eq3A_60 = vector.broadcast %while3A_58 : i32 to vector<1000x1xi32>
      %eq3A_61 = arith.cmpi eq, %get3A_32, %eq3A_60 : vector<1000x1xi32>
      %jit3A = arith.constant 0.000000e+00 : f32
      %broadcast_in_dim3A = vector.shape_cast %eq3A_61 : vector<1000x1xi1> to vector<1000x1xi1>
      %broadcast_in_dim3A_62 = vector.broadcast %broadcast_in_dim3A : vector<1000x1xi1> to vector<1000x256xi1>
      %broadcast_in_dim3A_63 = vector.broadcast %jit3A : f32 to vector<1000x256xf32>
      %select_n3A = arith.select %broadcast_in_dim3A_62, %max3A_29, %broadcast_in_dim3A_63 : vector<1000x256xi1>, vector<1000x256xf32>
      %reduce_max3A = arith.constant dense<0xFF800000> : vector<256xf32>
      %reduce_max3A_64 = vector.multi_reduction <maximumf>, %select_n3A, %reduce_max3A [0] : vector<1000x256xf32> to vector<256xf32>
      %broadcast_in_dim3A_65 = vector.shape_cast %reduce_max3A_64 : vector<256xf32> to vector<1x256xf32>
      %get3A_66 = arith.index_cast %while3A_58 : i32 to index
      %get3A_67 = arith.constant 0 : index
      %get3A_68 = vector.load %arg15[%get3A_66, %get3A_67] : memref<64x256xf32, #tpu.memory_space<vmem>>, vector<1x256xf32>
      %max3A_69 = arith.maximumf %get3A_68, %broadcast_in_dim3A_65 : vector<1x256xf32>
      %swap3A = arith.index_cast %while3A_58 : i32 to index
      %swap3A_70 = arith.constant 0 : index
      %swap3A_71 = vector.load %arg15[%swap3A, %swap3A_70] : memref<64x256xf32, #tpu.memory_space<vmem>>, vector<1x256xf32>
      tpu.vector_store %arg15[%swap3A, %swap3A_70], %max3A_69 {strides = array<i32>} : memref<64x256xf32, #tpu.memory_space<vmem>>, vector<1x256xf32>,
      %while3A_72 = arith.constant 0 : i32
      scf.yield %while3A_72 : i32
    }
    %eq3A_53 = arith.constant 9 : i32
    %eq3A_54 = arith.cmpi eq, %arg0, %eq3A_53 : i32
    %convert_element_type3A_55 = arith.extui %eq3A_54 : i1 to i32
    %cond3A_56 = arith.constant 0 : i32
    %cond3A_57 = arith.cmpi ne, %convert_element_type3A_55, %cond3A_56 : i32
    scf.if %cond3A_57 {
      %get3A_58 = arith.constant 0 : index
      %get3A_59 = arith.constant 0 : index
      %get3A_60 = vector.load %arg15[%get3A_58, %get3A_59] : memref<64x256xf32, #tpu.memory_space<vmem>>, vector<64x256xf32>
      %get3A_61 = arith.constant 0 : index
      %get3A_62 = arith.constant 0 : index
      %get3A_63 = vector.load %arg8[%get3A_61, %get3A_62] : memref<128x256xf32, #tpu.memory_space<vmem>>, vector<128x256xf32>
      %dot_general3A_64 = arith.constant dense<0.000000e+00> : vector<64x128xf32>
      %dot_general3A_65 = tpu.matmul %get3A_60, %get3A_63, %dot_general3A_64 {dimension_numbers = #tpu.dot_dimension_numbers<[1], [1], [0], [0], [0, 0, 1, 0], [], []>, transpose_lhs_hint = false} : vector<64x256xf32>, vector<128x256xf32>, vector<64x128xf32> -> vector<64x128xf32>
      %get3A_66 = arith.constant 0 : index
      %get3A_67 = arith.constant 0 : index
      %get3A_68 = vector.load %arg9[%get3A_66, %get3A_67] : memref<1x128xf32, #tpu.memory_space<vmem>>, vector<1x128xf32>
      %add3A_69 = vector.broadcast %get3A_68 : vector<1x128xf32> to vector<64x128xf32>
      %add3A_70 = arith.addf %dot_general3A_65, %add3A_69 : vector<64x128xf32>
      %max3A_71 = arith.constant 0.000000e+00 : f32
      %max3A_72 = vector.broadcast %max3A_71 : f32 to vector<64x128xf32>
      %max3A_73 = arith.maximumf %add3A_70, %max3A_72 : vector<64x128xf32>
      %get3A_74 = arith.constant 0 : index
      %get3A_75 = arith.constant 0 : index
      %get3A_76 = vector.load %arg10[%get3A_74, %get3A_75] : memref<32x128xf32, #tpu.memory_space<vmem>>, vector<32x128xf32>
      %dot_general3A_77 = arith.constant dense<0.000000e+00> : vector<64x32xf32>
      %dot_general3A_78 = tpu.matmul %max3A_73, %get3A_76, %dot_general3A_77 {dimension_numbers = #tpu.dot_dimension_numbers<[1], [1], [0], [0], [0, 0, 1, 0], [], []>, transpose_lhs_hint = false} : vector<64x128xf32>, vector<32x128xf32>, vector<64x32xf32> -> vector<64x32xf32>
      %get3A_79 = arith.constant 0 : index
      %get3A_80 = arith.constant 0 : index
      %get3A_81 = vector.load %arg11[%get3A_79, %get3A_80] : memref<1x32xf32, #tpu.memory_space<vmem>>, vector<1x32xf32>
      %add3A_82 = vector.broadcast %get3A_81 : vector<1x32xf32> to vector<64x32xf32>
      %add3A_83 = arith.addf %dot_general3A_78, %add3A_82 : vector<64x32xf32>
      %max3A_84 = arith.constant 0.000000e+00 : f32
      %max3A_85 = vector.broadcast %max3A_84 : f32 to vector<64x32xf32>
      %max3A_86 = arith.maximumf %add3A_83, %max3A_85 : vector<64x32xf32>
      %get3A_87 = arith.constant 0 : index
      %get3A_88 = arith.constant 0 : index
      %get3A_89 = vector.load %arg12[%get3A_87, %get3A_88] : memref<10x32xf32, #tpu.memory_space<vmem>>, vector<10x32xf32>
      %dot_general3A_90 = arith.constant dense<0.000000e+00> : vector<64x10xf32>
      %dot_general3A_91 = tpu.matmul %max3A_86, %get3A_89, %dot_general3A_90 {dimension_numbers = #tpu.dot_dimension_numbers<[1], [1], [0], [0], [0, 0, 1, 0], [], []>, transpose_lhs_hint = false} : vector<64x32xf32>, vector<10x32xf32>, vector<64x10xf32> -> vector<64x10xf32>
      %get3A_92 = arith.constant 0 : index
      %get3A_93 = arith.constant 0 : index
      %get3A_94 = vector.load %arg13[%get3A_92, %get3A_93] : memref<1x10xf32, #tpu.memory_space<vmem>>, vector<1x10xf32>
      %add3A_95 = vector.broadcast %get3A_94 : vector<1x10xf32> to vector<64x10xf32>
      %add3A_96 = arith.addf %dot_general3A_91, %add3A_95 : vector<64x10xf32>
      %reduce_max3A = arith.constant dense<0xFF800000> : vector<64xf32>
      %reduce_max3A_97 = vector.multi_reduction <maximumf>, %add3A_96, %reduce_max3A [1] : vector<64x10xf32> to vector<64xf32>
      %broadcast_in_dim3A = vector.shape_cast %reduce_max3A_97 : vector<64xf32> to vector<64x1xf32>
      %sub3A = vector.broadcast %broadcast_in_dim3A : vector<64x1xf32> to vector<64x10xf32>
      %sub3A_98 = arith.subf %add3A_96, %sub3A : vector<64x10xf32>
      %exp3A = math.exp %sub3A_98 : vector<64x10xf32>
      %reduce_sum3A = arith.constant dense<0.000000e+00> : vector<64xf32>
      %reduce_sum3A_99 = vector.multi_reduction <add>, %exp3A, %reduce_sum3A [1] : vector<64x10xf32> to vector<64xf32>
      %broadcast_in_dim3A_100 = vector.shape_cast %reduce_sum3A_99 : vector<64xf32> to vector<64x1xf32>
      %log3A = math.log %broadcast_in_dim3A_100 : vector<64x1xf32>
      %add3A_101 = arith.addf %broadcast_in_dim3A, %log3A : vector<64x1xf32>
      %sub3A_102 = vector.broadcast %add3A_101 : vector<64x1xf32> to vector<64x10xf32>
      %sub3A_103 = arith.subf %add3A_96, %sub3A_102 : vector<64x10xf32>
      %swap3A = arith.constant 0 : index
      %swap3A_104 = arith.constant 0 : index
      %swap3A_105 = vector.load %arg14[%swap3A, %swap3A_104] : memref<64x10xf32, #tpu.memory_space<vmem>>, vector<64x10xf32>
      tpu.vector_store %arg14[%swap3A, %swap3A_104], %sub3A_103 {strides = array<i32>} : memref<64x10xf32, #tpu.memory_space<vmem>>, vector<64x10xf32>,
    } else {
    }
    return
  }
  func.func @transform_0(%arg0: i32) -> (i32, i32) {
    %c0_i32 = arith.constant 0 : i32
    %c0_i32_0 = arith.constant 0 : i32
    return %arg0, %c0_i32 : i32, i32
  }
  func.func @transform_1(%arg0: i32) -> (i32, i32) {
    %c0_i32 = arith.constant 0 : i32
    %c0_i32_0 = arith.constant 0 : i32
    return %arg0, %c0_i32 : i32, i32
  }
  func.func @transform_2(%arg0: i32) -> (i32, i32) {
    %c0_i32 = arith.constant 0 : i32
    %c0_i32_0 = arith.constant 0 : i32
    return %arg0, %c0_i32 : i32, i32
  }
  func.func @transform_3(%arg0: i32) -> (i32, i32) {
    %c0_i32 = arith.constant 0 : i32
    %c0_i32_0 = arith.constant 0 : i32
    return %arg0, %c0_i32 : i32, i32
  }
  func.func @transform_4(%arg0: i32) -> (i32, i32) {
    %c0_i32 = arith.constant 0 : i32
    %c0_i32_0 = arith.constant 0 : i32
    %c0_i32_1 = arith.constant 0 : i32
    return %c0_i32, %c0_i32_0 : i32, i32
  }
  func.func @transform_5(%arg0: i32) -> (i32, i32) {
    %c0_i32 = arith.constant 0 : i32
    %c0_i32_0 = arith.constant 0 : i32
    %c0_i32_1 = arith.constant 0 : i32
    return %c0_i32, %c0_i32_0 : i32, i32
  }
  func.func @transform_6(%arg0: i32) -> (i32, i32) {
    %c0_i32 = arith.constant 0 : i32
    %c0_i32_0 = arith.constant 0 : i32
    return %arg0, %c0_i32 : i32, i32
  }
  func.func @transform_7(%arg0: i32) -> (i32, i32) {
    %c0_i32 = arith.constant 0 : i32
    %c0_i32_0 = arith.constant 0 : i32
    %c0_i32_1 = arith.constant 0 : i32
    return %c0_i32, %c0_i32_0 : i32, i32
  }
  func.func @transform_8(%arg0: i32) -> (i32, i32) {
    %c0_i32 = arith.constant 0 : i32
    %c0_i32_0 = arith.constant 0 : i32
    %c0_i32_1 = arith.constant 0 : i32
    return %c0_i32, %c0_i32_0 : i32, i32
  }
  func.func @transform_9(%arg0: i32) -> (i32, i32) {
    %c0_i32 = arith.constant 0 : i32
    %c0_i32_0 = arith.constant 0 : i32
    %c0_i32_1 = arith.constant 0 : i32
    return %c0_i32, %c0_i32_0 : i32, i32
  }
  func.func @transform_10(%arg0: i32) -> (i32, i32) {
    %c0_i32 = arith.constant 0 : i32
    %c0_i32_0 = arith.constant 0 : i32
    %c0_i32_1 = arith.constant 0 : i32
    return %c0_i32, %c0_i32_0 : i32, i32
  }
  func.func @transform_11(%arg0: i32) -> (i32, i32) {
    %c0_i32 = arith.constant 0 : i32
    %c0_i32_0 = arith.constant 0 : i32
    %c0_i32_1 = arith.constant 0 : i32
    return %c0_i32, %c0_i32_0 : i32, i32
  }
  func.func @transform_12(%arg0: i32) -> (i32, i32) {
    %c0_i32 = arith.constant 0 : i32
    %c0_i32_0 = arith.constant 0 : i32
    %c0_i32_1 = arith.constant 0 : i32
    return %c0_i32, %c0_i32_0 : i32, i32
  }
  func.func @transform_13(%arg0: i32) -> (i32, i32) {
    %c0_i32 = arith.constant 0 : i32
    %c0_i32_0 = arith.constant 0 : i32
    %c0_i32_1 = arith.constant 0 : i32
    return %c0_i32, %c0_i32_0 : i32, i32
  }
}

</mosaic_0001>

<sc_bundles>
// kernel: kernel.11.cloned.1.call-start
scs
__scs_entry_jumppad:
0x0: {  	(pc) =	sbr.rel $0x88, $3  }
0x1: {  	(tag) =	ssettag $0x0;
	lr =	simm.s32 $0x1  }
0x2: {  	[smem:$0x3F92] =	sst lr;
	_ =	strace $0xD0000000  }
0x3: {  	_ = 	snop  }
0x4: {  	_ = 	snop  }
0x5: {  	_ = 	snop  }
0x6: {  	_ = 	snop  }
0x7: {  	_ = 	snop  }
__scs_overlays_trampoline_lowered:
0x8: {  	[smem:$0x3FA1] =	sst s0  }
0x9: {  	[smem:$0x3FA2] =	sst s1  }
0xa: {  	[smem:$0x3FA3] =	sst s2  }
0xb: {  	[smem:$0x3FA4] =	sst s3  }
0xc: {  	[smem:$0x3FA5] =	sst s4  }
0xd: {  	[smem:$0x3FA6] =	sst s5  }
0xe: {  	[smem:$0x3FA7] =	sst s6  }
0xf: {  	[smem:$0x3FA8] =	sst s7  }
0x10: {  	[smem:$0x3FA9] =	sst s8  }
0x11: {  	[smem:$0x3FAA] =	sst s9;
	s0 =	simm.s32 @!p0 $0x0  }
0x12: {  	s1 =	sld [smem:$0x3F90];
	s0 =	simm.s32 @p0 $0x1  }
0x13: {  	[smem:$0x3FAB] =	sst s0;
	s0 =	simm.s32 @!p1 $0x0  }
0x14: {  	s2 =	sld [smem:$0x3F8F];
	s0 =	simm.s32 @p1 $0x1  }
0x15: {  	[smem:$0x3FAC] =	sst s0;
	s0 =	simm.s32 @!p2 $0x0  }
0x16: {  	s3 =	sld [smem:$0x3FDB];
	s0 =	simm.s32 @p2 $0x1  }
0x17: {  	s4 =	simm.s32 $0x1BF5;
	[smem:$0x3FAE] =	sst s0  }
0x18: {  	s0 =	sld [smem:$0x3F91];
	_ =	swait.ge [sflag:s4], $0x0  }
0x19: {  	s7 =	sld [smem:$0x3F92]  }
0x1a: {  	s8 =	sadd.s32 $0xFFFFE003, lr  }
0x1b: {  	s9 =	sadd.s32 $0xFFFFFEF7, lr;
	s5 =	simm.s32 $0xFFFFFFFF;
	p2 =	slt.u32 s8, $0xFFFFF086  }
0x1c: {  	p1 =	slt.u32 s9, $0xF7A;
	s5 =	simm.s32 @!p2 $0x0  }
0x1d: {  	s5 =	simm.s32 @p1 $0x1;
	p0 =	seq.s32 s7, s2  }
0x1e: {  	s7 =	smul.u32 @!p0 $0xF7A, s2;
	p2 =	seq.s32 @!p0 s5, $0x0  }
0x1f: {  	s9 =	smul.u32 $0xF7A, s1;
	s8 =	simm.s32 @!p0 $0x1BF5;
	p2 =	por !p2, p0  }
0x20: {  	[sflag:s8] =	ssyncset.s32 @!p0 $0xFFFFF086;
	s6 =	sadd.s32 @!p0 s3, s7;
	s7 =	simm.s32 @!p0 $0x108  }
0x21: {  	s3 =	sadd.s32 s3, s9;
	s6 =	sadd.s32 @!p0 $0x88, s6;
	s7 =	simm.s32 @p2 $0x1082  }
0x22: {  	[simem:s7], [sflag:s8] =	dma.local @!p0 [hbm:s6], $0xF7A  }
0x23: {  	s9 =	sor.u32 $0xD0000000, s2;
	s6 =	simm.s32 $0x108;
	_ =	swait.ge @!p0 [sflag:s8], $0x0  }
0x24: {  	s3 =	sadd.s32 $0x88, s3;
	s6 =	simm.s32 @!p1 $0x1082;
	[sflag:s4] =	ssyncset.s32 $0xFFFFF086  }
0x25: {  	[simem:s6], [sflag:s4] =	dma.local [hbm:s3], $0xF7A  }
0x26: {  	[smem:$0x3F92] =	sst s1;
	(tag) =	ssettag s2;
	_ =	strace s9  }
0x27: {  	s1 =	sld [smem:$0x3FA2]  }
0x28: {  	s2 =	sld [smem:$0x3FA3]  }
0x29: {  	s4 =	sld [smem:$0x3FA5]  }
0x2a: {  	p0 =	seq.s32 s5, $0x0;
	s5 =	sld [smem:$0x3FA6]  }
0x2b: {  	s6 =	sld [smem:$0x3FA7]  }
0x2c: {  	s7 =	sld [smem:$0x3FA8]  }
0x2d: {  	s3 =	simm.s32 $0x108;
	s8 =	sld [smem:$0x3FA9]  }
0x2e: {  	s3 =	simm.s32 @!p0 $0x1082;
	s9 =	sld [smem:$0x3FAA]  }
0x2f: {  	lr =	sadd.s32 s0, s3;
	s0 =	sld [smem:$0x3FA1]  }
0x30: {  	s3 =	sld [smem:$0x3FA4]  }
0x31: {  	[smem:$0x3FAD] =	sst s10  }
0x32: {  	s10 =	sld [smem:$0x3FAB];
	_ =	sdelay $0x3  }
0x33: {  	p0 =	seq.s32 s10, $0x1;
	s10 =	sld [smem:$0x3FAD];
	_ =	sdelay $0x3  }
0x34: {  	[smem:$0x3FAD] =	sst s10  }
0x35: {  	s10 =	sld [smem:$0x3FAC];
	_ =	sdelay $0x3  }
0x36: {  	p1 =	seq.s32 s10, $0x1;
	s10 =	sld [smem:$0x3FAD];
	_ =	sdelay $0x3  }
0x37: {  	[smem:$0x3FAD] =	sst s10  }
0x38: {  	s10 =	sld [smem:$0x3FAE]  }
0x39: {  	_ = 	snop;
	(pc) =	sbr.ind lr, $3  }
0x3a: {  	_ = 	snop  }
0x3b: {  	_ = 	snop  }
0x3c: {  	p2 =	seq.s32 s10, $0x1;
	s10 =	sld [smem:$0x3FAD]  }
0x3d: {  	_ =	shalt  }
0x3e: {  	_ =	shalt  }
0x3f: {  	_ =	shalt  }
0x40: {  	_ =	shalt  }
0x41: {  	_ =	shalt  }
0x42: {  	_ =	shalt  }
0x43: {  	_ =	shalt  }
0x44: {  	_ =	shalt  }
0x45: {  	_ =	shalt  }
0x46: {  	_ =	shalt  }
0x47: {  	_ =	shalt  }
0x48: {  	_ =	shalt  }
0x49: {  	_ =	shalt  }
0x4a: {  	_ =	shalt  }
0x4b: {  	_ =	shalt  }
0x4c: {  	_ =	shalt  }
0x4d: {  	_ =	shalt  }
0x4e: {  	_ =	shalt  }
0x4f: {  	_ =	shalt  }
0x50: {  	_ =	shalt  }
0x51: {  	_ =	shalt  }
0x52: {  	_ =	shalt  }
0x53: {  	_ =	shalt  }
0x54: {  	_ =	shalt  }
0x55: {  	_ =	shalt  }
0x56: {  	_ =	shalt  }
0x57: {  	_ =	shalt  }
0x58: {  	_ =	shalt  }
0x59: {  	_ =	shalt  }
0x5a: {  	_ =	shalt  }
0x5b: {  	_ =	shalt  }
0x5c: {  	_ =	shalt  }
0x5d: {  	_ =	shalt  }
0x5e: {  	_ =	shalt  }
0x5f: {  	_ =	shalt  }
0x60: {  	_ =	shalt  }
0x61: {  	_ =	shalt  }
0x62: {  	_ =	shalt  }
0x63: {  	_ =	shalt  }
0x64: {  	_ =	shalt  }
0x65: {  	_ =	shalt  }
0x66: {  	_ =	shalt  }
0x67: {  	_ =	shalt  }
0x68: {  	_ =	shalt  }
0x69: {  	_ =	shalt  }
0x6a: {  	_ =	shalt  }
0x6b: {  	_ =	shalt  }
0x6c: {  	_ =	shalt  }
0x6d: {  	_ =	shalt  }
0x6e: {  	_ =	shalt  }
0x6f: {  	_ =	shalt  }
0x70: {  	_ =	shalt  }
0x71: {  	_ =	shalt  }
0x72: {  	_ =	shalt  }
0x73: {  	_ =	shalt  }
0x74: {  	_ =	shalt  }
0x75: {  	_ =	shalt  }
0x76: {  	_ =	shalt  }
0x77: {  	_ =	shalt  }
0x78: {  	_ =	shalt  }
0x79: {  	_ =	shalt  }
0x7a: {  	_ =	shalt  }
0x7b: {  	_ =	shalt  }
0x7c: {  	_ =	shalt  }
0x7d: {  	_ =	shalt  }
0x7e: {  	_ =	shalt  }
0x7f: {  	_ =	shalt  }
0x80: {  	_ =	shalt  }
0x81: {  	_ =	shalt  }
0x82: {  	_ =	shalt  }
0x83: {  	_ =	shalt  }
0x84: {  	_ =	shalt  }
0x85: {  	_ =	shalt  }
0x86: {  	_ =	shalt  }
0x87: {  	_ =	shalt  }
.Lfunc_end0:
.L_simem_size_0:
called_computation.1_lowered:
.L_overlay_start_0:
0x88: {  	s2 =	sld [smem:$0x3FD9]  }
0x89: {  	s3 =	sld [smem:$0x3FFE];
	_ =	sdelay $0x1  }
0x8a: {  	s1 =	srdreg.scid  }
0x8b: {  	s0 =	sand.u32 $0x1, s1  }
0x8c: {  	s16 =	sshll.u32 s0, $0xA;
	s2 =	sadd.s32 s3, s2  }
0x8d: {  	s2 =	sadd.s32 s2, s16  }
0x8e: {  	[smem:$0x3FB9] =	sst s2  }
0x8f: {  	_ = 	snop  }
0x90: {  	(tm) =	ssettm $0x1  }
0x91: {  	s17 =	sld [smem:$0x3FFB];
	_ =	sdelay $0x3  }
0x92: {  	_ =	strace s17  }
0x93: {  	s2 =	sld [smem:$0x3FFC];
	_ =	sdelay $0x3  }
0x94: {  	_ =	strace s2  }
0x95: {  	s2 =	sld [smem:$0x3FFD];
	_ =	sdelay $0x3  }
0x96: {  	_ =	strace s2  }
0x97: {  	_ =	strace $0x8FFFFFFF  }
0x98: {  	s18 =	sld [smem:$0x3FDB];
	_ =	sdelay $0x1  }
0x99: {  	s19 =	simm.s32 $_scs_section_size  }
0x9a: {  	s4 =	simm.s32 $_size__tile_overlayer_lowered;
	s5 =	simm.s32 $_tile_overlayer_lowered  }
0x9b: {  	s22 =	simm.s32 $0x1BFF;
	s21 =	sshll.u32 s5, $0x1;
	s2 =	sadd.s32 s19, s18  }
0x9c: {  	s6 =	simm.s32 $0x0;
	s20 =	sshll.u32 s4, $0x1;
	s4 =	sadd.s32 s21, s2  }
0x9d: {  	[timem:s6], [sflag:s22] =	dma.local [hbm:s4], s20  }
0x9e: {  	_ =	swait.ge [sflag:s22], s20  }
0x9f: {  	s3 =	ssub.s32 $0x0, s20;
	[sflag:s22] =	ssyncset.done $0x0  }
0xa0: {  	[sflag:s22] =	ssyncadd.s32 s3;
	_ =	sdelay $0x1  }
0xa1: {  	s23 =	simm.s32 $0x1B8B  }
0xa2: {  	_ =	swait.ge [sflag:s23], $0x1  }
0xa3: {  	[sflag:s23] =	ssyncset.done $0x0  }
0xa4: {  	s25 =	simm.s32 $0x1B8E;
	s24 =	sld [smem:$0x3FFE];
	[sflag:s23] =	ssyncadd.s32 $0xFFFFFFFF  }
0xa5: {  	s26 =	simm.s32 $execute0_lowered;
	[smem:$0x3FD2] =	sst s25  }
0xa6: {  	s4 =	sshll.u32 s26, $0x1;
	_ =	strace $0x80000046;
	[dreg:$0x1] =	wrdreg $0xFFFFFFFF  }
0xa7: {  	s28 =	simm.s32 $_size_execute0_lowered;
	s2 =	sadd.s32 s2, s4;
	[dreg:$0x0] =	wrdreg $0x0  }
0xa8: {  	s4 =	sshll.u32 s28, $0x1;
	[dreg:$0x2] =	wrdreg s2  }
0xa9: {  	[dreg:$0x3] =	wrdreg s4  }
0xaa: {  	[dreg:$0x4] =	wrdreg $0xC0  }
0xab: {  	_ =	task [dreg:s6], $0x5FFFF  }
0xac: {  	[dreg:$0x1] =	wrdreg $0xFFFFFFFF  }
0xad: {  	[dreg:$0x0] =	wrdreg $0x60  }
0xae: {  	[dreg:$0x2] =	wrdreg s24  }
0xaf: {  	[dreg:$0x3] =	wrdreg $0x0  }
0xb0: {  	[dreg:$0x4] =	wrdreg $0xA  }
0xb1: {  	_ =	task.clear_ibuf [dreg:s6], $0x5FFFF;
	_ =	strace $0x90000046  }
0xb2: {  	s29 =	simm.s32 $0xA;
	_ =	strace $0x80000048  }
0xb3: {  	_ =	swait.ge [sflag:s29], $0x1  }
0xb4: {  	[sflag:s29] =	ssyncadd.s32 $0xFFFFFFFF  }
0xb5: {  	_ =	strace $0x90000048  }
0xb6: {  	_ =	sfence  }
0xb7: {  	s30 =	sld [smem:$0x0];
	_ =	sdelay $0x2  }
0xb8: {  	s31 =	sshll.u32 s1, $0xD;
	s1 =	sshrl.u32 s1, $0x2  }
0xb9: {  	s3 =	sand.u32 $0x4000, s31;
	s1 =	sadd.s32 s1, s30  }
0xba: {  	s0 =	sor.u32 s3, s0;
	s1 =	sshll.u32 s1, $0x11  }
0xbb: {  	s0 =	sor.u32 s1, s0  }
0xbc: {  	s0 =	sadd.s32 $0x8F2B, s0  }
0xbd: {  	[sflag:s0] =	ssyncadd.remote.s32 $0x1  }
0xbe: {  	_ =	sfence.sel $0xFFFF  }
0xbf: {  	[dreg:$0x0] =	wrdreg $0xFFFFFFFF;
	(pc) =	sbr.abs _section_cstart, $3  }
0xc0: {  	[dreg:$0x1] =	wrdreg $0xFFFFFFFF  }
0xc1: {  	_ =	task.clear_ibuf [dreg:s6], $0x2FFFF;
	_ =	strace $0x9FFFFFFF  }
0xc2: {  	(tm) =	ssettm $0x7FFFFFFF  }
0xc3: {  	_ =	shalt  }
tec
execute0_lowered:
.L_overlay_start_1:
0x0: {  	(tag) =	ssettag $0x1  }
0x1: {  	s1 =	rddreg [dreg:$0x0];
	s5 =	srdreg.scid  }
0x2: {  	s0 =	simm.s32 $0x0;
	s14 =	stileid.u32;
	s15 =	rddreg [dreg:$0x1]  }
0x3: {  	s28 =	simm.s32 $0x14200;
	s29 =	simm.s32 $0x3;
	s30 =	simm.s32 $0x14100  }
0x4: {  	s31 =	simm.s32 $0x14000;
	[smem:$0x7FF] =	sst s0;
	s3 =	sadd.s32 $0x35800, s1  }
0x5: {  	s2 =	sadd.s32 $0xE600, s1;
	s4 =	sadd.s32 $0x9600, s1;
	s9 =	smul.u32 $0x2710, s14  }
0x6: {  	s6 =	sadd.s32 $0x4600, s1;
	s5 =	sand.u32 $0x1, s5;
	s12 =	smul.u32 $0x280, s14  }
0x7: {  	s7 =	sadd.s32 $0x5CA00, s1;
	s11 =	sadd.s32 $0x84A00, s1;
	s13 =	smul.u32 $0x2800, s14  }
0x8: {  	s1 =	sadd.s32 $0xACA00, s1;
	s16 =	smul.u32 $0x50000, s14;
	s8 =	ssub.s32 $0x2, s5  }
0x9: {  	p0 =	seq.s32 s5, $0x0;
	s10 =	sshrl.u32 s8, $0x1;
	s9 =	sshrl.u32 s9, $0x3  }
0xa: {  	s18 =	sor.u32 $0x50, s12;
	s19 =	sadd.s32 $0xA0, s12;
	s20 =	sadd.s32 $0xF0, s12  }
0xb: {  	s2 =	smov.u32 @p0 s3;
	s1 =	smov.u32 @p0 s11;
	s8 =	ssub.s32 s8, s10  }
0xc: {  	s17 =	sadd.s32 s4, s9;
	s21 =	sshll.u32 s18, $0x4;
	s22 =	sshll.u32 s19, $0x4  }
0xd: {  	s23 =	sshll.u32 s20, $0x4;
	s1 =	sadd.s32 s1, s13;
	s18 =	sshll.u32 s18, $0x7  }
0xe: {  	s19 =	sshll.u32 s19, $0x7;
	s20 =	sshll.u32 s20, $0x7;
	[dreg:$0x3] =	wrdreg s17  }
0xf: {  	s10 =	sadd.s32 s7, s21;
	s21 =	sadd.s32 $0x140, s12;
	[dreg:$0xc] =	wrdreg s1  }
0x10: {  	s17 =	sadd.s32 s6, s9;
	s1 =	sshrl.u32 s16, $0x2;
	s18 =	sadd.s32 s18, s15  }
0x11: {  	s19 =	sadd.s32 s19, s15;
	s20 =	sadd.s32 s20, s15;
	[dreg:$0x4] =	wrdreg s10  }
0x12: {  	s10 =	sadd.s32 s7, s22;
	s24 =	sshll.u32 s21, $0x4;
	s22 =	sadd.s32 $0x190, s12  }
0x13: {  	[dreg:$0xd] =	wrdreg s17;
	s16 =	sadd.s32 s1, s15;
	s17 =	smax.u32 s8, $0x1  }
0x14: {  	s21 =	sshll.u32 s21, $0x7;
	s1 =	simm.s32 $0x1;
	[dreg:$0x5] =	wrdreg s10  }
0x15: {  	s10 =	sadd.s32 s7, s23;
	s25 =	sshll.u32 s22, $0x4;
	s23 =	sadd.s32 $0x1E0, s12  }
0x16: {  	s21 =	sadd.s32 s21, s15;
	s22 =	sshll.u32 s22, $0x7;
	[dreg:$0x6] =	wrdreg s10  }
0x17: {  	s10 =	sadd.s32 s7, s24;
	s26 =	sshll.u32 s23, $0x4;
	s24 =	sadd.s32 $0x230, s12  }
0x18: {  	s12 =	smul.u32 $0x4E2, s14;
	[dreg:$0x7] =	wrdreg s10;
	s10 =	sadd.s32 s7, s25  }
0x19: {  	s22 =	sadd.s32 s22, s15;
	s25 =	sshll.u32 s23, $0x7;
	[dreg:$0x8] =	wrdreg s10  }
0x1a: {  	s10 =	sadd.s32 s7, s26;
	s6 =	sadd.s32 s12, s6;
	s26 =	sshll.u32 s24, $0x7  }
0x1b: {  	s23 =	sadd.s32 s25, s15;
	[dreg:$0x9] =	wrdreg s10;
	s10 =	sshll.u32 s24, $0x4  }
0x1c: {  	s24 =	sadd.s32 s26, s15;
	s25 =	sadd.s32 $0xA, s6;
	s3 =	sadd.s32 s7, s10  }
0x1d: {  	s7 =	sadd.s32 s7, s13;
	s13 =	simm.s32 $0x50;
	[dreg:$0xa] =	wrdreg s3  }
0x1e: {  	[dreg:$0xb] =	wrdreg s7;
	s3 =	sadd.s32 s12, s4;
	s4 =	simm.s32 $0x0  }
0x1f: {  	_ =	strace $0x80000047;
	s26 =	sadd.s32 $0xA, s3;
	s3 =	simm.s32 $0x4  }
.LBB2_1:
0x20: {  	s5 =	rddreg [dreg:$0xb]  }
0x21: {  	[tilespmem:s28], [sflag:$0x3] =	stream.linear.gather [hbm4b:s5+s0], $0x2800, $0x38;
	[tilespmem:$0x19200] =	vst v63  }
0x22: {  	_ =	swait.ge [sflag:s29], $0x2800  }
0x23: {  	[sflag:s29] =	ssyncset.done $0x0  }
0x24: {  	[sflag:s29] =	ssyncadd.s32 $0xFFFFD800  }
0x25: {  	[spmem:s16] =	stream.linear.scatter [tilespmem:s28], [sflag:$0x3], $0x2800, $0x38;
	[tilespmem:$0x19200] =	vst v63  }
0x26: {  	_ =	swait.ge [sflag:s29], $0x2800  }
0x27: {  	[sflag:s29] =	ssyncset.done $0x0  }
0x28: {  	s11 =	rddreg [dreg:$0x4];
	[sflag:s29] =	ssyncadd.s32 $0xFFFFD800  }
0x29: {  	[tilespmem:s28], [sflag:$0x3] =	stream.linear.gather [hbm4b:s11+s0], $0x2800, $0x38;
	[tilespmem:$0x19200] =	vst v63  }
0x2a: {  	_ =	swait.ge [sflag:s29], $0x2800  }
0x2b: {  	[sflag:s29] =	ssyncset.done $0x0  }
0x2c: {  	[sflag:s29] =	ssyncadd.s32 $0xFFFFD800  }
0x2d: {  	[spmem:s18] =	stream.linear.scatter [tilespmem:s28], [sflag:$0x3], $0x2800, $0x38;
	[tilespmem:$0x19200] =	vst v63  }
0x2e: {  	_ =	swait.ge [sflag:s29], $0x2800  }
0x2f: {  	[sflag:s29] =	ssyncset.done $0x0  }
0x30: {  	s12 =	rddreg [dreg:$0x5];
	[sflag:s29] =	ssyncadd.s32 $0xFFFFD800  }
0x31: {  	[tilespmem:s28], [sflag:$0x3] =	stream.linear.gather [hbm4b:s12+s0], $0x2800, $0x38;
	[tilespmem:$0x19200] =	vst v63  }
0x32: {  	_ =	swait.ge [sflag:s29], $0x2800  }
0x33: {  	[sflag:s29] =	ssyncset.done $0x0  }
0x34: {  	[sflag:s29] =	ssyncadd.s32 $0xFFFFD800  }
0x35: {  	[spmem:s19] =	stream.linear.scatter [tilespmem:s28], [sflag:$0x3], $0x2800, $0x38;
	[tilespmem:$0x19200] =	vst v63  }
0x36: {  	_ =	swait.ge [sflag:s29], $0x2800  }
0x37: {  	[sflag:s29] =	ssyncset.done $0x0  }
0x38: {  	s14 =	rddreg [dreg:$0x6];
	[sflag:s29] =	ssyncadd.s32 $0xFFFFD800  }
0x39: {  	[tilespmem:s28], [sflag:$0x3] =	stream.linear.gather [hbm4b:s14+s0], $0x2800, $0x38;
	[tilespmem:$0x19200] =	vst v63  }
0x3a: {  	_ =	swait.ge [sflag:s29], $0x2800  }
0x3b: {  	[sflag:s29] =	ssyncset.done $0x0  }
0x3c: {  	[sflag:s29] =	ssyncadd.s32 $0xFFFFD800  }
0x3d: {  	[spmem:s20] =	stream.linear.scatter [tilespmem:s28], [sflag:$0x3], $0x2800, $0x38;
	[tilespmem:$0x19200] =	vst v63  }
0x3e: {  	_ =	swait.ge [sflag:s29], $0x2800  }
0x3f: {  	[sflag:s29] =	ssyncset.done $0x0  }
0x40: {  	s6 =	rddreg [dreg:$0x7];
	[sflag:s29] =	ssyncadd.s32 $0xFFFFD800  }
0x41: {  	[tilespmem:s28], [sflag:$0x3] =	stream.linear.gather [hbm4b:s6+s0], $0x2800, $0x38;
	[tilespmem:$0x19200] =	vst v63  }
0x42: {  	_ =	swait.ge [sflag:s29], $0x2800  }
0x43: {  	[sflag:s29] =	ssyncset.done $0x0  }
0x44: {  	[sflag:s29] =	ssyncadd.s32 $0xFFFFD800  }
0x45: {  	[spmem:s21] =	stream.linear.scatter [tilespmem:s28], [sflag:$0x3], $0x2800, $0x38;
	[tilespmem:$0x19200] =	vst v63  }
0x46: {  	_ =	swait.ge [sflag:s29], $0x2800  }
0x47: {  	[sflag:s29] =	ssyncset.done $0x0  }
0x48: {  	s7 =	rddreg [dreg:$0x8];
	[sflag:s29] =	ssyncadd.s32 $0xFFFFD800  }
0x49: {  	[tilespmem:s28], [sflag:$0x3] =	stream.linear.gather [hbm4b:s7+s0], $0x2800, $0x38;
	[tilespmem:$0x19200] =	vst v63  }
0x4a: {  	_ =	swait.ge [sflag:s29], $0x2800  }
0x4b: {  	[sflag:s29] =	ssyncset.done $0x0  }
0x4c: {  	[sflag:s29] =	ssyncadd.s32 $0xFFFFD800  }
0x4d: {  	[spmem:s22] =	stream.linear.scatter [tilespmem:s28], [sflag:$0x3], $0x2800, $0x38;
	[tilespmem:$0x19200] =	vst v63  }
0x4e: {  	_ =	swait.ge [sflag:s29], $0x2800  }
0x4f: {  	[sflag:s29] =	ssyncset.done $0x0  }
0x50: {  	s8 =	rddreg [dreg:$0x9];
	[sflag:s29] =	ssyncadd.s32 $0xFFFFD800  }
0x51: {  	[tilespmem:s28], [sflag:$0x3] =	stream.linear.gather [hbm4b:s8+s0], $0x2800, $0x38;
	[tilespmem:$0x19200] =	vst v63  }
0x52: {  	_ =	swait.ge [sflag:s29], $0x2800  }
0x53: {  	[sflag:s29] =	ssyncset.done $0x0  }
0x54: {  	[sflag:s29] =	ssyncadd.s32 $0xFFFFD800  }
0x55: {  	[spmem:s23] =	stream.linear.scatter [tilespmem:s28], [sflag:$0x3], $0x2800, $0x38;
	[tilespmem:$0x19200] =	vst v63  }
0x56: {  	_ =	swait.ge [sflag:s29], $0x2800  }
0x57: {  	[sflag:s29] =	ssyncset.done $0x0  }
0x58: {  	s9 =	rddreg [dreg:$0xa];
	[sflag:s29] =	ssyncadd.s32 $0xFFFFD800  }
0x59: {  	[tilespmem:s28], [sflag:$0x3] =	stream.linear.gather [hbm4b:s9+s0], $0x2800, $0x38;
	[tilespmem:$0x19200] =	vst v63  }
0x5a: {  	_ =	swait.ge [sflag:s29], $0x2800  }
0x5b: {  	[sflag:s29] =	ssyncset.done $0x0  }
0x5c: {  	[sflag:s29] =	ssyncadd.s32 $0xFFFFD800  }
0x5d: {  	[spmem:s24] =	stream.linear.scatter [tilespmem:s28], [sflag:$0x3], $0x2800, $0x38;
	[tilespmem:$0x19200] =	vst v63  }
0x5e: {  	_ =	swait.ge [sflag:s29], $0x2800  }
0x5f: {  	[sflag:s29] =	ssyncset.done $0x0  }
0x60: {  	[sflag:s29] =	ssyncadd.s32 $0xFFFFD800  }
0x61: {  	[bflag:$0x0] =	sbarrier.arrive $0xFFFF  }
0x62: {  	s10 =	rddreg [dreg:$0x3]  }
0x63: {  	[tilespmem:s30], [sflag:$0x3] =	stream.linear.gather [hbm4b:s10+s0], $0x50, $0x38;
	[tilespmem:$0x19200] =	vst v63  }
0x64: {  	_ =	swait.ge [sflag:s29], $0x50  }
0x65: {  	[sflag:s29] =	ssyncset.done $0x0  }
0x66: {  	s11 =	rddreg [dreg:$0xd];
	[sflag:s29] =	ssyncadd.s32 $0xFFFFFFB0  }
0x67: {  	[tilespmem:s31], [sflag:$0x3] =	stream.linear.gather [hbm4b:s11+s0], $0x50, $0x38;
	[tilespmem:$0x19200] =	vst v63  }
0x68: {  	_ =	swait.ge [sflag:s29], $0x50  }
0x69: {  	s12 =	sand.u32 $0x1, s0;
	[sflag:s29] =	ssyncset.done $0x0  }
0x6a: {  	p0 =	seq.s32 s12, $0x1;
	[sflag:s29] =	ssyncadd.s32 $0xFFFFFFB0  }
0x6b: {  	[tilespmem:s28], [sflag:$0x1] =	stream.indirect.gather [hbm4b:s2+s13], $0x80, s30, s13, $0xb8;
	[tilespmem:$0x19200] =	vst v63  }
0x6c: {  	s5 =	simm.s32 @p0 $0x0;
	s6 =	simm.s32 @p0 $0x14100;
	s7 =	simm.s32 @p0 $0x4  }
0x6d: {  	[tilespmem:s6], [sflag:$0x4] =	stream.linear.gather @p0 [hbm4b:s26+s5], $0x50, $0x38;
	[tilespmem:$0x19200] =	vst v63  }
0x6e: {  	_ =	swait.ge @p0 [sflag:s7], $0x50  }
0x6f: {  	[sflag:s7] =	ssyncset.done @p0 $0x0  }
0x70: {  	s8 =	simm.s32 @p0 $0x14000;
	[sflag:s7] =	ssyncadd.s32 @p0 $0xFFFFFFB0  }
0x71: {  	[tilespmem:s8], [sflag:$0x4] =	stream.linear.gather @p0 [hbm4b:s25+s5], $0x50, $0x38;
	[tilespmem:$0x19200] =	vst v63  }
0x72: {  	_ =	swait.ge @p0 [sflag:s7], $0x50  }
0x73: {  	s5 =	simm.s32 @p0 $0x2;
	[sflag:s7] =	ssyncset.done @p0 $0x0  }
0x74: {  	s8 =	simm.s32 @p0 $0x14200;
	[sflag:s7] =	ssyncadd.s32 @p0 $0xFFFFFFB0;
	s7 =	simm.s32 @p0 $0x50  }
0x75: {  	[tilespmem:s8], [sflag:$0x1] =	stream.indirect.gather @p0 [hbm4b:s2+s7], $0x80, s6, s7, $0xb8;
	[tilespmem:$0x19200] =	vst v63  }
0x76: {  	_ =	swait.ge @p0 [sflag:s5], $0x2800  }
0x77: {  	[sflag:s5] =	ssyncset.done @p0 $0x0  }
0x78: {  	s6 =	simm.s32 @p0 $0x16A00;
	[sflag:s5] =	ssyncadd.s32 @p0 $0xFFFFD800;
	s5 =	simm.s32 @p0 $0x14080  }
0x79: {  	[spmem:s15] =	stream.indirect.scatter.add.f32 @p0 [tilespmem:s6], [sflag:$0x3], $0x80, s5, s7, $0xb8;
	[tilespmem:$0x19200] =	vst v63  }
0x7a: {  	s8 =	simm.s32 @!p0 $0x4;
	s5 =	simm.s32 @!p0 $0x0;
	s6 =	simm.s32 @!p0 $0x14180  }
0x7b: {  	[tilespmem:s6], [sflag:$0x4] =	stream.linear.gather @!p0 [hbm4b:s26+s5], $0x50, $0x38;
	[tilespmem:$0x19200] =	vst v63  }
0x7c: {  	_ =	swait.ge @!p0 [sflag:s8], $0x50  }
0x7d: {  	[sflag:s8] =	ssyncset.done @!p0 $0x0  }
0x7e: {  	s7 =	simm.s32 @!p0 $0x14080;
	[sflag:s8] =	ssyncadd.s32 @!p0 $0xFFFFFFB0  }
0x7f: {  	[tilespmem:s7], [sflag:$0x4] =	stream.linear.gather @!p0 [hbm4b:s25+s5], $0x50, $0x38;
	[tilespmem:$0x19200] =	vst v63  }
0x80: {  	_ =	swait.ge @!p0 [sflag:s8], $0x50  }
0x81: {  	[sflag:s8] =	ssyncset.done @!p0 $0x0  }
0x82: {  	s5 =	simm.s32 @!p0 $0x50;
	s7 =	simm.s32 @!p0 $0x16A00;
	[sflag:s8] =	ssyncadd.s32 @!p0 $0xFFFFFFB0  }
0x83: {  	[tilespmem:s7], [sflag:$0x2] =	stream.indirect.gather @!p0 [hbm4b:s2+s5], $0x80, s6, s5, $0xb8;
	[tilespmem:$0x19200] =	vst v63  }
0x84: {  	s6 =	simm.s32 @!p0 $0x1  }
0x85: {  	_ =	swait.ge @!p0 [sflag:s6], $0x2800  }
0x86: {  	s14 =	simm.s32 $0x1;
	s8 =	simm.s32 @p0 $0x3;
	[sflag:s6] =	ssyncset.done @!p0 $0x0  }
0x87: {  	s7 =	simm.s32 @!p0 $0x14200;
	[sflag:s6] =	ssyncadd.s32 @!p0 $0xFFFFD800;
	s6 =	simm.s32 @!p0 $0x14000  }
0x88: {  	[spmem:s15] =	stream.indirect.scatter.add.f32 @!p0 [tilespmem:s7], [sflag:$0x4], $0x80, s6, s5, $0xb8;
	[tilespmem:$0x19200] =	vst v63  }
0x89: {  	s7 =	simm.s32 $0x2;
	s5 =	sadd.s32 $0xA, s26;
	s6 =	sand.u32 $0x1, s14  }
0x8a: {  	p0 =	seq.s32 s6, $0x1;
	_ =	swait.ge [sflag:s8], $0x2800;
	s6 =	sadd.s32 $0xA, s25  }
.LBB2_2:
0x8b: {  	s10 =	simm.s32 @p0 $0x0  }
0x8c: {  	s11 =	simm.s32 @p0 $0x14100;
	[sflag:s8] =	ssyncset.done $0x0;
	s9 =	smov.u32 s7  }
0x8d: {  	s7 =	sadd.s32 $0x1, s7;
	s12 =	simm.s32 @p0 $0x4;
	[sflag:s8] =	ssyncadd.s32 $0xFFFFD800  }
0x8e: {  	[tilespmem:s11], [sflag:$0x4] =	stream.linear.gather @p0 [hbm4b:s5+s10], $0x50, $0x38;
	[tilespmem:$0x19200] =	vst v63  }
0x8f: {  	p1 =	sne.s32 s7, $0x7C;
	_ =	swait.ge @p0 [sflag:s12], $0x50  }
0x90: {  	[sflag:s12] =	ssyncset.done @p0 $0x0  }
0x91: {  	s8 =	simm.s32 @p0 $0x14000;
	[sflag:s12] =	ssyncadd.s32 @p0 $0xFFFFFFB0  }
0x92: {  	[tilespmem:s8], [sflag:$0x4] =	stream.linear.gather @p0 [hbm4b:s6+s10], $0x50, $0x38;
	[tilespmem:$0x19200] =	vst v63  }
0x93: {  	_ =	swait.ge @p0 [sflag:s12], $0x50  }
0x94: {  	s8 =	simm.s32 @p0 $0x2;
	[sflag:s12] =	ssyncset.done @p0 $0x0  }
0x95: {  	s10 =	simm.s32 @p0 $0x50;
	[sflag:s12] =	ssyncadd.s32 @p0 $0xFFFFFFB0;
	s12 =	simm.s32 @p0 $0x14200  }
0x96: {  	[tilespmem:s12], [sflag:$0x1] =	stream.indirect.gather @p0 [hbm4b:s2+s10], $0x80, s11, s10, $0xb8;
	[tilespmem:$0x19200] =	vst v63  }
0x97: {  	_ =	swait.ge @p0 [sflag:s8], $0x2800  }
0x98: {  	[sflag:s8] =	ssyncset.done @p0 $0x0  }
0x99: {  	s11 =	simm.s32 @p0 $0x16A00;
	[sflag:s8] =	ssyncadd.s32 @p0 $0xFFFFD800;
	s8 =	simm.s32 @p0 $0x14080  }
0x9a: {  	[spmem:s15] =	stream.indirect.scatter.add.f32 @p0 [tilespmem:s11], [sflag:$0x3], $0x80, s8, s10, $0xb8;
	[tilespmem:$0x19200] =	vst v63  }
0x9b: {  	s10 =	simm.s32 @!p0 $0x0;
	s11 =	simm.s32 @!p0 $0x14180;
	s8 =	simm.s32 @!p0 $0x4  }
0x9c: {  	[tilespmem:s11], [sflag:$0x4] =	stream.linear.gather @!p0 [hbm4b:s5+s10], $0x50, $0x38;
	[tilespmem:$0x19200] =	vst v63  }
0x9d: {  	_ =	swait.ge @!p0 [sflag:s8], $0x50  }
0x9e: {  	[sflag:s8] =	ssyncset.done @!p0 $0x0  }
0x9f: {  	s12 =	simm.s32 @!p0 $0x14080;
	[sflag:s8] =	ssyncadd.s32 @!p0 $0xFFFFFFB0  }
0xa0: {  	[tilespmem:s12], [sflag:$0x4] =	stream.linear.gather @!p0 [hbm4b:s6+s10], $0x50, $0x38;
	[tilespmem:$0x19200] =	vst v63  }
0xa1: {  	_ =	swait.ge @!p0 [sflag:s8], $0x50  }
0xa2: {  	s10 =	simm.s32 @!p0 $0x1;
	[sflag:s8] =	ssyncset.done @!p0 $0x0  }
0xa3: {  	s14 =	simm.s32 @!p0 $0x16A00;
	s12 =	simm.s32 @!p0 $0x50;
	[sflag:s8] =	ssyncadd.s32 @!p0 $0xFFFFFFB0  }
0xa4: {  	[tilespmem:s14], [sflag:$0x2] =	stream.indirect.gather @!p0 [hbm4b:s2+s12], $0x80, s11, s12, $0xb8;
	[tilespmem:$0x19200] =	vst v63  }
.Ltmp0:
0xa5: {  	s5 =	sadd.s32 $0xA, s5;
	_ =	swait.ge @!p0 [sflag:s10], $0x2800;
	(pc) =	sbr.rel @p1 .LBB2_2-.Ltmp0, $4  }
0xa6: {  	s9 =	sand.u32 $0x1, s9;
	s11 =	simm.s32 @!p0 $0x14200;
	[sflag:s10] =	ssyncset.done @!p0 $0x0  }
0xa7: {  	s8 =	simm.s32 @p0 $0x3;
	[sflag:s10] =	ssyncadd.s32 @!p0 $0xFFFFD800;
	s10 =	simm.s32 @!p0 $0x14000  }
0xa8: {  	[spmem:s15] =	stream.indirect.scatter.add.f32 @!p0 [tilespmem:s11], [sflag:$0x4], $0x80, s10, s12, $0xb8;
	[tilespmem:$0x19200] =	vst v63  }
0xa9: {  	s6 =	sadd.s32 $0xA, s6;
	p0 =	seq.s32 s9, $0x1;
	_ =	swait.ge [sflag:s8], $0x2800  }
0xaa: {  	s7 =	simm.s32 @p0 $0x0;
	[sflag:s8] =	ssyncset.done $0x0  }
0xab: {  	s9 =	simm.s32 @p0 $0x14100;
	s10 =	simm.s32 @p0 $0x4;
	[sflag:s8] =	ssyncadd.s32 $0xFFFFD800  }
0xac: {  	[tilespmem:s9], [sflag:$0x4] =	stream.linear.gather @p0 [hbm4b:s5+s7], $0x50, $0x38;
	[tilespmem:$0x19200] =	vst v63  }
0xad: {  	_ =	swait.ge @p0 [sflag:s10], $0x50  }
0xae: {  	[sflag:s10] =	ssyncset.done @p0 $0x0  }
0xaf: {  	s8 =	simm.s32 @p0 $0x14000;
	[sflag:s10] =	ssyncadd.s32 @p0 $0xFFFFFFB0  }
0xb0: {  	[tilespmem:s8], [sflag:$0x4] =	stream.linear.gather @p0 [hbm4b:s6+s7], $0x50, $0x38;
	[tilespmem:$0x19200] =	vst v63  }
0xb1: {  	_ =	swait.ge @p0 [sflag:s10], $0x50  }
0xb2: {  	s7 =	simm.s32 @p0 $0x2;
	[sflag:s10] =	ssyncset.done @p0 $0x0  }
0xb3: {  	s8 =	simm.s32 @p0 $0x50;
	[sflag:s10] =	ssyncadd.s32 @p0 $0xFFFFFFB0;
	s10 =	simm.s32 @p0 $0x14200  }
0xb4: {  	[tilespmem:s10], [sflag:$0x1] =	stream.indirect.gather @p0 [hbm4b:s2+s8], $0x80, s9, s8, $0xb8;
	[tilespmem:$0x19200] =	vst v63  }
0xb5: {  	_ =	swait.ge @p0 [sflag:s7], $0x2800  }
0xb6: {  	[sflag:s7] =	ssyncset.done @p0 $0x0  }
0xb7: {  	s9 =	simm.s32 @p0 $0x16A00;
	[sflag:s7] =	ssyncadd.s32 @p0 $0xFFFFD800;
	s7 =	simm.s32 @p0 $0x14080  }
0xb8: {  	[spmem:s15] =	stream.indirect.scatter.add.f32 @p0 [tilespmem:s9], [sflag:$0x3], $0x80, s7, s8, $0xb8;
	[tilespmem:$0x19200] =	vst v63  }
0xb9: {  	s7 =	simm.s32 @!p0 $0x0;
	s8 =	simm.s32 @!p0 $0x14180;
	s9 =	simm.s32 @!p0 $0x4  }
0xba: {  	[tilespmem:s8], [sflag:$0x4] =	stream.linear.gather @!p0 [hbm4b:s5+s7], $0x50, $0x38;
	[tilespmem:$0x19200] =	vst v63  }
0xbb: {  	_ =	swait.ge @!p0 [sflag:s9], $0x50  }
0xbc: {  	[sflag:s9] =	ssyncset.done @!p0 $0x0  }
0xbd: {  	s5 =	simm.s32 @!p0 $0x14080;
	[sflag:s9] =	ssyncadd.s32 @!p0 $0xFFFFFFB0  }
0xbe: {  	[tilespmem:s5], [sflag:$0x4] =	stream.linear.gather @!p0 [hbm4b:s6+s7], $0x50, $0x38;
	[tilespmem:$0x19200] =	vst v63  }
0xbf: {  	_ =	swait.ge @!p0 [sflag:s9], $0x50  }
0xc0: {  	s5 =	simm.s32 @!p0 $0x1;
	[sflag:s9] =	ssyncset.done @!p0 $0x0  }
0xc1: {  	s6 =	simm.s32 @!p0 $0x50;
	s7 =	simm.s32 @!p0 $0x16A00;
	[sflag:s9] =	ssyncadd.s32 @!p0 $0xFFFFFFB0  }
0xc2: {  	[tilespmem:s7], [sflag:$0x2] =	stream.indirect.gather @!p0 [hbm4b:s2+s6], $0x80, s8, s6, $0xb8;
	[tilespmem:$0x19200] =	vst v63  }
0xc3: {  	_ =	swait.ge @!p0 [sflag:s5], $0x2800  }
0xc4: {  	s9 =	simm.s32 @p0 $0x3;
	[sflag:s5] =	ssyncset.done @!p0 $0x0  }
0xc5: {  	s7 =	simm.s32 @!p0 $0x14200;
	[sflag:s5] =	ssyncadd.s32 @!p0 $0xFFFFD800;
	s5 =	simm.s32 @!p0 $0x14000  }
0xc6: {  	[spmem:s15] =	stream.indirect.scatter.add.f32 @!p0 [tilespmem:s7], [sflag:$0x4], $0x80, s5, s6, $0xb8;
	[tilespmem:$0x19200] =	vst v63  }
0xc7: {  	_ =	swait.ge [sflag:s9], $0x2800  }
0xc8: {  	[sflag:s9] =	ssyncset.done $0x0  }
0xc9: {  	[sflag:s9] =	ssyncadd.s32 $0xFFFFD800  }
0xca: {  	_ =	swait.ge [sflag:s1], $0x2800  }
0xcb: {  	[sflag:s1] =	ssyncset.done $0x0  }
0xcc: {  	[sflag:s1] =	ssyncadd.s32 $0xFFFFD800  }
0xcd: {  	[spmem:s15] =	stream.indirect.scatter.add.f32 [tilespmem:s28], [sflag:$0x4], $0x80, s31, s13, $0xb8;
	[tilespmem:$0x19200] =	vst v63  }
0xce: {  	_ =	swait.ge [sflag:s3], $0x2800  }
0xcf: {  	s11 =	stileid.u32;
	[sflag:s3] =	ssyncset.done $0x0  }
0xd0: {  	s12 =	sshrl.u32 s16, $0x3;
	s4 =	sadd.s32 $0x1, s4;
	[sflag:s3] =	ssyncadd.s32 $0xFFFFD800  }
0xd1: {  	s5 =	sshll.u32 s11, $0x6;
	p0 =	sne.s32 s4, s17;
	[bflag:$0x0] =	sbarrier.arrive $0xFFFF  }
.Ltmp1:
0xd2: {  	s5 =	sor.u32 $0x1C03, s5;
	s14 =	rddreg [dreg:$0xc];
	(pc) =	sbr.rel @p0 .LBB2_1-.Ltmp1, $4  }
0xd3: {  	[hbm:s14], [sflag:s5] =	dma.local [spmem:s12], $0x2800  }
0xd4: {  	_ =	swait.ge [sflag:s29], $0x2800  }
0xd5: {  	[sflag:s29] =	ssyncset.done $0x0  }
0xd6: {  	[sflag:s29] =	ssyncadd.s32 $0xFFFFD800  }
0xd7: {  	_ =	sfence.sel $0x180000  }
0xd8: {  	[bflag:$0x0] =	sbarrier.arrive $0xFFFF  }
0xd9: {  	_ =	strace $0x90000047  }
0xda: {  	s0 =	stileid.u32;
	[bflag:$0x2] =	sbarrier.arrive $0xFFFF  }
0xdb: {  	p0 =	sne.s32 s0, $0x0;
	s0 =	rddreg [dreg:$0x2]  }
0xdc: {  	s0 =	sadd.s32 @!p0 $0x100000, s0  }
0xdd: {  	[sflag:s0] =	ssyncadd.tile.s32 @!p0 $0x1;
	_ =	shalt  }
.Lfunc_end2:
_tile_overlayer_lowered:
.L_overlay_start_2:
0xde: {  	(tag) =	ssettag $0x2  }
0xdf: {  	s0 =	rddreg [dreg:$0x0];
	s2 =	stileid.u32  }
0xe0: {  	s1 =	rddreg [dreg:$0x1];
	p0 =	sne.s32 s2, $0x0  }
0xe1: {  	s3 =	rddreg [dreg:$0x2];
	[bflag:$0x3] =	sbarrier.arrive $0xFFFF;
	s2 =	simm.s32 @!p0 $0x1C03  }
0xe2: {  	[timem:s3], [sflag:s2] =	dma.local @!p0 [hbm:s0], s1  }
0xe3: {  	s0 =	simm.s32 @!p0 $0x3  }
0xe4: {  	_ =	swait.ge @!p0 [sflag:s0], s1  }
0xe5: {  	s1 =	ssub.s32 @!p0 $0x0, s1;
	[sflag:s0] =	ssyncset.done @!p0 $0x0  }
0xe6: {  	[sflag:s0] =	ssyncadd.s32 @!p0 s1  }
0xe7: {  	[bflag:$0x3] =	sbarrier.arrive $0xFFFF  }
0xe8: {  	_ =	shalt  }

// kernel: kernel.14.cloned.1.call-start
scs
__scs_entry_jumppad:
0x0: {  	(pc) =	sbr.rel $0x88, $3  }
0x1: {  	(tag) =	ssettag $0x0;
	lr =	simm.s32 $0x1  }
0x2: {  	[smem:$0x3F92] =	sst lr;
	_ =	strace $0xD0000000  }
0x3: {  	_ = 	snop  }
0x4: {  	_ = 	snop  }
0x5: {  	_ = 	snop  }
0x6: {  	_ = 	snop  }
0x7: {  	_ = 	snop  }
__scs_overlays_trampoline_lowered:
0x8: {  	[smem:$0x3FA1] =	sst s0  }
0x9: {  	[smem:$0x3FA2] =	sst s1  }
0xa: {  	[smem:$0x3FA3] =	sst s2  }
0xb: {  	[smem:$0x3FA4] =	sst s3  }
0xc: {  	[smem:$0x3FA5] =	sst s4  }
0xd: {  	[smem:$0x3FA6] =	sst s5  }
0xe: {  	[smem:$0x3FA7] =	sst s6  }
0xf: {  	[smem:$0x3FA8] =	sst s7  }
0x10: {  	[smem:$0x3FA9] =	sst s8  }
0x11: {  	[smem:$0x3FAA] =	sst s9;
	s0 =	simm.s32 @!p0 $0x0  }
0x12: {  	s1 =	sld [smem:$0x3F90];
	s0 =	simm.s32 @p0 $0x1  }
0x13: {  	[smem:$0x3FAB] =	sst s0;
	s0 =	simm.s32 @!p1 $0x0  }
0x14: {  	s2 =	sld [smem:$0x3F8F];
	s0 =	simm.s32 @p1 $0x1  }
0x15: {  	[smem:$0x3FAC] =	sst s0;
	s0 =	simm.s32 @!p2 $0x0  }
0x16: {  	s3 =	sld [smem:$0x3FDB];
	s0 =	simm.s32 @p2 $0x1  }
0x17: {  	s4 =	simm.s32 $0x1BF5;
	[smem:$0x3FAE] =	sst s0  }
0x18: {  	s0 =	sld [smem:$0x3F91];
	_ =	swait.ge [sflag:s4], $0x0  }
0x19: {  	s7 =	sld [smem:$0x3F92]  }
0x1a: {  	s8 =	sadd.s32 $0xFFFFE003, lr  }
0x1b: {  	s9 =	sadd.s32 $0xFFFFFEF7, lr;
	s5 =	simm.s32 $0xFFFFFFFF;
	p2 =	slt.u32 s8, $0xFFFFF086  }
0x1c: {  	p1 =	slt.u32 s9, $0xF7A;
	s5 =	simm.s32 @!p2 $0x0  }
0x1d: {  	s5 =	simm.s32 @p1 $0x1;
	p0 =	seq.s32 s7, s2  }
0x1e: {  	s7 =	smul.u32 @!p0 $0xF7A, s2;
	p2 =	seq.s32 @!p0 s5, $0x0  }
0x1f: {  	s9 =	smul.u32 $0xF7A, s1;
	s8 =	simm.s32 @!p0 $0x1BF5;
	p2 =	por !p2, p0  }
0x20: {  	[sflag:s8] =	ssyncset.s32 @!p0 $0xFFFFF086;
	s6 =	sadd.s32 @!p0 s3, s7;
	s7 =	simm.s32 @!p0 $0x108  }
0x21: {  	s3 =	sadd.s32 s3, s9;
	s6 =	sadd.s32 @!p0 $0x88, s6;
	s7 =	simm.s32 @p2 $0x1082  }
0x22: {  	[simem:s7], [sflag:s8] =	dma.local @!p0 [hbm:s6], $0xF7A  }
0x23: {  	s9 =	sor.u32 $0xD0000000, s2;
	s6 =	simm.s32 $0x108;
	_ =	swait.ge @!p0 [sflag:s8], $0x0  }
0x24: {  	s3 =	sadd.s32 $0x88, s3;
	s6 =	simm.s32 @!p1 $0x1082;
	[sflag:s4] =	ssyncset.s32 $0xFFFFF086  }
0x25: {  	[simem:s6], [sflag:s4] =	dma.local [hbm:s3], $0xF7A  }
0x26: {  	[smem:$0x3F92] =	sst s1;
	(tag) =	ssettag s2;
	_ =	strace s9  }
0x27: {  	s1 =	sld [smem:$0x3FA2]  }
0x28: {  	s2 =	sld [smem:$0x3FA3]  }
0x29: {  	s4 =	sld [smem:$0x3FA5]  }
0x2a: {  	p0 =	seq.s32 s5, $0x0;
	s5 =	sld [smem:$0x3FA6]  }
0x2b: {  	s6 =	sld [smem:$0x3FA7]  }
0x2c: {  	s7 =	sld [smem:$0x3FA8]  }
0x2d: {  	s3 =	simm.s32 $0x108;
	s8 =	sld [smem:$0x3FA9]  }
0x2e: {  	s3 =	simm.s32 @!p0 $0x1082;
	s9 =	sld [smem:$0x3FAA]  }
0x2f: {  	lr =	sadd.s32 s0, s3;
	s0 =	sld [smem:$0x3FA1]  }
0x30: {  	s3 =	sld [smem:$0x3FA4]  }
0x31: {  	[smem:$0x3FAD] =	sst s10  }
0x32: {  	s10 =	sld [smem:$0x3FAB];
	_ =	sdelay $0x3  }
0x33: {  	p0 =	seq.s32 s10, $0x1;
	s10 =	sld [smem:$0x3FAD];
	_ =	sdelay $0x3  }
0x34: {  	[smem:$0x3FAD] =	sst s10  }
0x35: {  	s10 =	sld [smem:$0x3FAC];
	_ =	sdelay $0x3  }
0x36: {  	p1 =	seq.s32 s10, $0x1;
	s10 =	sld [smem:$0x3FAD];
	_ =	sdelay $0x3  }
0x37: {  	[smem:$0x3FAD] =	sst s10  }
0x38: {  	s10 =	sld [smem:$0x3FAE]  }
0x39: {  	_ = 	snop;
	(pc) =	sbr.ind lr, $3  }
0x3a: {  	_ = 	snop  }
0x3b: {  	_ = 	snop  }
0x3c: {  	p2 =	seq.s32 s10, $0x1;
	s10 =	sld [smem:$0x3FAD]  }
0x3d: {  	_ =	shalt  }
0x3e: {  	_ =	shalt  }
0x3f: {  	_ =	shalt  }
0x40: {  	_ =	shalt  }
0x41: {  	_ =	shalt  }
0x42: {  	_ =	shalt  }
0x43: {  	_ =	shalt  }
0x44: {  	_ =	shalt  }
0x45: {  	_ =	shalt  }
0x46: {  	_ =	shalt  }
0x47: {  	_ =	shalt  }
0x48: {  	_ =	shalt  }
0x49: {  	_ =	shalt  }
0x4a: {  	_ =	shalt  }
0x4b: {  	_ =	shalt  }
0x4c: {  	_ =	shalt  }
0x4d: {  	_ =	shalt  }
0x4e: {  	_ =	shalt  }
0x4f: {  	_ =	shalt  }
0x50: {  	_ =	shalt  }
0x51: {  	_ =	shalt  }
0x52: {  	_ =	shalt  }
0x53: {  	_ =	shalt  }
0x54: {  	_ =	shalt  }
0x55: {  	_ =	shalt  }
0x56: {  	_ =	shalt  }
0x57: {  	_ =	shalt  }
0x58: {  	_ =	shalt  }
0x59: {  	_ =	shalt  }
0x5a: {  	_ =	shalt  }
0x5b: {  	_ =	shalt  }
0x5c: {  	_ =	shalt  }
0x5d: {  	_ =	shalt  }
0x5e: {  	_ =	shalt  }
0x5f: {  	_ =	shalt  }
0x60: {  	_ =	shalt  }
0x61: {  	_ =	shalt  }
0x62: {  	_ =	shalt  }
0x63: {  	_ =	shalt  }
0x64: {  	_ =	shalt  }
0x65: {  	_ =	shalt  }
0x66: {  	_ =	shalt  }
0x67: {  	_ =	shalt  }
0x68: {  	_ =	shalt  }
0x69: {  	_ =	shalt  }
0x6a: {  	_ =	shalt  }
0x6b: {  	_ =	shalt  }
0x6c: {  	_ =	shalt  }
0x6d: {  	_ =	shalt  }
0x6e: {  	_ =	shalt  }
0x6f: {  	_ =	shalt  }
0x70: {  	_ =	shalt  }
0x71: {  	_ =	shalt  }
0x72: {  	_ =	shalt  }
0x73: {  	_ =	shalt  }
0x74: {  	_ =	shalt  }
0x75: {  	_ =	shalt  }
0x76: {  	_ =	shalt  }
0x77: {  	_ =	shalt  }
0x78: {  	_ =	shalt  }
0x79: {  	_ =	shalt  }
0x7a: {  	_ =	shalt  }
0x7b: {  	_ =	shalt  }
0x7c: {  	_ =	shalt  }
0x7d: {  	_ =	shalt  }
0x7e: {  	_ =	shalt  }
0x7f: {  	_ =	shalt  }
0x80: {  	_ =	shalt  }
0x81: {  	_ =	shalt  }
0x82: {  	_ =	shalt  }
0x83: {  	_ =	shalt  }
0x84: {  	_ =	shalt  }
0x85: {  	_ =	shalt  }
0x86: {  	_ =	shalt  }
0x87: {  	_ =	shalt  }
.Lfunc_end0:
.L_simem_size_0:
called_computation.2_lowered:
.L_overlay_start_0:
0x88: {  	s2 =	sld [smem:$0x3FD9]  }
0x89: {  	s3 =	sld [smem:$0x3FFE];
	_ =	sdelay $0x1  }
0x8a: {  	s1 =	srdreg.scid  }
0x8b: {  	s0 =	sand.u32 $0x1, s1  }
0x8c: {  	s16 =	sshll.u32 s0, $0xA;
	s2 =	sadd.s32 s3, s2  }
0x8d: {  	s2 =	sadd.s32 s2, s16  }
0x8e: {  	[smem:$0x3FB9] =	sst s2  }
0x8f: {  	_ = 	snop  }
0x90: {  	(tm) =	ssettm $0x1  }
0x91: {  	s17 =	sld [smem:$0x3FFB];
	_ =	sdelay $0x3  }
0x92: {  	_ =	strace s17  }
0x93: {  	s2 =	sld [smem:$0x3FFC];
	_ =	sdelay $0x3  }
0x94: {  	_ =	strace s2  }
0x95: {  	s2 =	sld [smem:$0x3FFD];
	_ =	sdelay $0x3  }
0x96: {  	_ =	strace s2  }
0x97: {  	_ =	strace $0x8FFFFFFF  }
0x98: {  	s18 =	sld [smem:$0x3FDB];
	_ =	sdelay $0x1  }
0x99: {  	s19 =	simm.s32 $_scs_section_size  }
0x9a: {  	s4 =	simm.s32 $_size__tile_overlayer_lowered;
	s5 =	simm.s32 $_tile_overlayer_lowered  }
0x9b: {  	s22 =	simm.s32 $0x1BFF;
	s21 =	sshll.u32 s5, $0x1;
	s2 =	sadd.s32 s19, s18  }
0x9c: {  	s6 =	simm.s32 $0x0;
	s20 =	sshll.u32 s4, $0x1;
	s4 =	sadd.s32 s21, s2  }
0x9d: {  	[timem:s6], [sflag:s22] =	dma.local [hbm:s4], s20  }
0x9e: {  	_ =	swait.ge [sflag:s22], s20  }
0x9f: {  	s3 =	ssub.s32 $0x0, s20;
	[sflag:s22] =	ssyncset.done $0x0  }
0xa0: {  	[sflag:s22] =	ssyncadd.s32 s3;
	_ =	sdelay $0x1  }
0xa1: {  	s23 =	simm.s32 $0x1B8B  }
0xa2: {  	_ =	swait.ge [sflag:s23], $0x1  }
0xa3: {  	[sflag:s23] =	ssyncset.done $0x0  }
0xa4: {  	s25 =	simm.s32 $0x1B8E;
	s24 =	sld [smem:$0x3FFE];
	[sflag:s23] =	ssyncadd.s32 $0xFFFFFFFF  }
0xa5: {  	s26 =	simm.s32 $execute0_lowered;
	[smem:$0x3FD2] =	sst s25  }
0xa6: {  	s4 =	sshll.u32 s26, $0x1;
	_ =	strace $0x8000004C;
	[dreg:$0x1] =	wrdreg $0xFFFFFFFF  }
0xa7: {  	s28 =	simm.s32 $_size_execute0_lowered;
	s2 =	sadd.s32 s2, s4;
	[dreg:$0x0] =	wrdreg $0x0  }
0xa8: {  	s4 =	sshll.u32 s28, $0x1;
	[dreg:$0x2] =	wrdreg s2  }
0xa9: {  	[dreg:$0x3] =	wrdreg s4  }
0xaa: {  	[dreg:$0x4] =	wrdreg $0xC0  }
0xab: {  	_ =	task [dreg:s6], $0x5FFFF  }
0xac: {  	[dreg:$0x1] =	wrdreg $0xFFFFFFFF  }
0xad: {  	[dreg:$0x0] =	wrdreg $0x60  }
0xae: {  	[dreg:$0x2] =	wrdreg s24  }
0xaf: {  	[dreg:$0x3] =	wrdreg $0x0  }
0xb0: {  	[dreg:$0x4] =	wrdreg $0x9  }
0xb1: {  	_ =	task.clear_ibuf [dreg:s6], $0x5FFFF;
	_ =	strace $0x9000004C  }
0xb2: {  	s29 =	simm.s32 $0x9;
	_ =	strace $0x8000004E  }
0xb3: {  	_ =	swait.ge [sflag:s29], $0x1  }
0xb4: {  	[sflag:s29] =	ssyncadd.s32 $0xFFFFFFFF  }
0xb5: {  	_ =	strace $0x9000004E  }
0xb6: {  	_ =	sfence  }
0xb7: {  	s30 =	sld [smem:$0x0];
	_ =	sdelay $0x2  }
0xb8: {  	s31 =	sshll.u32 s1, $0xD;
	s1 =	sshrl.u32 s1, $0x2  }
0xb9: {  	s3 =	sand.u32 $0x4000, s31;
	s1 =	sadd.s32 s1, s30  }
0xba: {  	s0 =	sor.u32 s3, s0;
	s1 =	sshll.u32 s1, $0x11  }
0xbb: {  	s0 =	sor.u32 s1, s0  }
0xbc: {  	s0 =	sadd.s32 $0x8F2B, s0  }
0xbd: {  	[sflag:s0] =	ssyncadd.remote.s32 $0x1  }
0xbe: {  	_ =	sfence.sel $0xFFFF  }
0xbf: {  	[dreg:$0x0] =	wrdreg $0xFFFFFFFF;
	(pc) =	sbr.abs _section_cstart, $3  }
0xc0: {  	[dreg:$0x1] =	wrdreg $0xFFFFFFFF  }
0xc1: {  	_ =	task.clear_ibuf [dreg:s6], $0x2FFFF;
	_ =	strace $0x9FFFFFFF  }
0xc2: {  	(tm) =	ssettm $0x7FFFFFFF  }
0xc3: {  	_ =	shalt  }
tec
execute0_lowered:
.L_overlay_start_1:
0x0: {  	(tag) =	ssettag $0x1  }
0x1: {  	s1 =	rddreg [dreg:$0x0];
	s5 =	srdreg.scid  }
0x2: {  	s0 =	simm.s32 $0x0;
	s14 =	stileid.u32;
	s15 =	rddreg [dreg:$0x1]  }
0x3: {  	s28 =	simm.s32 $0x14200;
	s29 =	simm.s32 $0x3;
	s30 =	simm.s32 $0x14100  }
0x4: {  	s31 =	simm.s32 $0x14000;
	[smem:$0x7FF] =	sst s0;
	s3 =	sadd.s32 $0x35800, s1  }
0x5: {  	s2 =	sadd.s32 $0xD2C00, s1;
	s4 =	sadd.s32 $0x9600, s1;
	s9 =	smul.u32 $0x2710, s14  }
0x6: {  	s6 =	sadd.s32 $0x4600, s1;
	s5 =	sand.u32 $0x1, s5;
	s12 =	smul.u32 $0x280, s14  }
0x7: {  	s7 =	sadd.s32 $0x5CA00, s1;
	s11 =	sadd.s32 $0xF9E00, s1;
	s13 =	smul.u32 $0x2800, s14  }
0x8: {  	s1 =	sadd.s32 $0x121E00, s1;
	s16 =	smul.u32 $0x50000, s14;
	s8 =	ssub.s32 $0x2, s5  }
0x9: {  	p0 =	seq.s32 s5, $0x0;
	s10 =	sshrl.u32 s8, $0x1;
	s9 =	sshrl.u32 s9, $0x3  }
0xa: {  	s18 =	sor.u32 $0x50, s12;
	s19 =	sadd.s32 $0xA0, s12;
	s20 =	sadd.s32 $0xF0, s12  }
0xb: {  	s2 =	smov.u32 @p0 s3;
	s1 =	smov.u32 @p0 s11;
	s8 =	ssub.s32 s8, s10  }
0xc: {  	s17 =	sadd.s32 s4, s9;
	s21 =	sshll.u32 s18, $0x4;
	s22 =	sshll.u32 s19, $0x4  }
0xd: {  	s23 =	sshll.u32 s20, $0x4;
	s1 =	sadd.s32 s1, s13;
	s18 =	sshll.u32 s18, $0x7  }
0xe: {  	s19 =	sshll.u32 s19, $0x7;
	s20 =	sshll.u32 s20, $0x7;
	[dreg:$0x3] =	wrdreg s17  }
0xf: {  	s10 =	sadd.s32 s7, s21;
	s21 =	sadd.s32 $0x140, s12;
	[dreg:$0xc] =	wrdreg s1  }
0x10: {  	s17 =	sadd.s32 s6, s9;
	s1 =	sshrl.u32 s16, $0x2;
	s18 =	sadd.s32 s18, s15  }
0x11: {  	s19 =	sadd.s32 s19, s15;
	s20 =	sadd.s32 s20, s15;
	[dreg:$0x4] =	wrdreg s10  }
0x12: {  	s10 =	sadd.s32 s7, s22;
	s24 =	sshll.u32 s21, $0x4;
	s22 =	sadd.s32 $0x190, s12  }
0x13: {  	[dreg:$0xd] =	wrdreg s17;
	s16 =	sadd.s32 s1, s15;
	s17 =	smax.u32 s8, $0x1  }
0x14: {  	s21 =	sshll.u32 s21, $0x7;
	s1 =	simm.s32 $0x1;
	[dreg:$0x5] =	wrdreg s10  }
0x15: {  	s10 =	sadd.s32 s7, s23;
	s25 =	sshll.u32 s22, $0x4;
	s23 =	sadd.s32 $0x1E0, s12  }
0x16: {  	s21 =	sadd.s32 s21, s15;
	s22 =	sshll.u32 s22, $0x7;
	[dreg:$0x6] =	wrdreg s10  }
0x17: {  	s10 =	sadd.s32 s7, s24;
	s26 =	sshll.u32 s23, $0x4;
	s24 =	sadd.s32 $0x230, s12  }
0x18: {  	s12 =	smul.u32 $0x4E2, s14;
	[dreg:$0x7] =	wrdreg s10;
	s10 =	sadd.s32 s7, s25  }
0x19: {  	s22 =	sadd.s32 s22, s15;
	s25 =	sshll.u32 s23, $0x7;
	[dreg:$0x8] =	wrdreg s10  }
0x1a: {  	s10 =	sadd.s32 s7, s26;
	s6 =	sadd.s32 s12, s6;
	s26 =	sshll.u32 s24, $0x7  }
0x1b: {  	s23 =	sadd.s32 s25, s15;
	[dreg:$0x9] =	wrdreg s10;
	s10 =	sshll.u32 s24, $0x4  }
0x1c: {  	s24 =	sadd.s32 s26, s15;
	s25 =	sadd.s32 $0xA, s6;
	s3 =	sadd.s32 s7, s10  }
0x1d: {  	s7 =	sadd.s32 s7, s13;
	s13 =	simm.s32 $0x50;
	[dreg:$0xa] =	wrdreg s3  }
0x1e: {  	[dreg:$0xb] =	wrdreg s7;
	s3 =	sadd.s32 s12, s4;
	s4 =	simm.s32 $0x0  }
0x1f: {  	_ =	strace $0x8000004D;
	s26 =	sadd.s32 $0xA, s3;
	s3 =	simm.s32 $0x4  }
.LBB2_1:
0x20: {  	s5 =	rddreg [dreg:$0xb]  }
0x21: {  	[tilespmem:s28], [sflag:$0x3] =	stream.linear.gather [hbm4b:s5+s0], $0x2800, $0x38;
	[tilespmem:$0x19200] =	vst v63  }
0x22: {  	_ =	swait.ge [sflag:s29], $0x2800  }
0x23: {  	[sflag:s29] =	ssyncset.done $0x0  }
0x24: {  	[sflag:s29] =	ssyncadd.s32 $0xFFFFD800  }
0x25: {  	[spmem:s16] =	stream.linear.scatter [tilespmem:s28], [sflag:$0x3], $0x2800, $0x38;
	[tilespmem:$0x19200] =	vst v63  }
0x26: {  	_ =	swait.ge [sflag:s29], $0x2800  }
0x27: {  	[sflag:s29] =	ssyncset.done $0x0  }
0x28: {  	s11 =	rddreg [dreg:$0x4];
	[sflag:s29] =	ssyncadd.s32 $0xFFFFD800  }
0x29: {  	[tilespmem:s28], [sflag:$0x3] =	stream.linear.gather [hbm4b:s11+s0], $0x2800, $0x38;
	[tilespmem:$0x19200] =	vst v63  }
0x2a: {  	_ =	swait.ge [sflag:s29], $0x2800  }
0x2b: {  	[sflag:s29] =	ssyncset.done $0x0  }
0x2c: {  	[sflag:s29] =	ssyncadd.s32 $0xFFFFD800  }
0x2d: {  	[spmem:s18] =	stream.linear.scatter [tilespmem:s28], [sflag:$0x3], $0x2800, $0x38;
	[tilespmem:$0x19200] =	vst v63  }
0x2e: {  	_ =	swait.ge [sflag:s29], $0x2800  }
0x2f: {  	[sflag:s29] =	ssyncset.done $0x0  }
0x30: {  	s12 =	rddreg [dreg:$0x5];
	[sflag:s29] =	ssyncadd.s32 $0xFFFFD800  }
0x31: {  	[tilespmem:s28], [sflag:$0x3] =	stream.linear.gather [hbm4b:s12+s0], $0x2800, $0x38;
	[tilespmem:$0x19200] =	vst v63  }
0x32: {  	_ =	swait.ge [sflag:s29], $0x2800  }
0x33: {  	[sflag:s29] =	ssyncset.done $0x0  }
0x34: {  	[sflag:s29] =	ssyncadd.s32 $0xFFFFD800  }
0x35: {  	[spmem:s19] =	stream.linear.scatter [tilespmem:s28], [sflag:$0x3], $0x2800, $0x38;
	[tilespmem:$0x19200] =	vst v63  }
0x36: {  	_ =	swait.ge [sflag:s29], $0x2800  }
0x37: {  	[sflag:s29] =	ssyncset.done $0x0  }
0x38: {  	s14 =	rddreg [dreg:$0x6];
	[sflag:s29] =	ssyncadd.s32 $0xFFFFD800  }
0x39: {  	[tilespmem:s28], [sflag:$0x3] =	stream.linear.gather [hbm4b:s14+s0], $0x2800, $0x38;
	[tilespmem:$0x19200] =	vst v63  }
0x3a: {  	_ =	swait.ge [sflag:s29], $0x2800  }
0x3b: {  	[sflag:s29] =	ssyncset.done $0x0  }
0x3c: {  	[sflag:s29] =	ssyncadd.s32 $0xFFFFD800  }
0x3d: {  	[spmem:s20] =	stream.linear.scatter [tilespmem:s28], [sflag:$0x3], $0x2800, $0x38;
	[tilespmem:$0x19200] =	vst v63  }
0x3e: {  	_ =	swait.ge [sflag:s29], $0x2800  }
0x3f: {  	[sflag:s29] =	ssyncset.done $0x0  }
0x40: {  	s6 =	rddreg [dreg:$0x7];
	[sflag:s29] =	ssyncadd.s32 $0xFFFFD800  }
0x41: {  	[tilespmem:s28], [sflag:$0x3] =	stream.linear.gather [hbm4b:s6+s0], $0x2800, $0x38;
	[tilespmem:$0x19200] =	vst v63  }
0x42: {  	_ =	swait.ge [sflag:s29], $0x2800  }
0x43: {  	[sflag:s29] =	ssyncset.done $0x0  }
0x44: {  	[sflag:s29] =	ssyncadd.s32 $0xFFFFD800  }
0x45: {  	[spmem:s21] =	stream.linear.scatter [tilespmem:s28], [sflag:$0x3], $0x2800, $0x38;
	[tilespmem:$0x19200] =	vst v63  }
0x46: {  	_ =	swait.ge [sflag:s29], $0x2800  }
0x47: {  	[sflag:s29] =	ssyncset.done $0x0  }
0x48: {  	s7 =	rddreg [dreg:$0x8];
	[sflag:s29] =	ssyncadd.s32 $0xFFFFD800  }
0x49: {  	[tilespmem:s28], [sflag:$0x3] =	stream.linear.gather [hbm4b:s7+s0], $0x2800, $0x38;
	[tilespmem:$0x19200] =	vst v63  }
0x4a: {  	_ =	swait.ge [sflag:s29], $0x2800  }
0x4b: {  	[sflag:s29] =	ssyncset.done $0x0  }
0x4c: {  	[sflag:s29] =	ssyncadd.s32 $0xFFFFD800  }
0x4d: {  	[spmem:s22] =	stream.linear.scatter [tilespmem:s28], [sflag:$0x3], $0x2800, $0x38;
	[tilespmem:$0x19200] =	vst v63  }
0x4e: {  	_ =	swait.ge [sflag:s29], $0x2800  }
0x4f: {  	[sflag:s29] =	ssyncset.done $0x0  }
0x50: {  	s8 =	rddreg [dreg:$0x9];
	[sflag:s29] =	ssyncadd.s32 $0xFFFFD800  }
0x51: {  	[tilespmem:s28], [sflag:$0x3] =	stream.linear.gather [hbm4b:s8+s0], $0x2800, $0x38;
	[tilespmem:$0x19200] =	vst v63  }
0x52: {  	_ =	swait.ge [sflag:s29], $0x2800  }
0x53: {  	[sflag:s29] =	ssyncset.done $0x0  }
0x54: {  	[sflag:s29] =	ssyncadd.s32 $0xFFFFD800  }
0x55: {  	[spmem:s23] =	stream.linear.scatter [tilespmem:s28], [sflag:$0x3], $0x2800, $0x38;
	[tilespmem:$0x19200] =	vst v63  }
0x56: {  	_ =	swait.ge [sflag:s29], $0x2800  }
0x57: {  	[sflag:s29] =	ssyncset.done $0x0  }
0x58: {  	s9 =	rddreg [dreg:$0xa];
	[sflag:s29] =	ssyncadd.s32 $0xFFFFD800  }
0x59: {  	[tilespmem:s28], [sflag:$0x3] =	stream.linear.gather [hbm4b:s9+s0], $0x2800, $0x38;
	[tilespmem:$0x19200] =	vst v63  }
0x5a: {  	_ =	swait.ge [sflag:s29], $0x2800  }
0x5b: {  	[sflag:s29] =	ssyncset.done $0x0  }
0x5c: {  	[sflag:s29] =	ssyncadd.s32 $0xFFFFD800  }
0x5d: {  	[spmem:s24] =	stream.linear.scatter [tilespmem:s28], [sflag:$0x3], $0x2800, $0x38;
	[tilespmem:$0x19200] =	vst v63  }
0x5e: {  	_ =	swait.ge [sflag:s29], $0x2800  }
0x5f: {  	[sflag:s29] =	ssyncset.done $0x0  }
0x60: {  	[sflag:s29] =	ssyncadd.s32 $0xFFFFD800  }
0x61: {  	[bflag:$0x0] =	sbarrier.arrive $0xFFFF  }
0x62: {  	s10 =	rddreg [dreg:$0x3]  }
0x63: {  	[tilespmem:s30], [sflag:$0x3] =	stream.linear.gather [hbm4b:s10+s0], $0x50, $0x38;
	[tilespmem:$0x19200] =	vst v63  }
0x64: {  	_ =	swait.ge [sflag:s29], $0x50  }
0x65: {  	[sflag:s29] =	ssyncset.done $0x0  }
0x66: {  	s11 =	rddreg [dreg:$0xd];
	[sflag:s29] =	ssyncadd.s32 $0xFFFFFFB0  }
0x67: {  	[tilespmem:s31], [sflag:$0x3] =	stream.linear.gather [hbm4b:s11+s0], $0x50, $0x38;
	[tilespmem:$0x19200] =	vst v63  }
0x68: {  	_ =	swait.ge [sflag:s29], $0x50  }
0x69: {  	s12 =	sand.u32 $0x1, s0;
	[sflag:s29] =	ssyncset.done $0x0  }
0x6a: {  	p0 =	seq.s32 s12, $0x1;
	[sflag:s29] =	ssyncadd.s32 $0xFFFFFFB0  }
0x6b: {  	[tilespmem:s28], [sflag:$0x1] =	stream.indirect.gather [hbm4b:s2+s13], $0x80, s30, s13, $0xb8;
	[tilespmem:$0x19200] =	vst v63  }
0x6c: {  	s5 =	simm.s32 @p0 $0x0;
	s6 =	simm.s32 @p0 $0x14100;
	s7 =	simm.s32 @p0 $0x4  }
0x6d: {  	[tilespmem:s6], [sflag:$0x4] =	stream.linear.gather @p0 [hbm4b:s26+s5], $0x50, $0x38;
	[tilespmem:$0x19200] =	vst v63  }
0x6e: {  	_ =	swait.ge @p0 [sflag:s7], $0x50  }
0x6f: {  	[sflag:s7] =	ssyncset.done @p0 $0x0  }
0x70: {  	s8 =	simm.s32 @p0 $0x14000;
	[sflag:s7] =	ssyncadd.s32 @p0 $0xFFFFFFB0  }
0x71: {  	[tilespmem:s8], [sflag:$0x4] =	stream.linear.gather @p0 [hbm4b:s25+s5], $0x50, $0x38;
	[tilespmem:$0x19200] =	vst v63  }
0x72: {  	_ =	swait.ge @p0 [sflag:s7], $0x50  }
0x73: {  	s5 =	simm.s32 @p0 $0x2;
	[sflag:s7] =	ssyncset.done @p0 $0x0  }
0x74: {  	s8 =	simm.s32 @p0 $0x14200;
	[sflag:s7] =	ssyncadd.s32 @p0 $0xFFFFFFB0;
	s7 =	simm.s32 @p0 $0x50  }
0x75: {  	[tilespmem:s8], [sflag:$0x1] =	stream.indirect.gather @p0 [hbm4b:s2+s7], $0x80, s6, s7, $0xb8;
	[tilespmem:$0x19200] =	vst v63  }
0x76: {  	_ =	swait.ge @p0 [sflag:s5], $0x2800  }
0x77: {  	[sflag:s5] =	ssyncset.done @p0 $0x0  }
0x78: {  	s6 =	simm.s32 @p0 $0x16A00;
	[sflag:s5] =	ssyncadd.s32 @p0 $0xFFFFD800;
	s5 =	simm.s32 @p0 $0x14080  }
0x79: {  	[spmem:s15] =	stream.indirect.scatter.add.f32 @p0 [tilespmem:s6], [sflag:$0x3], $0x80, s5, s7, $0xb8;
	[tilespmem:$0x19200] =	vst v63  }
0x7a: {  	s8 =	simm.s32 @!p0 $0x4;
	s5 =	simm.s32 @!p0 $0x0;
	s6 =	simm.s32 @!p0 $0x14180  }
0x7b: {  	[tilespmem:s6], [sflag:$0x4] =	stream.linear.gather @!p0 [hbm4b:s26+s5], $0x50, $0x38;
	[tilespmem:$0x19200] =	vst v63  }
0x7c: {  	_ =	swait.ge @!p0 [sflag:s8], $0x50  }
0x7d: {  	[sflag:s8] =	ssyncset.done @!p0 $0x0  }
0x7e: {  	s7 =	simm.s32 @!p0 $0x14080;
	[sflag:s8] =	ssyncadd.s32 @!p0 $0xFFFFFFB0  }
0x7f: {  	[tilespmem:s7], [sflag:$0x4] =	stream.linear.gather @!p0 [hbm4b:s25+s5], $0x50, $0x38;
	[tilespmem:$0x19200] =	vst v63  }
0x80: {  	_ =	swait.ge @!p0 [sflag:s8], $0x50  }
0x81: {  	[sflag:s8] =	ssyncset.done @!p0 $0x0  }
0x82: {  	s5 =	simm.s32 @!p0 $0x50;
	s7 =	simm.s32 @!p0 $0x16A00;
	[sflag:s8] =	ssyncadd.s32 @!p0 $0xFFFFFFB0  }
0x83: {  	[tilespmem:s7], [sflag:$0x2] =	stream.indirect.gather @!p0 [hbm4b:s2+s5], $0x80, s6, s5, $0xb8;
	[tilespmem:$0x19200] =	vst v63  }
0x84: {  	s6 =	simm.s32 @!p0 $0x1  }
0x85: {  	_ =	swait.ge @!p0 [sflag:s6], $0x2800  }
0x86: {  	s14 =	simm.s32 $0x1;
	s8 =	simm.s32 @p0 $0x3;
	[sflag:s6] =	ssyncset.done @!p0 $0x0  }
0x87: {  	s7 =	simm.s32 @!p0 $0x14200;
	[sflag:s6] =	ssyncadd.s32 @!p0 $0xFFFFD800;
	s6 =	simm.s32 @!p0 $0x14000  }
0x88: {  	[spmem:s15] =	stream.indirect.scatter.add.f32 @!p0 [tilespmem:s7], [sflag:$0x4], $0x80, s6, s5, $0xb8;
	[tilespmem:$0x19200] =	vst v63  }
0x89: {  	s7 =	simm.s32 $0x2;
	s5 =	sadd.s32 $0xA, s26;
	s6 =	sand.u32 $0x1, s14  }
0x8a: {  	p0 =	seq.s32 s6, $0x1;
	_ =	swait.ge [sflag:s8], $0x2800;
	s6 =	sadd.s32 $0xA, s25  }
.LBB2_2:
0x8b: {  	s10 =	simm.s32 @p0 $0x0  }
0x8c: {  	s11 =	simm.s32 @p0 $0x14100;
	[sflag:s8] =	ssyncset.done $0x0;
	s9 =	smov.u32 s7  }
0x8d: {  	s7 =	sadd.s32 $0x1, s7;
	s12 =	simm.s32 @p0 $0x4;
	[sflag:s8] =	ssyncadd.s32 $0xFFFFD800  }
0x8e: {  	[tilespmem:s11], [sflag:$0x4] =	stream.linear.gather @p0 [hbm4b:s5+s10], $0x50, $0x38;
	[tilespmem:$0x19200] =	vst v63  }
0x8f: {  	p1 =	sne.s32 s7, $0x7C;
	_ =	swait.ge @p0 [sflag:s12], $0x50  }
0x90: {  	[sflag:s12] =	ssyncset.done @p0 $0x0  }
0x91: {  	s8 =	simm.s32 @p0 $0x14000;
	[sflag:s12] =	ssyncadd.s32 @p0 $0xFFFFFFB0  }
0x92: {  	[tilespmem:s8], [sflag:$0x4] =	stream.linear.gather @p0 [hbm4b:s6+s10], $0x50, $0x38;
	[tilespmem:$0x19200] =	vst v63  }
0x93: {  	_ =	swait.ge @p0 [sflag:s12], $0x50  }
0x94: {  	s8 =	simm.s32 @p0 $0x2;
	[sflag:s12] =	ssyncset.done @p0 $0x0  }
0x95: {  	s10 =	simm.s32 @p0 $0x50;
	[sflag:s12] =	ssyncadd.s32 @p0 $0xFFFFFFB0;
	s12 =	simm.s32 @p0 $0x14200  }
0x96: {  	[tilespmem:s12], [sflag:$0x1] =	stream.indirect.gather @p0 [hbm4b:s2+s10], $0x80, s11, s10, $0xb8;
	[tilespmem:$0x19200] =	vst v63  }
0x97: {  	_ =	swait.ge @p0 [sflag:s8], $0x2800  }
0x98: {  	[sflag:s8] =	ssyncset.done @p0 $0x0  }
0x99: {  	s11 =	simm.s32 @p0 $0x16A00;
	[sflag:s8] =	ssyncadd.s32 @p0 $0xFFFFD800;
	s8 =	simm.s32 @p0 $0x14080  }
0x9a: {  	[spmem:s15] =	stream.indirect.scatter.add.f32 @p0 [tilespmem:s11], [sflag:$0x3], $0x80, s8, s10, $0xb8;
	[tilespmem:$0x19200] =	vst v63  }
0x9b: {  	s10 =	simm.s32 @!p0 $0x0;
	s11 =	simm.s32 @!p0 $0x14180;
	s8 =	simm.s32 @!p0 $0x4  }
0x9c: {  	[tilespmem:s11], [sflag:$0x4] =	stream.linear.gather @!p0 [hbm4b:s5+s10], $0x50, $0x38;
	[tilespmem:$0x19200] =	vst v63  }
0x9d: {  	_ =	swait.ge @!p0 [sflag:s8], $0x50  }
0x9e: {  	[sflag:s8] =	ssyncset.done @!p0 $0x0  }
0x9f: {  	s12 =	simm.s32 @!p0 $0x14080;
	[sflag:s8] =	ssyncadd.s32 @!p0 $0xFFFFFFB0  }
0xa0: {  	[tilespmem:s12], [sflag:$0x4] =	stream.linear.gather @!p0 [hbm4b:s6+s10], $0x50, $0x38;
	[tilespmem:$0x19200] =	vst v63  }
0xa1: {  	_ =	swait.ge @!p0 [sflag:s8], $0x50  }
0xa2: {  	s10 =	simm.s32 @!p0 $0x1;
	[sflag:s8] =	ssyncset.done @!p0 $0x0  }
0xa3: {  	s14 =	simm.s32 @!p0 $0x16A00;
	s12 =	simm.s32 @!p0 $0x50;
	[sflag:s8] =	ssyncadd.s32 @!p0 $0xFFFFFFB0  }
0xa4: {  	[tilespmem:s14], [sflag:$0x2] =	stream.indirect.gather @!p0 [hbm4b:s2+s12], $0x80, s11, s12, $0xb8;
	[tilespmem:$0x19200] =	vst v63  }
.Ltmp0:
0xa5: {  	s5 =	sadd.s32 $0xA, s5;
	_ =	swait.ge @!p0 [sflag:s10], $0x2800;
	(pc) =	sbr.rel @p1 .LBB2_2-.Ltmp0, $4  }
0xa6: {  	s9 =	sand.u32 $0x1, s9;
	s11 =	simm.s32 @!p0 $0x14200;
	[sflag:s10] =	ssyncset.done @!p0 $0x0  }
0xa7: {  	s8 =	simm.s32 @p0 $0x3;
	[sflag:s10] =	ssyncadd.s32 @!p0 $0xFFFFD800;
	s10 =	simm.s32 @!p0 $0x14000  }
0xa8: {  	[spmem:s15] =	stream.indirect.scatter.add.f32 @!p0 [tilespmem:s11], [sflag:$0x4], $0x80, s10, s12, $0xb8;
	[tilespmem:$0x19200] =	vst v63  }
0xa9: {  	s6 =	sadd.s32 $0xA, s6;
	p0 =	seq.s32 s9, $0x1;
	_ =	swait.ge [sflag:s8], $0x2800  }
0xaa: {  	s7 =	simm.s32 @p0 $0x0;
	[sflag:s8] =	ssyncset.done $0x0  }
0xab: {  	s9 =	simm.s32 @p0 $0x14100;
	s10 =	simm.s32 @p0 $0x4;
	[sflag:s8] =	ssyncadd.s32 $0xFFFFD800  }
0xac: {  	[tilespmem:s9], [sflag:$0x4] =	stream.linear.gather @p0 [hbm4b:s5+s7], $0x50, $0x38;
	[tilespmem:$0x19200] =	vst v63  }
0xad: {  	_ =	swait.ge @p0 [sflag:s10], $0x50  }
0xae: {  	[sflag:s10] =	ssyncset.done @p0 $0x0  }
0xaf: {  	s8 =	simm.s32 @p0 $0x14000;
	[sflag:s10] =	ssyncadd.s32 @p0 $0xFFFFFFB0  }
0xb0: {  	[tilespmem:s8], [sflag:$0x4] =	stream.linear.gather @p0 [hbm4b:s6+s7], $0x50, $0x38;
	[tilespmem:$0x19200] =	vst v63  }
0xb1: {  	_ =	swait.ge @p0 [sflag:s10], $0x50  }
0xb2: {  	s7 =	simm.s32 @p0 $0x2;
	[sflag:s10] =	ssyncset.done @p0 $0x0  }
0xb3: {  	s8 =	simm.s32 @p0 $0x50;
	[sflag:s10] =	ssyncadd.s32 @p0 $0xFFFFFFB0;
	s10 =	simm.s32 @p0 $0x14200  }
0xb4: {  	[tilespmem:s10], [sflag:$0x1] =	stream.indirect.gather @p0 [hbm4b:s2+s8], $0x80, s9, s8, $0xb8;
	[tilespmem:$0x19200] =	vst v63  }
0xb5: {  	_ =	swait.ge @p0 [sflag:s7], $0x2800  }
0xb6: {  	[sflag:s7] =	ssyncset.done @p0 $0x0  }
0xb7: {  	s9 =	simm.s32 @p0 $0x16A00;
	[sflag:s7] =	ssyncadd.s32 @p0 $0xFFFFD800;
	s7 =	simm.s32 @p0 $0x14080  }
0xb8: {  	[spmem:s15] =	stream.indirect.scatter.add.f32 @p0 [tilespmem:s9], [sflag:$0x3], $0x80, s7, s8, $0xb8;
	[tilespmem:$0x19200] =	vst v63  }
0xb9: {  	s7 =	simm.s32 @!p0 $0x0;
	s8 =	simm.s32 @!p0 $0x14180;
	s9 =	simm.s32 @!p0 $0x4  }
0xba: {  	[tilespmem:s8], [sflag:$0x4] =	stream.linear.gather @!p0 [hbm4b:s5+s7], $0x50, $0x38;
	[tilespmem:$0x19200] =	vst v63  }
0xbb: {  	_ =	swait.ge @!p0 [sflag:s9], $0x50  }
0xbc: {  	[sflag:s9] =	ssyncset.done @!p0 $0x0  }
0xbd: {  	s5 =	simm.s32 @!p0 $0x14080;
	[sflag:s9] =	ssyncadd.s32 @!p0 $0xFFFFFFB0  }
0xbe: {  	[tilespmem:s5], [sflag:$0x4] =	stream.linear.gather @!p0 [hbm4b:s6+s7], $0x50, $0x38;
	[tilespmem:$0x19200] =	vst v63  }
0xbf: {  	_ =	swait.ge @!p0 [sflag:s9], $0x50  }
0xc0: {  	s5 =	simm.s32 @!p0 $0x1;
	[sflag:s9] =	ssyncset.done @!p0 $0x0  }
0xc1: {  	s6 =	simm.s32 @!p0 $0x50;
	s7 =	simm.s32 @!p0 $0x16A00;
	[sflag:s9] =	ssyncadd.s32 @!p0 $0xFFFFFFB0  }
0xc2: {  	[tilespmem:s7], [sflag:$0x2] =	stream.indirect.gather @!p0 [hbm4b:s2+s6], $0x80, s8, s6, $0xb8;
	[tilespmem:$0x19200] =	vst v63  }
0xc3: {  	_ =	swait.ge @!p0 [sflag:s5], $0x2800  }
0xc4: {  	s9 =	simm.s32 @p0 $0x3;
	[sflag:s5] =	ssyncset.done @!p0 $0x0  }
0xc5: {  	s7 =	simm.s32 @!p0 $0x14200;
	[sflag:s5] =	ssyncadd.s32 @!p0 $0xFFFFD800;
	s5 =	simm.s32 @!p0 $0x14000  }
0xc6: {  	[spmem:s15] =	stream.indirect.scatter.add.f32 @!p0 [tilespmem:s7], [sflag:$0x4], $0x80, s5, s6, $0xb8;
	[tilespmem:$0x19200] =	vst v63  }
0xc7: {  	_ =	swait.ge [sflag:s9], $0x2800  }
0xc8: {  	[sflag:s9] =	ssyncset.done $0x0  }
0xc9: {  	[sflag:s9] =	ssyncadd.s32 $0xFFFFD800  }
0xca: {  	_ =	swait.ge [sflag:s1], $0x2800  }
0xcb: {  	[sflag:s1] =	ssyncset.done $0x0  }
0xcc: {  	[sflag:s1] =	ssyncadd.s32 $0xFFFFD800  }
0xcd: {  	[spmem:s15] =	stream.indirect.scatter.add.f32 [tilespmem:s28], [sflag:$0x4], $0x80, s31, s13, $0xb8;
	[tilespmem:$0x19200] =	vst v63  }
0xce: {  	_ =	swait.ge [sflag:s3], $0x2800  }
0xcf: {  	s11 =	stileid.u32;
	[sflag:s3] =	ssyncset.done $0x0  }
0xd0: {  	s12 =	sshrl.u32 s16, $0x3;
	s4 =	sadd.s32 $0x1, s4;
	[sflag:s3] =	ssyncadd.s32 $0xFFFFD800  }
0xd1: {  	s5 =	sshll.u32 s11, $0x6;
	p0 =	sne.s32 s4, s17;
	[bflag:$0x0] =	sbarrier.arrive $0xFFFF  }
.Ltmp1:
0xd2: {  	s5 =	sor.u32 $0x1C03, s5;
	s14 =	rddreg [dreg:$0xc];
	(pc) =	sbr.rel @p0 .LBB2_1-.Ltmp1, $4  }
0xd3: {  	[hbm:s14], [sflag:s5] =	dma.local [spmem:s12], $0x2800  }
0xd4: {  	_ =	swait.ge [sflag:s29], $0x2800  }
0xd5: {  	[sflag:s29] =	ssyncset.done $0x0  }
0xd6: {  	[sflag:s29] =	ssyncadd.s32 $0xFFFFD800  }
0xd7: {  	_ =	sfence.sel $0x180000  }
0xd8: {  	[bflag:$0x0] =	sbarrier.arrive $0xFFFF  }
0xd9: {  	_ =	strace $0x9000004D  }
0xda: {  	s0 =	stileid.u32;
	[bflag:$0x2] =	sbarrier.arrive $0xFFFF  }
0xdb: {  	p0 =	sne.s32 s0, $0x0;
	s0 =	rddreg [dreg:$0x2]  }
0xdc: {  	s0 =	sadd.s32 @!p0 $0x100000, s0  }
0xdd: {  	[sflag:s0] =	ssyncadd.tile.s32 @!p0 $0x1;
	_ =	shalt  }
.Lfunc_end2:
_tile_overlayer_lowered:
.L_overlay_start_2:
0xde: {  	(tag) =	ssettag $0x2  }
0xdf: {  	s0 =	rddreg [dreg:$0x0];
	s2 =	stileid.u32  }
0xe0: {  	s1 =	rddreg [dreg:$0x1];
	p0 =	sne.s32 s2, $0x0  }
0xe1: {  	s3 =	rddreg [dreg:$0x2];
	[bflag:$0x3] =	sbarrier.arrive $0xFFFF;
	s2 =	simm.s32 @!p0 $0x1C03  }
0xe2: {  	[timem:s3], [sflag:s2] =	dma.local @!p0 [hbm:s0], s1  }
0xe3: {  	s0 =	simm.s32 @!p0 $0x3  }
0xe4: {  	_ =	swait.ge @!p0 [sflag:s0], s1  }
0xe5: {  	s1 =	ssub.s32 @!p0 $0x0, s1;
	[sflag:s0] =	ssyncset.done @!p0 $0x0  }
0xe6: {  	[sflag:s0] =	ssyncadd.s32 @!p0 s1  }
0xe7: {  	[bflag:$0x3] =	sbarrier.arrive $0xFFFF  }
0xe8: {  	_ =	shalt  }

// kernel: kernel.8.cloned.1.call-start
scs
__scs_entry_jumppad:
0x0: {  	(pc) =	sbr.rel $0x88, $3  }
0x1: {  	(tag) =	ssettag $0x0;
	lr =	simm.s32 $0x1  }
0x2: {  	[smem:$0x3F92] =	sst lr;
	_ =	strace $0xD0000000  }
0x3: {  	_ = 	snop  }
0x4: {  	_ = 	snop  }
0x5: {  	_ = 	snop  }
0x6: {  	_ = 	snop  }
0x7: {  	_ = 	snop  }
__scs_overlays_trampoline_lowered:
0x8: {  	[smem:$0x3FA1] =	sst s0  }
0x9: {  	[smem:$0x3FA2] =	sst s1  }
0xa: {  	[smem:$0x3FA3] =	sst s2  }
0xb: {  	[smem:$0x3FA4] =	sst s3  }
0xc: {  	[smem:$0x3FA5] =	sst s4  }
0xd: {  	[smem:$0x3FA6] =	sst s5  }
0xe: {  	[smem:$0x3FA7] =	sst s6  }
0xf: {  	[smem:$0x3FA8] =	sst s7  }
0x10: {  	[smem:$0x3FA9] =	sst s8  }
0x11: {  	[smem:$0x3FAA] =	sst s9;
	s0 =	simm.s32 @!p0 $0x0  }
0x12: {  	s1 =	sld [smem:$0x3F90];
	s0 =	simm.s32 @p0 $0x1  }
0x13: {  	[smem:$0x3FAB] =	sst s0;
	s0 =	simm.s32 @!p1 $0x0  }
0x14: {  	s2 =	sld [smem:$0x3F8F];
	s0 =	simm.s32 @p1 $0x1  }
0x15: {  	[smem:$0x3FAC] =	sst s0;
	s0 =	simm.s32 @!p2 $0x0  }
0x16: {  	s3 =	sld [smem:$0x3FDB];
	s0 =	simm.s32 @p2 $0x1  }
0x17: {  	s4 =	simm.s32 $0x1BF5;
	[smem:$0x3FAE] =	sst s0  }
0x18: {  	s0 =	sld [smem:$0x3F91];
	_ =	swait.ge [sflag:s4], $0x0  }
0x19: {  	s7 =	sld [smem:$0x3F92]  }
0x1a: {  	s8 =	sadd.s32 $0xFFFFE003, lr  }
0x1b: {  	s9 =	sadd.s32 $0xFFFFFEF7, lr;
	s5 =	simm.s32 $0xFFFFFFFF;
	p2 =	slt.u32 s8, $0xFFFFF086  }
0x1c: {  	p1 =	slt.u32 s9, $0xF7A;
	s5 =	simm.s32 @!p2 $0x0  }
0x1d: {  	s5 =	simm.s32 @p1 $0x1;
	p0 =	seq.s32 s7, s2  }
0x1e: {  	s7 =	smul.u32 @!p0 $0xF7A, s2;
	p2 =	seq.s32 @!p0 s5, $0x0  }
0x1f: {  	s9 =	smul.u32 $0xF7A, s1;
	s8 =	simm.s32 @!p0 $0x1BF5;
	p2 =	por !p2, p0  }
0x20: {  	[sflag:s8] =	ssyncset.s32 @!p0 $0xFFFFF086;
	s6 =	sadd.s32 @!p0 s3, s7;
	s7 =	simm.s32 @!p0 $0x108  }
0x21: {  	s3 =	sadd.s32 s3, s9;
	s6 =	sadd.s32 @!p0 $0x88, s6;
	s7 =	simm.s32 @p2 $0x1082  }
0x22: {  	[simem:s7], [sflag:s8] =	dma.local @!p0 [hbm:s6], $0xF7A  }
0x23: {  	s9 =	sor.u32 $0xD0000000, s2;
	s6 =	simm.s32 $0x108;
	_ =	swait.ge @!p0 [sflag:s8], $0x0  }
0x24: {  	s3 =	sadd.s32 $0x88, s3;
	s6 =	simm.s32 @!p1 $0x1082;
	[sflag:s4] =	ssyncset.s32 $0xFFFFF086  }
0x25: {  	[simem:s6], [sflag:s4] =	dma.local [hbm:s3], $0xF7A  }
0x26: {  	[smem:$0x3F92] =	sst s1;
	(tag) =	ssettag s2;
	_ =	strace s9  }
0x27: {  	s1 =	sld [smem:$0x3FA2]  }
0x28: {  	s2 =	sld [smem:$0x3FA3]  }
0x29: {  	s4 =	sld [smem:$0x3FA5]  }
0x2a: {  	p0 =	seq.s32 s5, $0x0;
	s5 =	sld [smem:$0x3FA6]  }
0x2b: {  	s6 =	sld [smem:$0x3FA7]  }
0x2c: {  	s7 =	sld [smem:$0x3FA8]  }
0x2d: {  	s3 =	simm.s32 $0x108;
	s8 =	sld [smem:$0x3FA9]  }
0x2e: {  	s3 =	simm.s32 @!p0 $0x1082;
	s9 =	sld [smem:$0x3FAA]  }
0x2f: {  	lr =	sadd.s32 s0, s3;
	s0 =	sld [smem:$0x3FA1]  }
0x30: {  	s3 =	sld [smem:$0x3FA4]  }
0x31: {  	[smem:$0x3FAD] =	sst s10  }
0x32: {  	s10 =	sld [smem:$0x3FAB];
	_ =	sdelay $0x3  }
0x33: {  	p0 =	seq.s32 s10, $0x1;
	s10 =	sld [smem:$0x3FAD];
	_ =	sdelay $0x3  }
0x34: {  	[smem:$0x3FAD] =	sst s10  }
0x35: {  	s10 =	sld [smem:$0x3FAC];
	_ =	sdelay $0x3  }
0x36: {  	p1 =	seq.s32 s10, $0x1;
	s10 =	sld [smem:$0x3FAD];
	_ =	sdelay $0x3  }
0x37: {  	[smem:$0x3FAD] =	sst s10  }
0x38: {  	s10 =	sld [smem:$0x3FAE]  }
0x39: {  	_ = 	snop;
	(pc) =	sbr.ind lr, $3  }
0x3a: {  	_ = 	snop  }
0x3b: {  	_ = 	snop  }
0x3c: {  	p2 =	seq.s32 s10, $0x1;
	s10 =	sld [smem:$0x3FAD]  }
0x3d: {  	_ =	shalt  }
0x3e: {  	_ =	shalt  }
0x3f: {  	_ =	shalt  }
0x40: {  	_ =	shalt  }
0x41: {  	_ =	shalt  }
0x42: {  	_ =	shalt  }
0x43: {  	_ =	shalt  }
0x44: {  	_ =	shalt  }
0x45: {  	_ =	shalt  }
0x46: {  	_ =	shalt  }
0x47: {  	_ =	shalt  }
0x48: {  	_ =	shalt  }
0x49: {  	_ =	shalt  }
0x4a: {  	_ =	shalt  }
0x4b: {  	_ =	shalt  }
0x4c: {  	_ =	shalt  }
0x4d: {  	_ =	shalt  }
0x4e: {  	_ =	shalt  }
0x4f: {  	_ =	shalt  }
0x50: {  	_ =	shalt  }
0x51: {  	_ =	shalt  }
0x52: {  	_ =	shalt  }
0x53: {  	_ =	shalt  }
0x54: {  	_ =	shalt  }
0x55: {  	_ =	shalt  }
0x56: {  	_ =	shalt  }
0x57: {  	_ =	shalt  }
0x58: {  	_ =	shalt  }
0x59: {  	_ =	shalt  }
0x5a: {  	_ =	shalt  }
0x5b: {  	_ =	shalt  }
0x5c: {  	_ =	shalt  }
0x5d: {  	_ =	shalt  }
0x5e: {  	_ =	shalt  }
0x5f: {  	_ =	shalt  }
0x60: {  	_ =	shalt  }
0x61: {  	_ =	shalt  }
0x62: {  	_ =	shalt  }
0x63: {  	_ =	shalt  }
0x64: {  	_ =	shalt  }
0x65: {  	_ =	shalt  }
0x66: {  	_ =	shalt  }
0x67: {  	_ =	shalt  }
0x68: {  	_ =	shalt  }
0x69: {  	_ =	shalt  }
0x6a: {  	_ =	shalt  }
0x6b: {  	_ =	shalt  }
0x6c: {  	_ =	shalt  }
0x6d: {  	_ =	shalt  }
0x6e: {  	_ =	shalt  }
0x6f: {  	_ =	shalt  }
0x70: {  	_ =	shalt  }
0x71: {  	_ =	shalt  }
0x72: {  	_ =	shalt  }
0x73: {  	_ =	shalt  }
0x74: {  	_ =	shalt  }
0x75: {  	_ =	shalt  }
0x76: {  	_ =	shalt  }
0x77: {  	_ =	shalt  }
0x78: {  	_ =	shalt  }
0x79: {  	_ =	shalt  }
0x7a: {  	_ =	shalt  }
0x7b: {  	_ =	shalt  }
0x7c: {  	_ =	shalt  }
0x7d: {  	_ =	shalt  }
0x7e: {  	_ =	shalt  }
0x7f: {  	_ =	shalt  }
0x80: {  	_ =	shalt  }
0x81: {  	_ =	shalt  }
0x82: {  	_ =	shalt  }
0x83: {  	_ =	shalt  }
0x84: {  	_ =	shalt  }
0x85: {  	_ =	shalt  }
0x86: {  	_ =	shalt  }
0x87: {  	_ =	shalt  }
.Lfunc_end0:
.L_simem_size_0:
called_computation_lowered:
.L_overlay_start_0:
0x88: {  	s2 =	sld [smem:$0x3FD9]  }
0x89: {  	s3 =	sld [smem:$0x3FFE];
	_ =	sdelay $0x1  }
0x8a: {  	s1 =	srdreg.scid  }
0x8b: {  	s0 =	sand.u32 $0x1, s1  }
0x8c: {  	s17 =	sshll.u32 s0, $0xA;
	s2 =	sadd.s32 s3, s2  }
0x8d: {  	s2 =	sadd.s32 s2, s17  }
0x8e: {  	[smem:$0x3FB9] =	sst s2  }
0x8f: {  	_ = 	snop  }
0x90: {  	(tm) =	ssettm $0x1  }
0x91: {  	s18 =	sld [smem:$0x3FFB];
	_ =	sdelay $0x3  }
0x92: {  	_ =	strace s18  }
0x93: {  	s2 =	sld [smem:$0x3FFC];
	_ =	sdelay $0x3  }
0x94: {  	_ =	strace s2  }
0x95: {  	s2 =	sld [smem:$0x3FFD];
	_ =	sdelay $0x3  }
0x96: {  	_ =	strace s2  }
0x97: {  	_ =	strace $0x8FFFFFFF  }
0x98: {  	s19 =	sld [smem:$0x3FDB];
	_ =	sdelay $0x1  }
0x99: {  	s20 =	simm.s32 $_scs_section_size  }
0x9a: {  	s4 =	simm.s32 $_size__tile_overlayer_lowered;
	s5 =	simm.s32 $_tile_overlayer_lowered  }
0x9b: {  	s6 =	simm.s32 $0x1BFF;
	s21 =	sshll.u32 s5, $0x1;
	s3 =	sadd.s32 s20, s19  }
0x9c: {  	s22 =	simm.s32 $0x0;
	s4 =	sshll.u32 s4, $0x1;
	s5 =	sadd.s32 s21, s3  }
0x9d: {  	[timem:s22], [sflag:s6] =	dma.local [hbm:s5], s4  }
0x9e: {  	_ =	swait.ge [sflag:s6], s4  }
0x9f: {  	s4 =	ssub.s32 $0x0, s4;
	[sflag:s6] =	ssyncset.done $0x0  }
0xa0: {  	[sflag:s6] =	ssyncadd.s32 s4;
	_ =	sdelay $0x1  }
0xa1: {  	s23 =	simm.s32 $0x1B8B  }
0xa2: {  	_ =	swait.ge [sflag:s23], $0x1  }
0xa3: {  	[sflag:s23] =	ssyncset.done $0x0  }
0xa4: {  	[sflag:s23] =	ssyncadd.s32 $0xFFFFFFFF  }
0xa5: {  	s4 =	sld [smem:$0x0]  }
0xa6: {  	s5 =	sand.u32 $0xFFFFFFFE, s1  }
0xa7: {  	p0 =	sne.s32 s1, s5  }
0xa8: {  	s5 =	sshll.u32 @p0 s5, $0xE  }
0xa9: {  	s5 =	sadd.s32 @p0 $0x11B8D, s5;
	s6 =	sshll.u32 @p0 s4, $0x11  }
0xaa: {  	s5 =	sor.u32 @p0 s6, s5  }
0xab: {  	[sflag:s5] =	ssyncadd.remote.s32 @p0 $0x1;
	_ =	sdelay $0x1  }
0xac: {  	s5 =	simm.s32 @p0 $0x1B8D  }
0xad: {  	_ =	swait.eq @p0 [sflag:s5], $0x1  }
0xae: {  	[sflag:s5] =	ssyncadd.s32 @p0 $0xFFFFFFFF  }
0xaf: {  	s6 =	sshll.u32 @!p0 s1, $0xE  }
0xb0: {  	s6 =	sor.u32 @!p0 $0x4000, s6;
	s5 =	simm.s32 @!p0 $0x1B8D  }
0xb1: {  	s4 =	sshll.u32 @!p0 s4, $0x11;
	s6 =	sadd.s32 @!p0 $0x11B8D, s6;
	_ =	swait.eq @!p0 [sflag:s5], $0x1  }
0xb2: {  	s4 =	sor.u32 @!p0 s4, s6;
	[sflag:s5] =	ssyncadd.s32 @!p0 $0xFFFFFFFF  }
0xb3: {  	s25 =	simm.s32 $0x1B8E;
	s24 =	sld [smem:$0x3FFE];
	[sflag:s4] =	ssyncadd.remote.s32 @!p0 $0x1  }
0xb4: {  	s26 =	simm.s32 $execute0_lowered;
	[smem:$0x3FD2] =	sst s25  }
0xb5: {  	s5 =	sshll.u32 s26, $0x1;
	_ =	strace $0x80000049;
	[dreg:$0x1] =	wrdreg $0xFFFFFFFF  }
0xb6: {  	s28 =	simm.s32 $_size_execute0_lowered;
	s3 =	sadd.s32 s3, s5;
	[dreg:$0x0] =	wrdreg $0x0  }
0xb7: {  	s5 =	sshll.u32 s28, $0x1;
	[dreg:$0x2] =	wrdreg s3  }
0xb8: {  	[dreg:$0x3] =	wrdreg s5  }
0xb9: {  	[dreg:$0x4] =	wrdreg $0xC0  }
0xba: {  	_ =	task [dreg:s22], $0x5FFFF  }
0xbb: {  	[dreg:$0x1] =	wrdreg $0xFFFFFFFF  }
0xbc: {  	[dreg:$0x0] =	wrdreg $0x60  }
0xbd: {  	[dreg:$0x2] =	wrdreg s24  }
0xbe: {  	[dreg:$0x3] =	wrdreg $0x0  }
0xbf: {  	[dreg:$0x4] =	wrdreg $0x9  }
0xc0: {  	_ =	task.clear_ibuf [dreg:s22], $0x5FFFF;
	_ =	strace $0x90000049  }
0xc1: {  	s29 =	simm.s32 $0x9;
	_ =	strace $0x8000004B  }
0xc2: {  	_ =	swait.ge [sflag:s29], $0x1  }
0xc3: {  	[sflag:s29] =	ssyncadd.s32 $0xFFFFFFFF  }
0xc4: {  	_ =	strace $0x9000004B  }
0xc5: {  	_ =	sfence  }
0xc6: {  	s30 =	sld [smem:$0x0];
	_ =	sdelay $0x2  }
0xc7: {  	s31 =	sshll.u32 s1, $0xD;
	s1 =	sshrl.u32 s1, $0x2  }
0xc8: {  	s4 =	sand.u32 $0x4000, s31;
	s1 =	sadd.s32 s1, s30  }
0xc9: {  	s0 =	sor.u32 s4, s0;
	s1 =	sshll.u32 s1, $0x11  }
0xca: {  	s0 =	sor.u32 s1, s0  }
0xcb: {  	s0 =	sadd.s32 $0x8F2B, s0  }
0xcc: {  	[sflag:s0] =	ssyncadd.remote.s32 $0x1  }
0xcd: {  	_ =	sfence.sel $0xFFFF  }
0xce: {  	[dreg:$0x0] =	wrdreg $0xFFFFFFFF;
	(pc) =	sbr.abs _section_cstart, $3  }
0xcf: {  	[dreg:$0x1] =	wrdreg $0xFFFFFFFF  }
0xd0: {  	_ =	task.clear_ibuf [dreg:s22], $0x2FFFF;
	_ =	strace $0x9FFFFFFF  }
0xd1: {  	(tm) =	ssettm $0x7FFFFFFF  }
tec
execute0_lowered:
.L_overlay_start_1:
0x0: {  	(tag) =	ssettag $0x1  }
0x1: {  	s6 =	rddreg [dreg:$0x0]  }
0x2: {  	s2 =	rddreg [dreg:$0x1]  }
0x3: {  	s0 =	srdreg.scid;
	s1 =	rddreg [dreg:$0x2];
	s3 =	simm.s32 $0x0  }
0x4: {  	s11 =	simm.s32 $0xFD000;
	s12 =	simm.s32 $0x14000;
	s5 =	sand.u32 $0x1, s0  }
0x5: {  	s13 =	simm.s32 $0x28;
	s0 =	stileid.u32;
	s4 =	smul.u32 $0x13880, s5  }
0x6: {  	s16 =	simm.s32 $0x0;
	[smem:$0x7FF] =	sst s3;
	s7 =	smul.u32 $0x1388, s0  }
0x7: {  	_ =	strace $0x8000004A;
	s30 =	ssub.s32 $0x2, s5;
	s10 =	smul.u32 $0x50000, s0  }
0x8: {  	p0 =	seq.s32 s5, $0x1;
	s31 =	smul.u32 $0x2800, s0;
	s5 =	sadd.s32 $0xD4C80, s6  }
0x9: {  	s14 =	sshll.u32 s0, $0x6;
	s8 =	sshrl.u32 s30, $0x1;
	s11 =	simm.s32 @!p0 $0xD5000  }
0xa: {  	s14 =	sor.u32 $0x1C01, s14;
	s4 =	sadd.s32 s7, s4;
	s7 =	ssub.s32 s30, s8  }
0xb: {  	s10 =	sshrl.u32 s10, $0x2;
	s11 =	sadd.s32 s11, s6;
	s4 =	sshrl.u32 s4, $0x3  }
0xc: {  	s7 =	smax.u32 s7, $0x1;
	s8 =	sadd.s32 s11, s31;
	s11 =	simm.s32 $0x1  }
0xd: {  	s9 =	sadd.s32 s4, s6;
	s4 =	sadd.s32 $0xD4A00, s6;
	s6 =	sadd.s32 s10, s2  }
0xe: {  	s10 =	simm.s32 $0x14080;
	s9 =	sadd.s32 $0x4600, s9;
	s15 =	sshrl.u32 s6, $0x3  }
.LBB2_1:
0xf: {  	[tilespmem:s10], [sflag:$0x1] =	stream.linear.gather [hbm4b:s5+s3], $0x1400, $0x38;
	[tilespmem:$0x15480] =	vst v63  }
0x10: {  	_ =	swait.ge [sflag:s11], $0x1400  }
0x11: {  	[sflag:s11] =	ssyncset.done $0x0  }
0x12: {  	s17 =	sadd.s32 $0x0, s6;
	[sflag:s11] =	ssyncadd.s32 $0xFFFFEC00  }
0x13: {  	[spmem:s17] =	stream.linear.scatter [tilespmem:s10], [sflag:$0x1], $0x1400, $0x38;
	[tilespmem:$0x15480] =	vst v63  }
0x14: {  	_ =	swait.ge [sflag:s11], $0x1400  }
0x15: {  	s17 =	simm.s32 $0x5000;
	[sflag:s11] =	ssyncset.done $0x0  }
.LBB2_2:
0x16: {  	p0 =	sne.s32 s17, $0x4B000  }
0x17: {  	[sflag:s11] =	ssyncadd.s32 $0xFFFFEC00;
	s18 =	smov.u32 s17;
	s17 =	sadd.s32 $0x5000, s17  }
0x18: {  	[tilespmem:s10], [sflag:$0x1] =	stream.linear.gather [hbm4b:s5+s3], $0x1400, $0x38;
	[tilespmem:$0x15480] =	vst v63  }
0x19: {  	_ =	swait.ge [sflag:s11], $0x1400  }
.Ltmp0:
0x1a: {  	s18 =	sshra.s32 s18, $0x2;
	[sflag:s11] =	ssyncset.done $0x0;
	(pc) =	sbr.rel @p0 .LBB2_2-.Ltmp0, $4  }
0x1b: {  	s18 =	sadd.s32 s18, s6;
	[sflag:s11] =	ssyncadd.s32 $0xFFFFEC00  }
0x1c: {  	[spmem:s18] =	stream.linear.scatter [tilespmem:s10], [sflag:$0x1], $0x1400, $0x38;
	[tilespmem:$0x15480] =	vst v63  }
0x1d: {  	_ =	swait.ge [sflag:s11], $0x1400  }
0x1e: {  	[sflag:s11] =	ssyncset.done $0x0  }
0x1f: {  	[sflag:s11] =	ssyncadd.s32 $0xFFFFEC00;
	s17 =	simm.s32 $0x0  }
0x20: {  	[tilespmem:s10], [sflag:$0x1] =	stream.linear.gather [hbm4b:s4+s17], $0x1400, $0x38;
	[tilespmem:$0x15480] =	vst v63  }
0x21: {  	_ =	swait.ge [sflag:s11], $0x1400  }
0x22: {  	[sflag:s11] =	ssyncset.done $0x0  }
0x23: {  	[sflag:s11] =	ssyncadd.s32 $0xFFFFEC00  }
0x24: {  	s31 =	sadd.s32 $0x0, s9;
	[bflag:$0x0] =	sbarrier.arrive $0xFFFF  }
0x25: {  	[tilespmem:s12], [sflag:$0x1] =	stream.linear.gather [hbm4b:s31+s3], $0x28, $0x38;
	[tilespmem:$0x15480] =	vst v63  }
0x26: {  	_ =	swait.ge [sflag:s11], $0x28  }
0x27: {  	[sflag:s11] =	ssyncset.done $0x0  }
0x28: {  	[sflag:s11] =	ssyncadd.s32 $0xFFFFFFD8  }
0x29: {  	[spmem:s2] =	stream.indirect.scatter.add.f32 [tilespmem:s10], [sflag:$0x1], $0x80, s12, s13, $0xb8;
	[tilespmem:$0x15480] =	vst v63  }
0x2a: {  	_ =	swait.ge [sflag:s11], $0x1400  }
0x2b: {  	s18 =	simm.s32 $0xA;
	s17 =	simm.s32 $0x5;
	[sflag:s11] =	ssyncset.done $0x0  }
.LBB2_4:
0x2c: {  	s19 =	sadd.s32 s17, s9  }
0x2d: {  	[sflag:s11] =	ssyncadd.s32 $0xFFFFEC00;
	s17 =	smov.u32 s18;
	s20 =	sadd.s32 $0x5, s18  }
0x2e: {  	[tilespmem:s12], [sflag:$0x1] =	stream.linear.gather [hbm4b:s19+s3], $0x28, $0x38;
	[tilespmem:$0x15480] =	vst v63  }
0x2f: {  	p0 =	sne.s32 s18, $0x26C;
	_ =	swait.ge [sflag:s11], $0x28  }
.Ltmp1:
0x30: {  	[sflag:s11] =	ssyncset.done $0x0;
	(pc) =	sbr.rel @p0 .LBB2_4-.Ltmp1, $4  }
0x31: {  	[sflag:s11] =	ssyncadd.s32 $0xFFFFFFD8  }
0x32: {  	[spmem:s2] =	stream.indirect.scatter.add.f32 [tilespmem:s10], [sflag:$0x1], $0x80, s12, s13, $0xb8;
	[tilespmem:$0x15480] =	vst v63  }
0x33: {  	_ =	swait.ge [sflag:s11], $0x1400  }
0x34: {  	s18 =	smov.u32 s20;
	[sflag:s11] =	ssyncset.done $0x0  }
0x35: {  	s17 =	sadd.s32 s17, s9;
	[sflag:s11] =	ssyncadd.s32 $0xFFFFEC00  }
0x36: {  	[tilespmem:s12], [sflag:$0x1] =	stream.linear.gather [hbm4b:s17+s3], $0x28, $0x38;
	[tilespmem:$0x15480] =	vst v63  }
0x37: {  	_ =	swait.ge [sflag:s11], $0x28  }
0x38: {  	[sflag:s11] =	ssyncset.done $0x0  }
0x39: {  	[sflag:s11] =	ssyncadd.s32 $0xFFFFFFD8  }
0x3a: {  	[spmem:s2] =	stream.indirect.scatter.add.f32 [tilespmem:s10], [sflag:$0x1], $0x80, s12, s13, $0xb8;
	[tilespmem:$0x15480] =	vst v63  }
0x3b: {  	_ =	swait.ge [sflag:s11], $0x1400  }
0x3c: {  	s16 =	sadd.s32 $0x1, s16;
	[sflag:s11] =	ssyncset.done $0x0  }
0x3d: {  	p0 =	sne.s32 s16, s7;
	[sflag:s11] =	ssyncadd.s32 $0xFFFFEC00  }
.Ltmp2:
0x3e: {  	[bflag:$0x0] =	sbarrier.arrive $0xFFFF;
	(pc) =	sbr.rel @p0 .LBB2_1-.Ltmp2, $4  }
0x3f: {  	[hbm:s8], [sflag:s14] =	dma.local [spmem:s15], $0x2800  }
0x40: {  	_ =	swait.ge [sflag:s11], $0x2800  }
0x41: {  	[sflag:s11] =	ssyncset.done $0x0  }
0x42: {  	[sflag:s11] =	ssyncadd.s32 $0xFFFFD800  }
0x43: {  	_ =	sfence.sel $0x180000  }
0x44: {  	[bflag:$0x0] =	sbarrier.arrive $0xFFFF  }
0x45: {  	p0 =	sne.s32 s0, $0x0;
	_ =	strace $0x9000004A  }
0x46: {  	s0 =	sadd.s32 @!p0 $0x100000, s1;
	[bflag:$0x2] =	sbarrier.arrive $0xFFFF  }
0x47: {  	[sflag:s0] =	ssyncadd.tile.s32 @!p0 $0x1;
	_ =	shalt  }
.Lfunc_end2:
_tile_overlayer_lowered:
.L_overlay_start_2:
0x48: {  	(tag) =	ssettag $0x2  }
0x49: {  	s0 =	rddreg [dreg:$0x0];
	s2 =	stileid.u32  }
0x4a: {  	s1 =	rddreg [dreg:$0x1];
	p0 =	sne.s32 s2, $0x0  }
0x4b: {  	s3 =	rddreg [dreg:$0x2];
	[bflag:$0x3] =	sbarrier.arrive $0xFFFF;
	s2 =	simm.s32 @!p0 $0x1C01  }
0x4c: {  	[timem:s3], [sflag:s2] =	dma.local @!p0 [hbm:s0], s1  }
0x4d: {  	s0 =	simm.s32 @!p0 $0x1  }
0x4e: {  	_ =	swait.ge @!p0 [sflag:s0], s1  }
0x4f: {  	s1 =	ssub.s32 @!p0 $0x0, s1;
	[sflag:s0] =	ssyncset.done @!p0 $0x0  }
0x50: {  	[sflag:s0] =	ssyncadd.s32 @!p0 s1  }
0x51: {  	[bflag:$0x3] =	sbarrier.arrive $0xFFFF  }
0x52: {  	_ =	shalt  }

</sc_bundles>
